<compile_context>
chip_gen: v7x
topology: tpu7x:2x2x1
jax: 0.10.2.dev20260603
libtpu: 0.0.44.dev20260713+nightly
codegen_flags: <defaults>
</compile_context>

<pallas_src>
import functools

import jax
import jax.numpy as jnp
from jax import lax
from jax.experimental import pallas as pl
from jax.experimental.pallas import tpu as pltpu
from jax.experimental.pallas import tpu_sc as plsc

V = 1000000
D = 32
B = 16384

_info = plsc.get_sparse_core_info()
_NC, _NS = _info.num_cores, _info.num_subcores
_NW = _NC * _NS
_BPW = B // _NW
_NB = 16
_NG = _BPW // _NB

_mesh = plsc.VectorSubcoreMesh(core_axis_name="c", subcore_axis_name="s")


@functools.partial(
    pl.kernel,
    mesh=_mesh,
    out_type=[
        jax.ShapeDtypeStruct((B, D), jnp.float32),
        jax.ShapeDtypeStruct((B, D), jnp.float32),
        jax.ShapeDtypeStruct((B, D), jnp.float32),
    ],
    scratch_types=[
        pltpu.VMEM((1, _BPW), jnp.int32),
        pltpu.SMEM((1, _BPW), jnp.int32),
        pltpu.VMEM((_BPW, D), jnp.float32),
        pltpu.SemaphoreType.DMA,
    ],
    compiler_params=pltpu.CompilerParams(needs_layout_passes=False),
)
def _gather3(idx_hbm, wh_hbm, wd_hbm, ww_hbm, oh_hbm, od_hbm, ow_hbm,
             idx_v, idx_s, rows, sem):
    wid = lax.axis_index("s") * _NC + lax.axis_index("c")
    base = wid * _BPW
    pltpu.sync_copy(idx_hbm.at[wid], idx_v)
    tabs = (wh_hbm, wd_hbm, ww_hbm)
    outs = (oh_hbm, od_hbm, ow_hbm)

    def extract(g, _):
        vec = idx_v[0, pl.ds(g * _NB, _NB)]
        for l in range(_NB):
            idx_s[0, g * _NB + l] = vec[l]
        return 0

    lax.fori_loop(0, _NG, extract, 0)

    for t in range(3):
        tab = tabs[t]

        def fire(g, _):
            gb = g * _NB
            for l in range(_NB):
                rid = idx_s[0, gb + l]
                pltpu.async_copy(tab.at[pl.ds(rid, 1)],
                                 rows.at[pl.ds(gb + l, 1)], sem)
            return 0

        def drain(g, _):
            for l in range(_NB):
                pltpu.make_async_copy(tab.at[pl.ds(0, 1)],
                                      rows.at[pl.ds(0, 1)], sem).wait()
            return 0

        lax.fori_loop(0, _NG, fire, 0)
        lax.fori_loop(0, _NG, drain, 0)
        pltpu.sync_copy(rows, outs[t].at[pl.ds(base, _BPW)])


def kernel(index, W_hour, W_day, W_week):
    idx = index.astype(jnp.int32).reshape(_NW, 1, _BPW)
    out = _gather3(idx, W_hour, W_day, W_week)
    return tuple(out)

# --- scband reference (transcript-rebuilt; emitter-appended) ---
"""Pipeline reference for scband-temporal-embedding-5179730559597 (READ-ONLY COPY).

The authoritative reference and input builder live on the scoring server;
editing this copy changes nothing except your own understanding.
"""

import jax, jax.numpy as jnp
import numpy as np

V = 1000000  # num_time_identifier
D = 32       # embedding_dim (global.dim)
B = 16384    # batch of time indices
KEYS = ("hour", "day", "week")


def _xavier_uniform(key, shape):
    fan_in, fan_out = shape[0], shape[1]
    bound = np.sqrt(6.0 / (fan_in + fan_out))
    return jax.random.uniform(key, shape, minval=-bound, maxval=bound, dtype=jnp.float32)


def setup_inputs(seed: int = 0) -> dict:
    key = jax.random.key(seed)
    k_idx, k_h, k_d, k_w = jax.random.split(key, 4)
    index = jax.random.randint(k_idx, (B,), 0, V)
    W_hour = _xavier_uniform(k_h, (V, D))
    W_day = _xavier_uniform(k_d, (V, D))
    W_week = _xavier_uniform(k_w, (V, D))
    return {"index": index, "W_hour": W_hour, "W_day": W_day, "W_week": W_week}


def reference(index, W_hour, W_day, W_week):
    # TemporalEmbedding.__call__: {k: Embedding_k(index) for k in temporal keys}
    # Each nn.Embedding(index) is a row-gather from its table.
    out_hour = jnp.take(W_hour, index, axis=0)
    out_day = jnp.take(W_day, index, axis=0)
    out_week = jnp.take(W_week, index, axis=0)
    # dict in torch; return as tuple ordered by KEYS for array outputs
    return (out_hour, out_day, out_week)

if __name__ == "__main__":
    import jax
    _d = setup_inputs()
    print(jax.jit(kernel)(*tuple(_d.values())))

</pallas_src>

<mosaic_0001>
#map = affine_map<(d0, d1) -> (0, 0, 0)>
#map1 = affine_map<(d0, d1) -> (0, 0)>
module attributes {stable_mosaic.version = 14 : i64} {
  func.func @_gather3(%arg0: i32, %arg1: i32, %arg2: memref<32x1x512xi32, #tpu.memory_space<hbm>>, %arg3: memref<1000000x32xf32, #tpu.memory_space<hbm>>, %arg4: memref<1000000x32xf32, #tpu.memory_space<hbm>>, %arg5: memref<1000000x32xf32, #tpu.memory_space<hbm>>, %arg6: memref<16384x32xf32, #tpu.memory_space<hbm>>, %arg7: memref<16384x32xf32, #tpu.memory_space<hbm>>, %arg8: memref<16384x32xf32, #tpu.memory_space<hbm>>, %arg9: memref<1x512xi32, #tpu.memory_space<vmem>>, %arg10: memref<1x512xi32, #tpu.memory_space<smem>>, %arg11: memref<512x32xf32, #tpu.memory_space<vmem>>, %arg12: memref<!tpu.dma_semaphore, #tpu.memory_space<semaphore_mem>>) attributes {dimension_semantics = [#tpu.dimension_semantics<core_parallel>, #tpu.dimension_semantics<subcore_parallel>], iteration_bounds = array<i64: 2, 16>, scalar_prefetch = 0 : i64, scratch_operands = 4 : i64, tpu.core_type = #tpu.core_type<sc_vector_subcore>, window_params = [{transform_indices = #map}, {transform_indices = #map1}, {transform_indices = #map1}, {transform_indices = #map1}, {transform_indices = #map1}, {transform_indices = #map1}, {transform_indices = #map1}]} {
    %mul3A = arith.constant 2 : i32
    %mul3A_0 = arith.muli %arg1, %mul3A : i32
    %add3A = arith.addi %mul3A_0, %arg0 : i32
    %mul3A_1 = arith.constant 512 : i32
    %mul3A_2 = arith.muli %add3A, %mul3A_1 : i32
    "tpu.region"() ({
      %run_scoped3A = tpu.sem_alloc : memref<!tpu.dma_semaphore, #tpu.memory_space<semaphore_mem>>
      %dma_start3A = arith.constant 0 : i32
      %dma_start3A_51 = arith.constant 0 : i32
      %dma_start3A_52 = tpu.memref_slice %arg2[%add3A, %dma_start3A, %dma_start3A_51] : memref<32x1x512xi32, #tpu.memory_space<hbm>> -> memref<1x1x512xi32, #tpu.memory_space<hbm>>
      %dma_start3A_53 = tpu.memref_squeeze %dma_start3A_52 : memref<1x1x512xi32, #tpu.memory_space<hbm>> -> memref<1x512xi32, #tpu.memory_space<hbm>>
      %dma_start3A_54 = arith.constant 0 : i32
      %dma_start3A_55 = arith.constant 0 : i32
      %dma_start3A_56 = tpu.memref_slice %arg2[%add3A, %dma_start3A_54, %dma_start3A_55] : memref<32x1x512xi32, #tpu.memory_space<hbm>> -> memref<1x1x512xi32, #tpu.memory_space<hbm>>
      %dma_start3A_57 = tpu.memref_squeeze %dma_start3A_56 : memref<1x1x512xi32, #tpu.memory_space<hbm>> -> memref<1x512xi32, #tpu.memory_space<hbm>>
      tpu.enqueue_dma source(%dma_start3A_57 : memref<1x512xi32, #tpu.memory_space<hbm>>) target(%arg9 : memref<1x512xi32, #tpu.memory_space<vmem>>) target_semaphore(%run_scoped3A : memref<!tpu.dma_semaphore, #tpu.memory_space<semaphore_mem>>)
      %dma_wait3A = arith.constant 0 : i32
      %dma_wait3A_58 = arith.constant 0 : i32
      %dma_wait3A_59 = tpu.memref_slice %arg2[%add3A, %dma_wait3A, %dma_wait3A_58] : memref<32x1x512xi32, #tpu.memory_space<hbm>> -> memref<1x1x512xi32, #tpu.memory_space<hbm>>
      %dma_wait3A_60 = tpu.memref_squeeze %dma_wait3A_59 : memref<1x1x512xi32, #tpu.memory_space<hbm>> -> memref<1x512xi32, #tpu.memory_space<hbm>>
      %dma_wait3A_61 = arith.constant 0 : i32
      %dma_wait3A_62 = arith.constant 0 : i32
      %dma_wait3A_63 = tpu.memref_slice %arg2[%add3A, %dma_wait3A_61, %dma_wait3A_62] : memref<32x1x512xi32, #tpu.memory_space<hbm>> -> memref<1x1x512xi32, #tpu.memory_space<hbm>>
      %dma_wait3A_64 = tpu.memref_squeeze %dma_wait3A_63 : memref<1x1x512xi32, #tpu.memory_space<hbm>> -> memref<1x512xi32, #tpu.memory_space<hbm>>
      tpu.wait_dma2 semaphore(%run_scoped3A : memref<!tpu.dma_semaphore, #tpu.memory_space<semaphore_mem>>) src(%dma_wait3A_64 : memref<1x512xi32, #tpu.memory_space<hbm>>) dst(%arg9 : memref<1x512xi32, #tpu.memory_space<vmem>>)
      tpu.yield
    }) : () -> ()
    %scan3A = arith.constant 0 : i32
    %scan3A_3 = arith.constant 0 : i32
    %scan3A_4 = arith.constant 32 : i32
    %scan3A_5 = arith.addi %scan3A_3, %scan3A_4 : i32
    %scan3A_6 = arith.constant 1 : i32
    %scan3A_7 = scf.for %scan3A_51 = %scan3A_3 to %scan3A_5 step %scan3A_6 iter_args(%scan3A_52 = %scan3A) -> (i32)  : i32 {
      %mul3A_53 = arith.constant 16 : i32
      %mul3A_54 = arith.muli %scan3A_51, %mul3A_53 : i32
      %get3A = arith.constant 0 : i32
      %get3A_55 = arith.index_cast %get3A : i32 to index
      %get3A_56 = arith.index_cast %mul3A_54 : i32 to index
      %get3A_57 = tpu.vector_load %arg9[%get3A_55, %get3A_56] {strides = array<i32>} : memref<1x512xi32, #tpu.memory_space<vmem>>, vector<16xi32>,
      %slice3A = vector.extract_strided_slice %get3A_57 {offsets = [0], sizes = [1], strides = [1]} : vector<16xi32> to vector<1xi32>
      %squeeze3A = vector.extract %slice3A[0] : i32 from vector<1xi32>
      %mul3A_58 = arith.constant 16 : i32
      %mul3A_59 = arith.muli %scan3A_51, %mul3A_58 : i32
      %add3A_60 = arith.constant 0 : i32
      %add3A_61 = arith.addi %mul3A_59, %add3A_60 : i32
      %swap3A = arith.constant 0 : i32
      %swap3A_62 = arith.index_cast %swap3A : i32 to index
      %swap3A_63 = arith.index_cast %add3A_61 : i32 to index
      %swap3A_64 = memref.load %arg10[%swap3A_62, %swap3A_63] : memref<1x512xi32, #tpu.memory_space<smem>>
      memref.store %squeeze3A, %arg10[%swap3A_62, %swap3A_63] : memref<1x512xi32, #tpu.memory_space<smem>>
      %slice3A_65 = vector.extract_strided_slice %get3A_57 {offsets = [1], sizes = [1], strides = [1]} : vector<16xi32> to vector<1xi32>
      %squeeze3A_66 = vector.extract %slice3A_65[0] : i32 from vector<1xi32>
      %mul3A_67 = arith.constant 16 : i32
      %mul3A_68 = arith.muli %scan3A_51, %mul3A_67 : i32
      %add3A_69 = arith.constant 1 : i32
      %add3A_70 = arith.addi %mul3A_68, %add3A_69 : i32
      %swap3A_71 = arith.constant 0 : i32
      %swap3A_72 = arith.index_cast %swap3A_71 : i32 to index
      %swap3A_73 = arith.index_cast %add3A_70 : i32 to index
      %swap3A_74 = memref.load %arg10[%swap3A_72, %swap3A_73] : memref<1x512xi32, #tpu.memory_space<smem>>
      memref.store %squeeze3A_66, %arg10[%swap3A_72, %swap3A_73] : memref<1x512xi32, #tpu.memory_space<smem>>
      %slice3A_75 = vector.extract_strided_slice %get3A_57 {offsets = [2], sizes = [1], strides = [1]} : vector<16xi32> to vector<1xi32>
      %squeeze3A_76 = vector.extract %slice3A_75[0] : i32 from vector<1xi32>
      %mul3A_77 = arith.constant 16 : i32
      %mul3A_78 = arith.muli %scan3A_51, %mul3A_77 : i32
      %add3A_79 = arith.constant 2 : i32
      %add3A_80 = arith.addi %mul3A_78, %add3A_79 : i32
      %swap3A_81 = arith.constant 0 : i32
      %swap3A_82 = arith.index_cast %swap3A_81 : i32 to index
      %swap3A_83 = arith.index_cast %add3A_80 : i32 to index
      %swap3A_84 = memref.load %arg10[%swap3A_82, %swap3A_83] : memref<1x512xi32, #tpu.memory_space<smem>>
      memref.store %squeeze3A_76, %arg10[%swap3A_82, %swap3A_83] : memref<1x512xi32, #tpu.memory_space<smem>>
      %slice3A_85 = vector.extract_strided_slice %get3A_57 {offsets = [3], sizes = [1], strides = [1]} : vector<16xi32> to vector<1xi32>
      %squeeze3A_86 = vector.extract %slice3A_85[0] : i32 from vector<1xi32>
      %mul3A_87 = arith.constant 16 : i32
      %mul3A_88 = arith.muli %scan3A_51, %mul3A_87 : i32
      %add3A_89 = arith.constant 3 : i32
      %add3A_90 = arith.addi %mul3A_88, %add3A_89 : i32
      %swap3A_91 = arith.constant 0 : i32
      %swap3A_92 = arith.index_cast %swap3A_91 : i32 to index
      %swap3A_93 = arith.index_cast %add3A_90 : i32 to index
      %swap3A_94 = memref.load %arg10[%swap3A_92, %swap3A_93] : memref<1x512xi32, #tpu.memory_space<smem>>
      memref.store %squeeze3A_86, %arg10[%swap3A_92, %swap3A_93] : memref<1x512xi32, #tpu.memory_space<smem>>
      %slice3A_95 = vector.extract_strided_slice %get3A_57 {offsets = [4], sizes = [1], strides = [1]} : vector<16xi32> to vector<1xi32>
      %squeeze3A_96 = vector.extract %slice3A_95[0] : i32 from vector<1xi32>
      %mul3A_97 = arith.constant 16 : i32
      %mul3A_98 = arith.muli %scan3A_51, %mul3A_97 : i32
      %add3A_99 = arith.constant 4 : i32
      %add3A_100 = arith.addi %mul3A_98, %add3A_99 : i32
      %swap3A_101 = arith.constant 0 : i32
      %swap3A_102 = arith.index_cast %swap3A_101 : i32 to index
      %swap3A_103 = arith.index_cast %add3A_100 : i32 to index
      %swap3A_104 = memref.load %arg10[%swap3A_102, %swap3A_103] : memref<1x512xi32, #tpu.memory_space<smem>>
      memref.store %squeeze3A_96, %arg10[%swap3A_102, %swap3A_103] : memref<1x512xi32, #tpu.memory_space<smem>>
      %slice3A_105 = vector.extract_strided_slice %get3A_57 {offsets = [5], sizes = [1], strides = [1]} : vector<16xi32> to vector<1xi32>
      %squeeze3A_106 = vector.extract %slice3A_105[0] : i32 from vector<1xi32>
      %mul3A_107 = arith.constant 16 : i32
      %mul3A_108 = arith.muli %scan3A_51, %mul3A_107 : i32
      %add3A_109 = arith.constant 5 : i32
      %add3A_110 = arith.addi %mul3A_108, %add3A_109 : i32
      %swap3A_111 = arith.constant 0 : i32
      %swap3A_112 = arith.index_cast %swap3A_111 : i32 to index
      %swap3A_113 = arith.index_cast %add3A_110 : i32 to index
      %swap3A_114 = memref.load %arg10[%swap3A_112, %swap3A_113] : memref<1x512xi32, #tpu.memory_space<smem>>
      memref.store %squeeze3A_106, %arg10[%swap3A_112, %swap3A_113] : memref<1x512xi32, #tpu.memory_space<smem>>
      %slice3A_115 = vector.extract_strided_slice %get3A_57 {offsets = [6], sizes = [1], strides = [1]} : vector<16xi32> to vector<1xi32>
      %squeeze3A_116 = vector.extract %slice3A_115[0] : i32 from vector<1xi32>
      %mul3A_117 = arith.constant 16 : i32
      %mul3A_118 = arith.muli %scan3A_51, %mul3A_117 : i32
      %add3A_119 = arith.constant 6 : i32
      %add3A_120 = arith.addi %mul3A_118, %add3A_119 : i32
      %swap3A_121 = arith.constant 0 : i32
      %swap3A_122 = arith.index_cast %swap3A_121 : i32 to index
      %swap3A_123 = arith.index_cast %add3A_120 : i32 to index
      %swap3A_124 = memref.load %arg10[%swap3A_122, %swap3A_123] : memref<1x512xi32, #tpu.memory_space<smem>>
      memref.store %squeeze3A_116, %arg10[%swap3A_122, %swap3A_123] : memref<1x512xi32, #tpu.memory_space<smem>>
      %slice3A_125 = vector.extract_strided_slice %get3A_57 {offsets = [7], sizes = [1], strides = [1]} : vector<16xi32> to vector<1xi32>
      %squeeze3A_126 = vector.extract %slice3A_125[0] : i32 from vector<1xi32>
      %mul3A_127 = arith.constant 16 : i32
      %mul3A_128 = arith.muli %scan3A_51, %mul3A_127 : i32
      %add3A_129 = arith.constant 7 : i32
      %add3A_130 = arith.addi %mul3A_128, %add3A_129 : i32
      %swap3A_131 = arith.constant 0 : i32
      %swap3A_132 = arith.index_cast %swap3A_131 : i32 to index
      %swap3A_133 = arith.index_cast %add3A_130 : i32 to index
      %swap3A_134 = memref.load %arg10[%swap3A_132, %swap3A_133] : memref<1x512xi32, #tpu.memory_space<smem>>
      memref.store %squeeze3A_126, %arg10[%swap3A_132, %swap3A_133] : memref<1x512xi32, #tpu.memory_space<smem>>
      %slice3A_135 = vector.extract_strided_slice %get3A_57 {offsets = [8], sizes = [1], strides = [1]} : vector<16xi32> to vector<1xi32>
      %squeeze3A_136 = vector.extract %slice3A_135[0] : i32 from vector<1xi32>
      %mul3A_137 = arith.constant 16 : i32
      %mul3A_138 = arith.muli %scan3A_51, %mul3A_137 : i32
      %add3A_139 = arith.constant 8 : i32
      %add3A_140 = arith.addi %mul3A_138, %add3A_139 : i32
      %swap3A_141 = arith.constant 0 : i32
      %swap3A_142 = arith.index_cast %swap3A_141 : i32 to index
      %swap3A_143 = arith.index_cast %add3A_140 : i32 to index
      %swap3A_144 = memref.load %arg10[%swap3A_142, %swap3A_143] : memref<1x512xi32, #tpu.memory_space<smem>>
      memref.store %squeeze3A_136, %arg10[%swap3A_142, %swap3A_143] : memref<1x512xi32, #tpu.memory_space<smem>>
      %slice3A_145 = vector.extract_strided_slice %get3A_57 {offsets = [9], sizes = [1], strides = [1]} : vector<16xi32> to vector<1xi32>
      %squeeze3A_146 = vector.extract %slice3A_145[0] : i32 from vector<1xi32>
      %mul3A_147 = arith.constant 16 : i32
      %mul3A_148 = arith.muli %scan3A_51, %mul3A_147 : i32
      %add3A_149 = arith.constant 9 : i32
      %add3A_150 = arith.addi %mul3A_148, %add3A_149 : i32
      %swap3A_151 = arith.constant 0 : i32
      %swap3A_152 = arith.index_cast %swap3A_151 : i32 to index
      %swap3A_153 = arith.index_cast %add3A_150 : i32 to index
      %swap3A_154 = memref.load %arg10[%swap3A_152, %swap3A_153] : memref<1x512xi32, #tpu.memory_space<smem>>
      memref.store %squeeze3A_146, %arg10[%swap3A_152, %swap3A_153] : memref<1x512xi32, #tpu.memory_space<smem>>
      %slice3A_155 = vector.extract_strided_slice %get3A_57 {offsets = [10], sizes = [1], strides = [1]} : vector<16xi32> to vector<1xi32>
      %squeeze3A_156 = vector.extract %slice3A_155[0] : i32 from vector<1xi32>
      %mul3A_157 = arith.constant 16 : i32
      %mul3A_158 = arith.muli %scan3A_51, %mul3A_157 : i32
      %add3A_159 = arith.constant 10 : i32
      %add3A_160 = arith.addi %mul3A_158, %add3A_159 : i32
      %swap3A_161 = arith.constant 0 : i32
      %swap3A_162 = arith.index_cast %swap3A_161 : i32 to index
      %swap3A_163 = arith.index_cast %add3A_160 : i32 to index
      %swap3A_164 = memref.load %arg10[%swap3A_162, %swap3A_163] : memref<1x512xi32, #tpu.memory_space<smem>>
      memref.store %squeeze3A_156, %arg10[%swap3A_162, %swap3A_163] : memref<1x512xi32, #tpu.memory_space<smem>>
      %slice3A_165 = vector.extract_strided_slice %get3A_57 {offsets = [11], sizes = [1], strides = [1]} : vector<16xi32> to vector<1xi32>
      %squeeze3A_166 = vector.extract %slice3A_165[0] : i32 from vector<1xi32>
      %mul3A_167 = arith.constant 16 : i32
      %mul3A_168 = arith.muli %scan3A_51, %mul3A_167 : i32
      %add3A_169 = arith.constant 11 : i32
      %add3A_170 = arith.addi %mul3A_168, %add3A_169 : i32
      %swap3A_171 = arith.constant 0 : i32
      %swap3A_172 = arith.index_cast %swap3A_171 : i32 to index
      %swap3A_173 = arith.index_cast %add3A_170 : i32 to index
      %swap3A_174 = memref.load %arg10[%swap3A_172, %swap3A_173] : memref<1x512xi32, #tpu.memory_space<smem>>
      memref.store %squeeze3A_166, %arg10[%swap3A_172, %swap3A_173] : memref<1x512xi32, #tpu.memory_space<smem>>
      %slice3A_175 = vector.extract_strided_slice %get3A_57 {offsets = [12], sizes = [1], strides = [1]} : vector<16xi32> to vector<1xi32>
      %squeeze3A_176 = vector.extract %slice3A_175[0] : i32 from vector<1xi32>
      %mul3A_177 = arith.constant 16 : i32
      %mul3A_178 = arith.muli %scan3A_51, %mul3A_177 : i32
      %add3A_179 = arith.constant 12 : i32
      %add3A_180 = arith.addi %mul3A_178, %add3A_179 : i32
      %swap3A_181 = arith.constant 0 : i32
      %swap3A_182 = arith.index_cast %swap3A_181 : i32 to index
      %swap3A_183 = arith.index_cast %add3A_180 : i32 to index
      %swap3A_184 = memref.load %arg10[%swap3A_182, %swap3A_183] : memref<1x512xi32, #tpu.memory_space<smem>>
      memref.store %squeeze3A_176, %arg10[%swap3A_182, %swap3A_183] : memref<1x512xi32, #tpu.memory_space<smem>>
      %slice3A_185 = vector.extract_strided_slice %get3A_57 {offsets = [13], sizes = [1], strides = [1]} : vector<16xi32> to vector<1xi32>
      %squeeze3A_186 = vector.extract %slice3A_185[0] : i32 from vector<1xi32>
      %mul3A_187 = arith.constant 16 : i32
      %mul3A_188 = arith.muli %scan3A_51, %mul3A_187 : i32
      %add3A_189 = arith.constant 13 : i32
      %add3A_190 = arith.addi %mul3A_188, %add3A_189 : i32
      %swap3A_191 = arith.constant 0 : i32
      %swap3A_192 = arith.index_cast %swap3A_191 : i32 to index
      %swap3A_193 = arith.index_cast %add3A_190 : i32 to index
      %swap3A_194 = memref.load %arg10[%swap3A_192, %swap3A_193] : memref<1x512xi32, #tpu.memory_space<smem>>
      memref.store %squeeze3A_186, %arg10[%swap3A_192, %swap3A_193] : memref<1x512xi32, #tpu.memory_space<smem>>
      %slice3A_195 = vector.extract_strided_slice %get3A_57 {offsets = [14], sizes = [1], strides = [1]} : vector<16xi32> to vector<1xi32>
      %squeeze3A_196 = vector.extract %slice3A_195[0] : i32 from vector<1xi32>
      %mul3A_197 = arith.constant 16 : i32
      %mul3A_198 = arith.muli %scan3A_51, %mul3A_197 : i32
      %add3A_199 = arith.constant 14 : i32
      %add3A_200 = arith.addi %mul3A_198, %add3A_199 : i32
      %swap3A_201 = arith.constant 0 : i32
      %swap3A_202 = arith.index_cast %swap3A_201 : i32 to index
      %swap3A_203 = arith.index_cast %add3A_200 : i32 to index
      %swap3A_204 = memref.load %arg10[%swap3A_202, %swap3A_203] : memref<1x512xi32, #tpu.memory_space<smem>>
      memref.store %squeeze3A_196, %arg10[%swap3A_202, %swap3A_203] : memref<1x512xi32, #tpu.memory_space<smem>>
      %slice3A_205 = vector.extract_strided_slice %get3A_57 {offsets = [15], sizes = [1], strides = [1]} : vector<16xi32> to vector<1xi32>
      %squeeze3A_206 = vector.extract %slice3A_205[0] : i32 from vector<1xi32>
      %mul3A_207 = arith.constant 16 : i32
      %mul3A_208 = arith.muli %scan3A_51, %mul3A_207 : i32
      %add3A_209 = arith.constant 15 : i32
      %add3A_210 = arith.addi %mul3A_208, %add3A_209 : i32
      %swap3A_211 = arith.constant 0 : i32
      %swap3A_212 = arith.index_cast %swap3A_211 : i32 to index
      %swap3A_213 = arith.index_cast %add3A_210 : i32 to index
      %swap3A_214 = memref.load %arg10[%swap3A_212, %swap3A_213] : memref<1x512xi32, #tpu.memory_space<smem>>
      memref.store %squeeze3A_206, %arg10[%swap3A_212, %swap3A_213] : memref<1x512xi32, #tpu.memory_space<smem>>
      %scan3A_215 = arith.constant 0 : i32
      scf.yield %scan3A_215 : i32
    }
    %scan3A_8 = arith.constant 32 : i32
    %scan3A_9 = arith.constant 0 : i32
    %scan3A_10 = arith.constant 0 : i32
    %scan3A_11 = arith.constant 32 : i32
    %scan3A_12 = arith.addi %scan3A_10, %scan3A_11 : i32
    %scan3A_13 = arith.constant 1 : i32
    %scan3A_14 = scf.for %scan3A_51 = %scan3A_10 to %scan3A_12 step %scan3A_13 iter_args(%scan3A_52 = %scan3A_9) -> (i32)  : i32 {
      %mul3A_53 = arith.constant 16 : i32
      %mul3A_54 = arith.muli %scan3A_51, %mul3A_53 : i32
      %add3A_55 = arith.constant 0 : i32
      %add3A_56 = arith.addi %mul3A_54, %add3A_55 : i32
      %get3A = arith.constant 0 : i32
      %get3A_57 = arith.index_cast %get3A : i32 to index
      %get3A_58 = arith.index_cast %add3A_56 : i32 to index
      %get3A_59 = memref.load %arg10[%get3A_57, %get3A_58] : memref<1x512xi32, #tpu.memory_space<smem>>
      %add3A_60 = arith.constant 0 : i32
      %add3A_61 = arith.addi %mul3A_54, %add3A_60 : i32
      %dma_start3A = arith.constant 0 : i32
      %dma_start3A_62 = tpu.memref_slice %arg11[%add3A_61, %dma_start3A] : memref<512x32xf32, #tpu.memory_space<vmem>> -> memref<1x32xf32, #tpu.memory_space<vmem>>
      %dma_start3A_63 = arith.constant 0 : i32
      %dma_start3A_64 = tpu.memref_slice %arg3[%get3A_59, %dma_start3A_63] : memref<1000000x32xf32, #tpu.memory_space<hbm>> -> memref<1x32xf32, #tpu.memory_space<hbm>>
      %dma_start3A_65 = arith.constant 0 : i32
      %dma_start3A_66 = tpu.memref_slice %arg11[%add3A_61, %dma_start3A_65] : memref<512x32xf32, #tpu.memory_space<vmem>> -> memref<1x32xf32, #tpu.memory_space<vmem>>
      %dma_start3A_67 = arith.constant 0 : i32
      %dma_start3A_68 = tpu.memref_slice %arg3[%get3A_59, %dma_start3A_67] : memref<1000000x32xf32, #tpu.memory_space<hbm>> -> memref<1x32xf32, #tpu.memory_space<hbm>>
      tpu.enqueue_dma source(%dma_start3A_68 : memref<1x32xf32, #tpu.memory_space<hbm>>) target(%dma_start3A_66 : memref<1x32xf32, #tpu.memory_space<vmem>>) target_semaphore(%arg12 : memref<!tpu.dma_semaphore, #tpu.memory_space<semaphore_mem>>)
      %add3A_69 = arith.constant 1 : i32
      %add3A_70 = arith.addi %mul3A_54, %add3A_69 : i32
      %get3A_71 = arith.constant 0 : i32
      %get3A_72 = arith.index_cast %get3A_71 : i32 to index
      %get3A_73 = arith.index_cast %add3A_70 : i32 to index
      %get3A_74 = memref.load %arg10[%get3A_72, %get3A_73] : memref<1x512xi32, #tpu.memory_space<smem>>
      %add3A_75 = arith.constant 1 : i32
      %add3A_76 = arith.addi %mul3A_54, %add3A_75 : i32
      %dma_start3A_77 = arith.constant 0 : i32
      %dma_start3A_78 = tpu.memref_slice %arg11[%add3A_76, %dma_start3A_77] : memref<512x32xf32, #tpu.memory_space<vmem>> -> memref<1x32xf32, #tpu.memory_space<vmem>>
      %dma_start3A_79 = arith.constant 0 : i32
      %dma_start3A_80 = tpu.memref_slice %arg3[%get3A_74, %dma_start3A_79] : memref<1000000x32xf32, #tpu.memory_space<hbm>> -> memref<1x32xf32, #tpu.memory_space<hbm>>
      %dma_start3A_81 = arith.constant 0 : i32
      %dma_start3A_82 = tpu.memref_slice %arg11[%add3A_76, %dma_start3A_81] : memref<512x32xf32, #tpu.memory_space<vmem>> -> memref<1x32xf32, #tpu.memory_space<vmem>>
      %dma_start3A_83 = arith.constant 0 : i32
      %dma_start3A_84 = tpu.memref_slice %arg3[%get3A_74, %dma_start3A_83] : memref<1000000x32xf32, #tpu.memory_space<hbm>> -> memref<1x32xf32, #tpu.memory_space<hbm>>
      tpu.enqueue_dma source(%dma_start3A_84 : memref<1x32xf32, #tpu.memory_space<hbm>>) target(%dma_start3A_82 : memref<1x32xf32, #tpu.memory_space<vmem>>) target_semaphore(%arg12 : memref<!tpu.dma_semaphore, #tpu.memory_space<semaphore_mem>>)
      %add3A_85 = arith.constant 2 : i32
      %add3A_86 = arith.addi %mul3A_54, %add3A_85 : i32
      %get3A_87 = arith.constant 0 : i32
      %get3A_88 = arith.index_cast %get3A_87 : i32 to index
      %get3A_89 = arith.index_cast %add3A_86 : i32 to index
      %get3A_90 = memref.load %arg10[%get3A_88, %get3A_89] : memref<1x512xi32, #tpu.memory_space<smem>>
      %add3A_91 = arith.constant 2 : i32
      %add3A_92 = arith.addi %mul3A_54, %add3A_91 : i32
      %dma_start3A_93 = arith.constant 0 : i32
      %dma_start3A_94 = tpu.memref_slice %arg11[%add3A_92, %dma_start3A_93] : memref<512x32xf32, #tpu.memory_space<vmem>> -> memref<1x32xf32, #tpu.memory_space<vmem>>
      %dma_start3A_95 = arith.constant 0 : i32
      %dma_start3A_96 = tpu.memref_slice %arg3[%get3A_90, %dma_start3A_95] : memref<1000000x32xf32, #tpu.memory_space<hbm>> -> memref<1x32xf32, #tpu.memory_space<hbm>>
      %dma_start3A_97 = arith.constant 0 : i32
      %dma_start3A_98 = tpu.memref_slice %arg11[%add3A_92, %dma_start3A_97] : memref<512x32xf32, #tpu.memory_space<vmem>> -> memref<1x32xf32, #tpu.memory_space<vmem>>
      %dma_start3A_99 = arith.constant 0 : i32
      %dma_start3A_100 = tpu.memref_slice %arg3[%get3A_90, %dma_start3A_99] : memref<1000000x32xf32, #tpu.memory_space<hbm>> -> memref<1x32xf32, #tpu.memory_space<hbm>>
      tpu.enqueue_dma source(%dma_start3A_100 : memref<1x32xf32, #tpu.memory_space<hbm>>) target(%dma_start3A_98 : memref<1x32xf32, #tpu.memory_space<vmem>>) target_semaphore(%arg12 : memref<!tpu.dma_semaphore, #tpu.memory_space<semaphore_mem>>)
      %add3A_101 = arith.constant 3 : i32
      %add3A_102 = arith.addi %mul3A_54, %add3A_101 : i32
      %get3A_103 = arith.constant 0 : i32
      %get3A_104 = arith.index_cast %get3A_103 : i32 to index
      %get3A_105 = arith.index_cast %add3A_102 : i32 to index
      %get3A_106 = memref.load %arg10[%get3A_104, %get3A_105] : memref<1x512xi32, #tpu.memory_space<smem>>
      %add3A_107 = arith.constant 3 : i32
      %add3A_108 = arith.addi %mul3A_54, %add3A_107 : i32
      %dma_start3A_109 = arith.constant 0 : i32
      %dma_start3A_110 = tpu.memref_slice %arg11[%add3A_108, %dma_start3A_109] : memref<512x32xf32, #tpu.memory_space<vmem>> -> memref<1x32xf32, #tpu.memory_space<vmem>>
      %dma_start3A_111 = arith.constant 0 : i32
      %dma_start3A_112 = tpu.memref_slice %arg3[%get3A_106, %dma_start3A_111] : memref<1000000x32xf32, #tpu.memory_space<hbm>> -> memref<1x32xf32, #tpu.memory_space<hbm>>
      %dma_start3A_113 = arith.constant 0 : i32
      %dma_start3A_114 = tpu.memref_slice %arg11[%add3A_108, %dma_start3A_113] : memref<512x32xf32, #tpu.memory_space<vmem>> -> memref<1x32xf32, #tpu.memory_space<vmem>>
      %dma_start3A_115 = arith.constant 0 : i32
      %dma_start3A_116 = tpu.memref_slice %arg3[%get3A_106, %dma_start3A_115] : memref<1000000x32xf32, #tpu.memory_space<hbm>> -> memref<1x32xf32, #tpu.memory_space<hbm>>
      tpu.enqueue_dma source(%dma_start3A_116 : memref<1x32xf32, #tpu.memory_space<hbm>>) target(%dma_start3A_114 : memref<1x32xf32, #tpu.memory_space<vmem>>) target_semaphore(%arg12 : memref<!tpu.dma_semaphore, #tpu.memory_space<semaphore_mem>>)
      %add3A_117 = arith.constant 4 : i32
      %add3A_118 = arith.addi %mul3A_54, %add3A_117 : i32
      %get3A_119 = arith.constant 0 : i32
      %get3A_120 = arith.index_cast %get3A_119 : i32 to index
      %get3A_121 = arith.index_cast %add3A_118 : i32 to index
      %get3A_122 = memref.load %arg10[%get3A_120, %get3A_121] : memref<1x512xi32, #tpu.memory_space<smem>>
      %add3A_123 = arith.constant 4 : i32
      %add3A_124 = arith.addi %mul3A_54, %add3A_123 : i32
      %dma_start3A_125 = arith.constant 0 : i32
      %dma_start3A_126 = tpu.memref_slice %arg11[%add3A_124, %dma_start3A_125] : memref<512x32xf32, #tpu.memory_space<vmem>> -> memref<1x32xf32, #tpu.memory_space<vmem>>
      %dma_start3A_127 = arith.constant 0 : i32
      %dma_start3A_128 = tpu.memref_slice %arg3[%get3A_122, %dma_start3A_127] : memref<1000000x32xf32, #tpu.memory_space<hbm>> -> memref<1x32xf32, #tpu.memory_space<hbm>>
      %dma_start3A_129 = arith.constant 0 : i32
      %dma_start3A_130 = tpu.memref_slice %arg11[%add3A_124, %dma_start3A_129] : memref<512x32xf32, #tpu.memory_space<vmem>> -> memref<1x32xf32, #tpu.memory_space<vmem>>
      %dma_start3A_131 = arith.constant 0 : i32
      %dma_start3A_132 = tpu.memref_slice %arg3[%get3A_122, %dma_start3A_131] : memref<1000000x32xf32, #tpu.memory_space<hbm>> -> memref<1x32xf32, #tpu.memory_space<hbm>>
      tpu.enqueue_dma source(%dma_start3A_132 : memref<1x32xf32, #tpu.memory_space<hbm>>) target(%dma_start3A_130 : memref<1x32xf32, #tpu.memory_space<vmem>>) target_semaphore(%arg12 : memref<!tpu.dma_semaphore, #tpu.memory_space<semaphore_mem>>)
      %add3A_133 = arith.constant 5 : i32
      %add3A_134 = arith.addi %mul3A_54, %add3A_133 : i32
      %get3A_135 = arith.constant 0 : i32
      %get3A_136 = arith.index_cast %get3A_135 : i32 to index
      %get3A_137 = arith.index_cast %add3A_134 : i32 to index
      %get3A_138 = memref.load %arg10[%get3A_136, %get3A_137] : memref<1x512xi32, #tpu.memory_space<smem>>
      %add3A_139 = arith.constant 5 : i32
      %add3A_140 = arith.addi %mul3A_54, %add3A_139 : i32
      %dma_start3A_141 = arith.constant 0 : i32
      %dma_start3A_142 = tpu.memref_slice %arg11[%add3A_140, %dma_start3A_141] : memref<512x32xf32, #tpu.memory_space<vmem>> -> memref<1x32xf32, #tpu.memory_space<vmem>>
      %dma_start3A_143 = arith.constant 0 : i32
      %dma_start3A_144 = tpu.memref_slice %arg3[%get3A_138, %dma_start3A_143] : memref<1000000x32xf32, #tpu.memory_space<hbm>> -> memref<1x32xf32, #tpu.memory_space<hbm>>
      %dma_start3A_145 = arith.constant 0 : i32
      %dma_start3A_146 = tpu.memref_slice %arg11[%add3A_140, %dma_start3A_145] : memref<512x32xf32, #tpu.memory_space<vmem>> -> memref<1x32xf32, #tpu.memory_space<vmem>>
      %dma_start3A_147 = arith.constant 0 : i32
      %dma_start3A_148 = tpu.memref_slice %arg3[%get3A_138, %dma_start3A_147] : memref<1000000x32xf32, #tpu.memory_space<hbm>> -> memref<1x32xf32, #tpu.memory_space<hbm>>
      tpu.enqueue_dma source(%dma_start3A_148 : memref<1x32xf32, #tpu.memory_space<hbm>>) target(%dma_start3A_146 : memref<1x32xf32, #tpu.memory_space<vmem>>) target_semaphore(%arg12 : memref<!tpu.dma_semaphore, #tpu.memory_space<semaphore_mem>>)
      %add3A_149 = arith.constant 6 : i32
      %add3A_150 = arith.addi %mul3A_54, %add3A_149 : i32
      %get3A_151 = arith.constant 0 : i32
      %get3A_152 = arith.index_cast %get3A_151 : i32 to index
      %get3A_153 = arith.index_cast %add3A_150 : i32 to index
      %get3A_154 = memref.load %arg10[%get3A_152, %get3A_153] : memref<1x512xi32, #tpu.memory_space<smem>>
      %add3A_155 = arith.constant 6 : i32
      %add3A_156 = arith.addi %mul3A_54, %add3A_155 : i32
      %dma_start3A_157 = arith.constant 0 : i32
      %dma_start3A_158 = tpu.memref_slice %arg11[%add3A_156, %dma_start3A_157] : memref<512x32xf32, #tpu.memory_space<vmem>> -> memref<1x32xf32, #tpu.memory_space<vmem>>
      %dma_start3A_159 = arith.constant 0 : i32
      %dma_start3A_160 = tpu.memref_slice %arg3[%get3A_154, %dma_start3A_159] : memref<1000000x32xf32, #tpu.memory_space<hbm>> -> memref<1x32xf32, #tpu.memory_space<hbm>>
      %dma_start3A_161 = arith.constant 0 : i32
      %dma_start3A_162 = tpu.memref_slice %arg11[%add3A_156, %dma_start3A_161] : memref<512x32xf32, #tpu.memory_space<vmem>> -> memref<1x32xf32, #tpu.memory_space<vmem>>
      %dma_start3A_163 = arith.constant 0 : i32
      %dma_start3A_164 = tpu.memref_slice %arg3[%get3A_154, %dma_start3A_163] : memref<1000000x32xf32, #tpu.memory_space<hbm>> -> memref<1x32xf32, #tpu.memory_space<hbm>>
      tpu.enqueue_dma source(%dma_start3A_164 : memref<1x32xf32, #tpu.memory_space<hbm>>) target(%dma_start3A_162 : memref<1x32xf32, #tpu.memory_space<vmem>>) target_semaphore(%arg12 : memref<!tpu.dma_semaphore, #tpu.memory_space<semaphore_mem>>)
      %add3A_165 = arith.constant 7 : i32
      %add3A_166 = arith.addi %mul3A_54, %add3A_165 : i32
      %get3A_167 = arith.constant 0 : i32
      %get3A_168 = arith.index_cast %get3A_167 : i32 to index
      %get3A_169 = arith.index_cast %add3A_166 : i32 to index
      %get3A_170 = memref.load %arg10[%get3A_168, %get3A_169] : memref<1x512xi32, #tpu.memory_space<smem>>
      %add3A_171 = arith.constant 7 : i32
      %add3A_172 = arith.addi %mul3A_54, %add3A_171 : i32
      %dma_start3A_173 = arith.constant 0 : i32
      %dma_start3A_174 = tpu.memref_slice %arg11[%add3A_172, %dma_start3A_173] : memref<512x32xf32, #tpu.memory_space<vmem>> -> memref<1x32xf32, #tpu.memory_space<vmem>>
      %dma_start3A_175 = arith.constant 0 : i32
      %dma_start3A_176 = tpu.memref_slice %arg3[%get3A_170, %dma_start3A_175] : memref<1000000x32xf32, #tpu.memory_space<hbm>> -> memref<1x32xf32, #tpu.memory_space<hbm>>
      %dma_start3A_177 = arith.constant 0 : i32
      %dma_start3A_178 = tpu.memref_slice %arg11[%add3A_172, %dma_start3A_177] : memref<512x32xf32, #tpu.memory_space<vmem>> -> memref<1x32xf32, #tpu.memory_space<vmem>>
      %dma_start3A_179 = arith.constant 0 : i32
      %dma_start3A_180 = tpu.memref_slice %arg3[%get3A_170, %dma_start3A_179] : memref<1000000x32xf32, #tpu.memory_space<hbm>> -> memref<1x32xf32, #tpu.memory_space<hbm>>
      tpu.enqueue_dma source(%dma_start3A_180 : memref<1x32xf32, #tpu.memory_space<hbm>>) target(%dma_start3A_178 : memref<1x32xf32, #tpu.memory_space<vmem>>) target_semaphore(%arg12 : memref<!tpu.dma_semaphore, #tpu.memory_space<semaphore_mem>>)
      %add3A_181 = arith.constant 8 : i32
      %add3A_182 = arith.addi %mul3A_54, %add3A_181 : i32
      %get3A_183 = arith.constant 0 : i32
      %get3A_184 = arith.index_cast %get3A_183 : i32 to index
      %get3A_185 = arith.index_cast %add3A_182 : i32 to index
      %get3A_186 = memref.load %arg10[%get3A_184, %get3A_185] : memref<1x512xi32, #tpu.memory_space<smem>>
      %add3A_187 = arith.constant 8 : i32
      %add3A_188 = arith.addi %mul3A_54, %add3A_187 : i32
      %dma_start3A_189 = arith.constant 0 : i32
      %dma_start3A_190 = tpu.memref_slice %arg11[%add3A_188, %dma_start3A_189] : memref<512x32xf32, #tpu.memory_space<vmem>> -> memref<1x32xf32, #tpu.memory_space<vmem>>
      %dma_start3A_191 = arith.constant 0 : i32
      %dma_start3A_192 = tpu.memref_slice %arg3[%get3A_186, %dma_start3A_191] : memref<1000000x32xf32, #tpu.memory_space<hbm>> -> memref<1x32xf32, #tpu.memory_space<hbm>>
      %dma_start3A_193 = arith.constant 0 : i32
      %dma_start3A_194 = tpu.memref_slice %arg11[%add3A_188, %dma_start3A_193] : memref<512x32xf32, #tpu.memory_space<vmem>> -> memref<1x32xf32, #tpu.memory_space<vmem>>
      %dma_start3A_195 = arith.constant 0 : i32
      %dma_start3A_196 = tpu.memref_slice %arg3[%get3A_186, %dma_start3A_195] : memref<1000000x32xf32, #tpu.memory_space<hbm>> -> memref<1x32xf32, #tpu.memory_space<hbm>>
      tpu.enqueue_dma source(%dma_start3A_196 : memref<1x32xf32, #tpu.memory_space<hbm>>) target(%dma_start3A_194 : memref<1x32xf32, #tpu.memory_space<vmem>>) target_semaphore(%arg12 : memref<!tpu.dma_semaphore, #tpu.memory_space<semaphore_mem>>)
      %add3A_197 = arith.constant 9 : i32
      %add3A_198 = arith.addi %mul3A_54, %add3A_197 : i32
      %get3A_199 = arith.constant 0 : i32
      %get3A_200 = arith.index_cast %get3A_199 : i32 to index
      %get3A_201 = arith.index_cast %add3A_198 : i32 to index
      %get3A_202 = memref.load %arg10[%get3A_200, %get3A_201] : memref<1x512xi32, #tpu.memory_space<smem>>
      %add3A_203 = arith.constant 9 : i32
      %add3A_204 = arith.addi %mul3A_54, %add3A_203 : i32
      %dma_start3A_205 = arith.constant 0 : i32
      %dma_start3A_206 = tpu.memref_slice %arg11[%add3A_204, %dma_start3A_205] : memref<512x32xf32, #tpu.memory_space<vmem>> -> memref<1x32xf32, #tpu.memory_space<vmem>>
      %dma_start3A_207 = arith.constant 0 : i32
      %dma_start3A_208 = tpu.memref_slice %arg3[%get3A_202, %dma_start3A_207] : memref<1000000x32xf32, #tpu.memory_space<hbm>> -> memref<1x32xf32, #tpu.memory_space<hbm>>
      %dma_start3A_209 = arith.constant 0 : i32
      %dma_start3A_210 = tpu.memref_slice %arg11[%add3A_204, %dma_start3A_209] : memref<512x32xf32, #tpu.memory_space<vmem>> -> memref<1x32xf32, #tpu.memory_space<vmem>>
      %dma_start3A_211 = arith.constant 0 : i32
      %dma_start3A_212 = tpu.memref_slice %arg3[%get3A_202, %dma_start3A_211] : memref<1000000x32xf32, #tpu.memory_space<hbm>> -> memref<1x32xf32, #tpu.memory_space<hbm>>
      tpu.enqueue_dma source(%dma_start3A_212 : memref<1x32xf32, #tpu.memory_space<hbm>>) target(%dma_start3A_210 : memref<1x32xf32, #tpu.memory_space<vmem>>) target_semaphore(%arg12 : memref<!tpu.dma_semaphore, #tpu.memory_space<semaphore_mem>>)
      %add3A_213 = arith.constant 10 : i32
      %add3A_214 = arith.addi %mul3A_54, %add3A_213 : i32
      %get3A_215 = arith.constant 0 : i32
      %get3A_216 = arith.index_cast %get3A_215 : i32 to index
      %get3A_217 = arith.index_cast %add3A_214 : i32 to index
      %get3A_218 = memref.load %arg10[%get3A_216, %get3A_217] : memref<1x512xi32, #tpu.memory_space<smem>>
      %add3A_219 = arith.constant 10 : i32
      %add3A_220 = arith.addi %mul3A_54, %add3A_219 : i32
      %dma_start3A_221 = arith.constant 0 : i32
      %dma_start3A_222 = tpu.memref_slice %arg11[%add3A_220, %dma_start3A_221] : memref<512x32xf32, #tpu.memory_space<vmem>> -> memref<1x32xf32, #tpu.memory_space<vmem>>
      %dma_start3A_223 = arith.constant 0 : i32
      %dma_start3A_224 = tpu.memref_slice %arg3[%get3A_218, %dma_start3A_223] : memref<1000000x32xf32, #tpu.memory_space<hbm>> -> memref<1x32xf32, #tpu.memory_space<hbm>>
      %dma_start3A_225 = arith.constant 0 : i32
      %dma_start3A_226 = tpu.memref_slice %arg11[%add3A_220, %dma_start3A_225] : memref<512x32xf32, #tpu.memory_space<vmem>> -> memref<1x32xf32, #tpu.memory_space<vmem>>
      %dma_start3A_227 = arith.constant 0 : i32
      %dma_start3A_228 = tpu.memref_slice %arg3[%get3A_218, %dma_start3A_227] : memref<1000000x32xf32, #tpu.memory_space<hbm>> -> memref<1x32xf32, #tpu.memory_space<hbm>>
      tpu.enqueue_dma source(%dma_start3A_228 : memref<1x32xf32, #tpu.memory_space<hbm>>) target(%dma_start3A_226 : memref<1x32xf32, #tpu.memory_space<vmem>>) target_semaphore(%arg12 : memref<!tpu.dma_semaphore, #tpu.memory_space<semaphore_mem>>)
      %add3A_229 = arith.constant 11 : i32
      %add3A_230 = arith.addi %mul3A_54, %add3A_229 : i32
      %get3A_231 = arith.constant 0 : i32
      %get3A_232 = arith.index_cast %get3A_231 : i32 to index
      %get3A_233 = arith.index_cast %add3A_230 : i32 to index
      %get3A_234 = memref.load %arg10[%get3A_232, %get3A_233] : memref<1x512xi32, #tpu.memory_space<smem>>
      %add3A_235 = arith.constant 11 : i32
      %add3A_236 = arith.addi %mul3A_54, %add3A_235 : i32
      %dma_start3A_237 = arith.constant 0 : i32
      %dma_start3A_238 = tpu.memref_slice %arg11[%add3A_236, %dma_start3A_237] : memref<512x32xf32, #tpu.memory_space<vmem>> -> memref<1x32xf32, #tpu.memory_space<vmem>>
      %dma_start3A_239 = arith.constant 0 : i32
      %dma_start3A_240 = tpu.memref_slice %arg3[%get3A_234, %dma_start3A_239] : memref<1000000x32xf32, #tpu.memory_space<hbm>> -> memref<1x32xf32, #tpu.memory_space<hbm>>
      %dma_start3A_241 = arith.constant 0 : i32
      %dma_start3A_242 = tpu.memref_slice %arg11[%add3A_236, %dma_start3A_241] : memref<512x32xf32, #tpu.memory_space<vmem>> -> memref<1x32xf32, #tpu.memory_space<vmem>>
      %dma_start3A_243 = arith.constant 0 : i32
      %dma_start3A_244 = tpu.memref_slice %arg3[%get3A_234, %dma_start3A_243] : memref<1000000x32xf32, #tpu.memory_space<hbm>> -> memref<1x32xf32, #tpu.memory_space<hbm>>
      tpu.enqueue_dma source(%dma_start3A_244 : memref<1x32xf32, #tpu.memory_space<hbm>>) target(%dma_start3A_242 : memref<1x32xf32, #tpu.memory_space<vmem>>) target_semaphore(%arg12 : memref<!tpu.dma_semaphore, #tpu.memory_space<semaphore_mem>>)
      %add3A_245 = arith.constant 12 : i32
      %add3A_246 = arith.addi %mul3A_54, %add3A_245 : i32
      %get3A_247 = arith.constant 0 : i32
      %get3A_248 = arith.index_cast %get3A_247 : i32 to index
      %get3A_249 = arith.index_cast %add3A_246 : i32 to index
      %get3A_250 = memref.load %arg10[%get3A_248, %get3A_249] : memref<1x512xi32, #tpu.memory_space<smem>>
      %add3A_251 = arith.constant 12 : i32
      %add3A_252 = arith.addi %mul3A_54, %add3A_251 : i32
      %dma_start3A_253 = arith.constant 0 : i32
      %dma_start3A_254 = tpu.memref_slice %arg11[%add3A_252, %dma_start3A_253] : memref<512x32xf32, #tpu.memory_space<vmem>> -> memref<1x32xf32, #tpu.memory_space<vmem>>
      %dma_start3A_255 = arith.constant 0 : i32
      %dma_start3A_256 = tpu.memref_slice %arg3[%get3A_250, %dma_start3A_255] : memref<1000000x32xf32, #tpu.memory_space<hbm>> -> memref<1x32xf32, #tpu.memory_space<hbm>>
      %dma_start3A_257 = arith.constant 0 : i32
      %dma_start3A_258 = tpu.memref_slice %arg11[%add3A_252, %dma_start3A_257] : memref<512x32xf32, #tpu.memory_space<vmem>> -> memref<1x32xf32, #tpu.memory_space<vmem>>
      %dma_start3A_259 = arith.constant 0 : i32
      %dma_start3A_260 = tpu.memref_slice %arg3[%get3A_250, %dma_start3A_259] : memref<1000000x32xf32, #tpu.memory_space<hbm>> -> memref<1x32xf32, #tpu.memory_space<hbm>>
      tpu.enqueue_dma source(%dma_start3A_260 : memref<1x32xf32, #tpu.memory_space<hbm>>) target(%dma_start3A_258 : memref<1x32xf32, #tpu.memory_space<vmem>>) target_semaphore(%arg12 : memref<!tpu.dma_semaphore, #tpu.memory_space<semaphore_mem>>)
      %add3A_261 = arith.constant 13 : i32
      %add3A_262 = arith.addi %mul3A_54, %add3A_261 : i32
      %get3A_263 = arith.constant 0 : i32
      %get3A_264 = arith.index_cast %get3A_263 : i32 to index
      %get3A_265 = arith.index_cast %add3A_262 : i32 to index
      %get3A_266 = memref.load %arg10[%get3A_264, %get3A_265] : memref<1x512xi32, #tpu.memory_space<smem>>
      %add3A_267 = arith.constant 13 : i32
      %add3A_268 = arith.addi %mul3A_54, %add3A_267 : i32
      %dma_start3A_269 = arith.constant 0 : i32
      %dma_start3A_270 = tpu.memref_slice %arg11[%add3A_268, %dma_start3A_269] : memref<512x32xf32, #tpu.memory_space<vmem>> -> memref<1x32xf32, #tpu.memory_space<vmem>>
      %dma_start3A_271 = arith.constant 0 : i32
      %dma_start3A_272 = tpu.memref_slice %arg3[%get3A_266, %dma_start3A_271] : memref<1000000x32xf32, #tpu.memory_space<hbm>> -> memref<1x32xf32, #tpu.memory_space<hbm>>
      %dma_start3A_273 = arith.constant 0 : i32
      %dma_start3A_274 = tpu.memref_slice %arg11[%add3A_268, %dma_start3A_273] : memref<512x32xf32, #tpu.memory_space<vmem>> -> memref<1x32xf32, #tpu.memory_space<vmem>>
      %dma_start3A_275 = arith.constant 0 : i32
      %dma_start3A_276 = tpu.memref_slice %arg3[%get3A_266, %dma_start3A_275] : memref<1000000x32xf32, #tpu.memory_space<hbm>> -> memref<1x32xf32, #tpu.memory_space<hbm>>
      tpu.enqueue_dma source(%dma_start3A_276 : memref<1x32xf32, #tpu.memory_space<hbm>>) target(%dma_start3A_274 : memref<1x32xf32, #tpu.memory_space<vmem>>) target_semaphore(%arg12 : memref<!tpu.dma_semaphore, #tpu.memory_space<semaphore_mem>>)
      %add3A_277 = arith.constant 14 : i32
      %add3A_278 = arith.addi %mul3A_54, %add3A_277 : i32
      %get3A_279 = arith.constant 0 : i32
      %get3A_280 = arith.index_cast %get3A_279 : i32 to index
      %get3A_281 = arith.index_cast %add3A_278 : i32 to index
      %get3A_282 = memref.load %arg10[%get3A_280, %get3A_281] : memref<1x512xi32, #tpu.memory_space<smem>>
      %add3A_283 = arith.constant 14 : i32
      %add3A_284 = arith.addi %mul3A_54, %add3A_283 : i32
      %dma_start3A_285 = arith.constant 0 : i32
      %dma_start3A_286 = tpu.memref_slice %arg11[%add3A_284, %dma_start3A_285] : memref<512x32xf32, #tpu.memory_space<vmem>> -> memref<1x32xf32, #tpu.memory_space<vmem>>
      %dma_start3A_287 = arith.constant 0 : i32
      %dma_start3A_288 = tpu.memref_slice %arg3[%get3A_282, %dma_start3A_287] : memref<1000000x32xf32, #tpu.memory_space<hbm>> -> memref<1x32xf32, #tpu.memory_space<hbm>>
      %dma_start3A_289 = arith.constant 0 : i32
      %dma_start3A_290 = tpu.memref_slice %arg11[%add3A_284, %dma_start3A_289] : memref<512x32xf32, #tpu.memory_space<vmem>> -> memref<1x32xf32, #tpu.memory_space<vmem>>
      %dma_start3A_291 = arith.constant 0 : i32
      %dma_start3A_292 = tpu.memref_slice %arg3[%get3A_282, %dma_start3A_291] : memref<1000000x32xf32, #tpu.memory_space<hbm>> -> memref<1x32xf32, #tpu.memory_space<hbm>>
      tpu.enqueue_dma source(%dma_start3A_292 : memref<1x32xf32, #tpu.memory_space<hbm>>) target(%dma_start3A_290 : memref<1x32xf32, #tpu.memory_space<vmem>>) target_semaphore(%arg12 : memref<!tpu.dma_semaphore, #tpu.memory_space<semaphore_mem>>)
      %add3A_293 = arith.constant 15 : i32
      %add3A_294 = arith.addi %mul3A_54, %add3A_293 : i32
      %get3A_295 = arith.constant 0 : i32
      %get3A_296 = arith.index_cast %get3A_295 : i32 to index
      %get3A_297 = arith.index_cast %add3A_294 : i32 to index
      %get3A_298 = memref.load %arg10[%get3A_296, %get3A_297] : memref<1x512xi32, #tpu.memory_space<smem>>
      %add3A_299 = arith.constant 15 : i32
      %add3A_300 = arith.addi %mul3A_54, %add3A_299 : i32
      %dma_start3A_301 = arith.constant 0 : i32
      %dma_start3A_302 = tpu.memref_slice %arg11[%add3A_300, %dma_start3A_301] : memref<512x32xf32, #tpu.memory_space<vmem>> -> memref<1x32xf32, #tpu.memory_space<vmem>>
      %dma_start3A_303 = arith.constant 0 : i32
      %dma_start3A_304 = tpu.memref_slice %arg3[%get3A_298, %dma_start3A_303] : memref<1000000x32xf32, #tpu.memory_space<hbm>> -> memref<1x32xf32, #tpu.memory_space<hbm>>
      %dma_start3A_305 = arith.constant 0 : i32
      %dma_start3A_306 = tpu.memref_slice %arg11[%add3A_300, %dma_start3A_305] : memref<512x32xf32, #tpu.memory_space<vmem>> -> memref<1x32xf32, #tpu.memory_space<vmem>>
      %dma_start3A_307 = arith.constant 0 : i32
      %dma_start3A_308 = tpu.memref_slice %arg3[%get3A_298, %dma_start3A_307] : memref<1000000x32xf32, #tpu.memory_space<hbm>> -> memref<1x32xf32, #tpu.memory_space<hbm>>
      tpu.enqueue_dma source(%dma_start3A_308 : memref<1x32xf32, #tpu.memory_space<hbm>>) target(%dma_start3A_306 : memref<1x32xf32, #tpu.memory_space<vmem>>) target_semaphore(%arg12 : memref<!tpu.dma_semaphore, #tpu.memory_space<semaphore_mem>>)
      %scan3A_309 = arith.constant 0 : i32
      scf.yield %scan3A_309 : i32
    }
    %scan3A_15 = arith.constant 32 : i32
    %scan3A_16 = arith.constant 0 : i32
    %scan3A_17 = arith.constant 0 : i32
    %scan3A_18 = arith.constant 32 : i32
    %scan3A_19 = arith.addi %scan3A_17, %scan3A_18 : i32
    %scan3A_20 = arith.constant 1 : i32
    %scan3A_21 = scf.for %scan3A_51 = %scan3A_17 to %scan3A_19 step %scan3A_20 iter_args(%scan3A_52 = %scan3A_16) -> (i32)  : i32 {
      %dma_wait3A = arith.constant 0 : i32
      %dma_wait3A_53 = arith.constant 0 : i32
      %dma_wait3A_54 = tpu.memref_slice %arg11[%dma_wait3A, %dma_wait3A_53] : memref<512x32xf32, #tpu.memory_space<vmem>> -> memref<1x32xf32, #tpu.memory_space<vmem>>
      %dma_wait3A_55 = arith.constant 0 : i32
      %dma_wait3A_56 = arith.constant 0 : i32
      %dma_wait3A_57 = tpu.memref_slice %arg3[%dma_wait3A_55, %dma_wait3A_56] : memref<1000000x32xf32, #tpu.memory_space<hbm>> -> memref<1x32xf32, #tpu.memory_space<hbm>>
      %dma_wait3A_58 = arith.constant 0 : i32
      %dma_wait3A_59 = arith.constant 0 : i32
      %dma_wait3A_60 = tpu.memref_slice %arg11[%dma_wait3A_58, %dma_wait3A_59] : memref<512x32xf32, #tpu.memory_space<vmem>> -> memref<1x32xf32, #tpu.memory_space<vmem>>
      %dma_wait3A_61 = arith.constant 0 : i32
      %dma_wait3A_62 = arith.constant 0 : i32
      %dma_wait3A_63 = tpu.memref_slice %arg3[%dma_wait3A_61, %dma_wait3A_62] : memref<1000000x32xf32, #tpu.memory_space<hbm>> -> memref<1x32xf32, #tpu.memory_space<hbm>>
      tpu.wait_dma2 semaphore(%arg12 : memref<!tpu.dma_semaphore, #tpu.memory_space<semaphore_mem>>) src(%dma_wait3A_63 : memref<1x32xf32, #tpu.memory_space<hbm>>) dst(%dma_wait3A_60 : memref<1x32xf32, #tpu.memory_space<vmem>>)
      %dma_wait3A_64 = arith.constant 0 : i32
      %dma_wait3A_65 = arith.constant 0 : i32
      %dma_wait3A_66 = tpu.memref_slice %arg11[%dma_wait3A_64, %dma_wait3A_65] : memref<512x32xf32, #tpu.memory_space<vmem>> -> memref<1x32xf32, #tpu.memory_space<vmem>>
      %dma_wait3A_67 = arith.constant 0 : i32
      %dma_wait3A_68 = arith.constant 0 : i32
      %dma_wait3A_69 = tpu.memref_slice %arg3[%dma_wait3A_67, %dma_wait3A_68] : memref<1000000x32xf32, #tpu.memory_space<hbm>> -> memref<1x32xf32, #tpu.memory_space<hbm>>
      %dma_wait3A_70 = arith.constant 0 : i32
      %dma_wait3A_71 = arith.constant 0 : i32
      %dma_wait3A_72 = tpu.memref_slice %arg11[%dma_wait3A_70, %dma_wait3A_71] : memref<512x32xf32, #tpu.memory_space<vmem>> -> memref<1x32xf32, #tpu.memory_space<vmem>>
      %dma_wait3A_73 = arith.constant 0 : i32
      %dma_wait3A_74 = arith.constant 0 : i32
      %dma_wait3A_75 = tpu.memref_slice %arg3[%dma_wait3A_73, %dma_wait3A_74] : memref<1000000x32xf32, #tpu.memory_space<hbm>> -> memref<1x32xf32, #tpu.memory_space<hbm>>
      tpu.wait_dma2 semaphore(%arg12 : memref<!tpu.dma_semaphore, #tpu.memory_space<semaphore_mem>>) src(%dma_wait3A_75 : memref<1x32xf32, #tpu.memory_space<hbm>>) dst(%dma_wait3A_72 : memref<1x32xf32, #tpu.memory_space<vmem>>)
      %dma_wait3A_76 = arith.constant 0 : i32
      %dma_wait3A_77 = arith.constant 0 : i32
      %dma_wait3A_78 = tpu.memref_slice %arg11[%dma_wait3A_76, %dma_wait3A_77] : memref<512x32xf32, #tpu.memory_space<vmem>> -> memref<1x32xf32, #tpu.memory_space<vmem>>
      %dma_wait3A_79 = arith.constant 0 : i32
      %dma_wait3A_80 = arith.constant 0 : i32
      %dma_wait3A_81 = tpu.memref_slice %arg3[%dma_wait3A_79, %dma_wait3A_80] : memref<1000000x32xf32, #tpu.memory_space<hbm>> -> memref<1x32xf32, #tpu.memory_space<hbm>>
      %dma_wait3A_82 = arith.constant 0 : i32
      %dma_wait3A_83 = arith.constant 0 : i32
      %dma_wait3A_84 = tpu.memref_slice %arg11[%dma_wait3A_82, %dma_wait3A_83] : memref<512x32xf32, #tpu.memory_space<vmem>> -> memref<1x32xf32, #tpu.memory_space<vmem>>
      %dma_wait3A_85 = arith.constant 0 : i32
      %dma_wait3A_86 = arith.constant 0 : i32
      %dma_wait3A_87 = tpu.memref_slice %arg3[%dma_wait3A_85, %dma_wait3A_86] : memref<1000000x32xf32, #tpu.memory_space<hbm>> -> memref<1x32xf32, #tpu.memory_space<hbm>>
      tpu.wait_dma2 semaphore(%arg12 : memref<!tpu.dma_semaphore, #tpu.memory_space<semaphore_mem>>) src(%dma_wait3A_87 : memref<1x32xf32, #tpu.memory_space<hbm>>) dst(%dma_wait3A_84 : memref<1x32xf32, #tpu.memory_space<vmem>>)
      %dma_wait3A_88 = arith.constant 0 : i32
      %dma_wait3A_89 = arith.constant 0 : i32
      %dma_wait3A_90 = tpu.memref_slice %arg11[%dma_wait3A_88, %dma_wait3A_89] : memref<512x32xf32, #tpu.memory_space<vmem>> -> memref<1x32xf32, #tpu.memory_space<vmem>>
      %dma_wait3A_91 = arith.constant 0 : i32
      %dma_wait3A_92 = arith.constant 0 : i32
      %dma_wait3A_93 = tpu.memref_slice %arg3[%dma_wait3A_91, %dma_wait3A_92] : memref<1000000x32xf32, #tpu.memory_space<hbm>> -> memref<1x32xf32, #tpu.memory_space<hbm>>
      %dma_wait3A_94 = arith.constant 0 : i32
      %dma_wait3A_95 = arith.constant 0 : i32
      %dma_wait3A_96 = tpu.memref_slice %arg11[%dma_wait3A_94, %dma_wait3A_95] : memref<512x32xf32, #tpu.memory_space<vmem>> -> memref<1x32xf32, #tpu.memory_space<vmem>>
      %dma_wait3A_97 = arith.constant 0 : i32
      %dma_wait3A_98 = arith.constant 0 : i32
      %dma_wait3A_99 = tpu.memref_slice %arg3[%dma_wait3A_97, %dma_wait3A_98] : memref<1000000x32xf32, #tpu.memory_space<hbm>> -> memref<1x32xf32, #tpu.memory_space<hbm>>
      tpu.wait_dma2 semaphore(%arg12 : memref<!tpu.dma_semaphore, #tpu.memory_space<semaphore_mem>>) src(%dma_wait3A_99 : memref<1x32xf32, #tpu.memory_space<hbm>>) dst(%dma_wait3A_96 : memref<1x32xf32, #tpu.memory_space<vmem>>)
      %dma_wait3A_100 = arith.constant 0 : i32
      %dma_wait3A_101 = arith.constant 0 : i32
      %dma_wait3A_102 = tpu.memref_slice %arg11[%dma_wait3A_100, %dma_wait3A_101] : memref<512x32xf32, #tpu.memory_space<vmem>> -> memref<1x32xf32, #tpu.memory_space<vmem>>
      %dma_wait3A_103 = arith.constant 0 : i32
      %dma_wait3A_104 = arith.constant 0 : i32
      %dma_wait3A_105 = tpu.memref_slice %arg3[%dma_wait3A_103, %dma_wait3A_104] : memref<1000000x32xf32, #tpu.memory_space<hbm>> -> memref<1x32xf32, #tpu.memory_space<hbm>>
      %dma_wait3A_106 = arith.constant 0 : i32
      %dma_wait3A_107 = arith.constant 0 : i32
      %dma_wait3A_108 = tpu.memref_slice %arg11[%dma_wait3A_106, %dma_wait3A_107] : memref<512x32xf32, #tpu.memory_space<vmem>> -> memref<1x32xf32, #tpu.memory_space<vmem>>
      %dma_wait3A_109 = arith.constant 0 : i32
      %dma_wait3A_110 = arith.constant 0 : i32
      %dma_wait3A_111 = tpu.memref_slice %arg3[%dma_wait3A_109, %dma_wait3A_110] : memref<1000000x32xf32, #tpu.memory_space<hbm>> -> memref<1x32xf32, #tpu.memory_space<hbm>>
      tpu.wait_dma2 semaphore(%arg12 : memref<!tpu.dma_semaphore, #tpu.memory_space<semaphore_mem>>) src(%dma_wait3A_111 : memref<1x32xf32, #tpu.memory_space<hbm>>) dst(%dma_wait3A_108 : memref<1x32xf32, #tpu.memory_space<vmem>>)
      %dma_wait3A_112 = arith.constant 0 : i32
      %dma_wait3A_113 = arith.constant 0 : i32
      %dma_wait3A_114 = tpu.memref_slice %arg11[%dma_wait3A_112, %dma_wait3A_113] : memref<512x32xf32, #tpu.memory_space<vmem>> -> memref<1x32xf32, #tpu.memory_space<vmem>>
      %dma_wait3A_115 = arith.constant 0 : i32
      %dma_wait3A_116 = arith.constant 0 : i32
      %dma_wait3A_117 = tpu.memref_slice %arg3[%dma_wait3A_115, %dma_wait3A_116] : memref<1000000x32xf32, #tpu.memory_space<hbm>> -> memref<1x32xf32, #tpu.memory_space<hbm>>
      %dma_wait3A_118 = arith.constant 0 : i32
      %dma_wait3A_119 = arith.constant 0 : i32
      %dma_wait3A_120 = tpu.memref_slice %arg11[%dma_wait3A_118, %dma_wait3A_119] : memref<512x32xf32, #tpu.memory_space<vmem>> -> memref<1x32xf32, #tpu.memory_space<vmem>>
      %dma_wait3A_121 = arith.constant 0 : i32
      %dma_wait3A_122 = arith.constant 0 : i32
      %dma_wait3A_123 = tpu.memref_slice %arg3[%dma_wait3A_121, %dma_wait3A_122] : memref<1000000x32xf32, #tpu.memory_space<hbm>> -> memref<1x32xf32, #tpu.memory_space<hbm>>
      tpu.wait_dma2 semaphore(%arg12 : memref<!tpu.dma_semaphore, #tpu.memory_space<semaphore_mem>>) src(%dma_wait3A_123 : memref<1x32xf32, #tpu.memory_space<hbm>>) dst(%dma_wait3A_120 : memref<1x32xf32, #tpu.memory_space<vmem>>)
      %dma_wait3A_124 = arith.constant 0 : i32
      %dma_wait3A_125 = arith.constant 0 : i32
      %dma_wait3A_126 = tpu.memref_slice %arg11[%dma_wait3A_124, %dma_wait3A_125] : memref<512x32xf32, #tpu.memory_space<vmem>> -> memref<1x32xf32, #tpu.memory_space<vmem>>
      %dma_wait3A_127 = arith.constant 0 : i32
      %dma_wait3A_128 = arith.constant 0 : i32
      %dma_wait3A_129 = tpu.memref_slice %arg3[%dma_wait3A_127, %dma_wait3A_128] : memref<1000000x32xf32, #tpu.memory_space<hbm>> -> memref<1x32xf32, #tpu.memory_space<hbm>>
      %dma_wait3A_130 = arith.constant 0 : i32
      %dma_wait3A_131 = arith.constant 0 : i32
      %dma_wait3A_132 = tpu.memref_slice %arg11[%dma_wait3A_130, %dma_wait3A_131] : memref<512x32xf32, #tpu.memory_space<vmem>> -> memref<1x32xf32, #tpu.memory_space<vmem>>
      %dma_wait3A_133 = arith.constant 0 : i32
      %dma_wait3A_134 = arith.constant 0 : i32
      %dma_wait3A_135 = tpu.memref_slice %arg3[%dma_wait3A_133, %dma_wait3A_134] : memref<1000000x32xf32, #tpu.memory_space<hbm>> -> memref<1x32xf32, #tpu.memory_space<hbm>>
      tpu.wait_dma2 semaphore(%arg12 : memref<!tpu.dma_semaphore, #tpu.memory_space<semaphore_mem>>) src(%dma_wait3A_135 : memref<1x32xf32, #tpu.memory_space<hbm>>) dst(%dma_wait3A_132 : memref<1x32xf32, #tpu.memory_space<vmem>>)
      %dma_wait3A_136 = arith.constant 0 : i32
      %dma_wait3A_137 = arith.constant 0 : i32
      %dma_wait3A_138 = tpu.memref_slice %arg11[%dma_wait3A_136, %dma_wait3A_137] : memref<512x32xf32, #tpu.memory_space<vmem>> -> memref<1x32xf32, #tpu.memory_space<vmem>>
      %dma_wait3A_139 = arith.constant 0 : i32
      %dma_wait3A_140 = arith.constant 0 : i32
      %dma_wait3A_141 = tpu.memref_slice %arg3[%dma_wait3A_139, %dma_wait3A_140] : memref<1000000x32xf32, #tpu.memory_space<hbm>> -> memref<1x32xf32, #tpu.memory_space<hbm>>
      %dma_wait3A_142 = arith.constant 0 : i32
      %dma_wait3A_143 = arith.constant 0 : i32
      %dma_wait3A_144 = tpu.memref_slice %arg11[%dma_wait3A_142, %dma_wait3A_143] : memref<512x32xf32, #tpu.memory_space<vmem>> -> memref<1x32xf32, #tpu.memory_space<vmem>>
      %dma_wait3A_145 = arith.constant 0 : i32
      %dma_wait3A_146 = arith.constant 0 : i32
      %dma_wait3A_147 = tpu.memref_slice %arg3[%dma_wait3A_145, %dma_wait3A_146] : memref<1000000x32xf32, #tpu.memory_space<hbm>> -> memref<1x32xf32, #tpu.memory_space<hbm>>
      tpu.wait_dma2 semaphore(%arg12 : memref<!tpu.dma_semaphore, #tpu.memory_space<semaphore_mem>>) src(%dma_wait3A_147 : memref<1x32xf32, #tpu.memory_space<hbm>>) dst(%dma_wait3A_144 : memref<1x32xf32, #tpu.memory_space<vmem>>)
      %dma_wait3A_148 = arith.constant 0 : i32
      %dma_wait3A_149 = arith.constant 0 : i32
      %dma_wait3A_150 = tpu.memref_slice %arg11[%dma_wait3A_148, %dma_wait3A_149] : memref<512x32xf32, #tpu.memory_space<vmem>> -> memref<1x32xf32, #tpu.memory_space<vmem>>
      %dma_wait3A_151 = arith.constant 0 : i32
      %dma_wait3A_152 = arith.constant 0 : i32
      %dma_wait3A_153 = tpu.memref_slice %arg3[%dma_wait3A_151, %dma_wait3A_152] : memref<1000000x32xf32, #tpu.memory_space<hbm>> -> memref<1x32xf32, #tpu.memory_space<hbm>>
      %dma_wait3A_154 = arith.constant 0 : i32
      %dma_wait3A_155 = arith.constant 0 : i32
      %dma_wait3A_156 = tpu.memref_slice %arg11[%dma_wait3A_154, %dma_wait3A_155] : memref<512x32xf32, #tpu.memory_space<vmem>> -> memref<1x32xf32, #tpu.memory_space<vmem>>
      %dma_wait3A_157 = arith.constant 0 : i32
      %dma_wait3A_158 = arith.constant 0 : i32
      %dma_wait3A_159 = tpu.memref_slice %arg3[%dma_wait3A_157, %dma_wait3A_158] : memref<1000000x32xf32, #tpu.memory_space<hbm>> -> memref<1x32xf32, #tpu.memory_space<hbm>>
      tpu.wait_dma2 semaphore(%arg12 : memref<!tpu.dma_semaphore, #tpu.memory_space<semaphore_mem>>) src(%dma_wait3A_159 : memref<1x32xf32, #tpu.memory_space<hbm>>) dst(%dma_wait3A_156 : memref<1x32xf32, #tpu.memory_space<vmem>>)
      %dma_wait3A_160 = arith.constant 0 : i32
      %dma_wait3A_161 = arith.constant 0 : i32
      %dma_wait3A_162 = tpu.memref_slice %arg11[%dma_wait3A_160, %dma_wait3A_161] : memref<512x32xf32, #tpu.memory_space<vmem>> -> memref<1x32xf32, #tpu.memory_space<vmem>>
      %dma_wait3A_163 = arith.constant 0 : i32
      %dma_wait3A_164 = arith.constant 0 : i32
      %dma_wait3A_165 = tpu.memref_slice %arg3[%dma_wait3A_163, %dma_wait3A_164] : memref<1000000x32xf32, #tpu.memory_space<hbm>> -> memref<1x32xf32, #tpu.memory_space<hbm>>
      %dma_wait3A_166 = arith.constant 0 : i32
      %dma_wait3A_167 = arith.constant 0 : i32
      %dma_wait3A_168 = tpu.memref_slice %arg11[%dma_wait3A_166, %dma_wait3A_167] : memref<512x32xf32, #tpu.memory_space<vmem>> -> memref<1x32xf32, #tpu.memory_space<vmem>>
      %dma_wait3A_169 = arith.constant 0 : i32
      %dma_wait3A_170 = arith.constant 0 : i32
      %dma_wait3A_171 = tpu.memref_slice %arg3[%dma_wait3A_169, %dma_wait3A_170] : memref<1000000x32xf32, #tpu.memory_space<hbm>> -> memref<1x32xf32, #tpu.memory_space<hbm>>
      tpu.wait_dma2 semaphore(%arg12 : memref<!tpu.dma_semaphore, #tpu.memory_space<semaphore_mem>>) src(%dma_wait3A_171 : memref<1x32xf32, #tpu.memory_space<hbm>>) dst(%dma_wait3A_168 : memref<1x32xf32, #tpu.memory_space<vmem>>)
      %dma_wait3A_172 = arith.constant 0 : i32
      %dma_wait3A_173 = arith.constant 0 : i32
      %dma_wait3A_174 = tpu.memref_slice %arg11[%dma_wait3A_172, %dma_wait3A_173] : memref<512x32xf32, #tpu.memory_space<vmem>> -> memref<1x32xf32, #tpu.memory_space<vmem>>
      %dma_wait3A_175 = arith.constant 0 : i32
      %dma_wait3A_176 = arith.constant 0 : i32
      %dma_wait3A_177 = tpu.memref_slice %arg3[%dma_wait3A_175, %dma_wait3A_176] : memref<1000000x32xf32, #tpu.memory_space<hbm>> -> memref<1x32xf32, #tpu.memory_space<hbm>>
      %dma_wait3A_178 = arith.constant 0 : i32
      %dma_wait3A_179 = arith.constant 0 : i32
      %dma_wait3A_180 = tpu.memref_slice %arg11[%dma_wait3A_178, %dma_wait3A_179] : memref<512x32xf32, #tpu.memory_space<vmem>> -> memref<1x32xf32, #tpu.memory_space<vmem>>
      %dma_wait3A_181 = arith.constant 0 : i32
      %dma_wait3A_182 = arith.constant 0 : i32
      %dma_wait3A_183 = tpu.memref_slice %arg3[%dma_wait3A_181, %dma_wait3A_182] : memref<1000000x32xf32, #tpu.memory_space<hbm>> -> memref<1x32xf32, #tpu.memory_space<hbm>>
      tpu.wait_dma2 semaphore(%arg12 : memref<!tpu.dma_semaphore, #tpu.memory_space<semaphore_mem>>) src(%dma_wait3A_183 : memref<1x32xf32, #tpu.memory_space<hbm>>) dst(%dma_wait3A_180 : memref<1x32xf32, #tpu.memory_space<vmem>>)
      %dma_wait3A_184 = arith.constant 0 : i32
      %dma_wait3A_185 = arith.constant 0 : i32
      %dma_wait3A_186 = tpu.memref_slice %arg11[%dma_wait3A_184, %dma_wait3A_185] : memref<512x32xf32, #tpu.memory_space<vmem>> -> memref<1x32xf32, #tpu.memory_space<vmem>>
      %dma_wait3A_187 = arith.constant 0 : i32
      %dma_wait3A_188 = arith.constant 0 : i32
      %dma_wait3A_189 = tpu.memref_slice %arg3[%dma_wait3A_187, %dma_wait3A_188] : memref<1000000x32xf32, #tpu.memory_space<hbm>> -> memref<1x32xf32, #tpu.memory_space<hbm>>
      %dma_wait3A_190 = arith.constant 0 : i32
      %dma_wait3A_191 = arith.constant 0 : i32
      %dma_wait3A_192 = tpu.memref_slice %arg11[%dma_wait3A_190, %dma_wait3A_191] : memref<512x32xf32, #tpu.memory_space<vmem>> -> memref<1x32xf32, #tpu.memory_space<vmem>>
      %dma_wait3A_193 = arith.constant 0 : i32
      %dma_wait3A_194 = arith.constant 0 : i32
      %dma_wait3A_195 = tpu.memref_slice %arg3[%dma_wait3A_193, %dma_wait3A_194] : memref<1000000x32xf32, #tpu.memory_space<hbm>> -> memref<1x32xf32, #tpu.memory_space<hbm>>
      tpu.wait_dma2 semaphore(%arg12 : memref<!tpu.dma_semaphore, #tpu.memory_space<semaphore_mem>>) src(%dma_wait3A_195 : memref<1x32xf32, #tpu.memory_space<hbm>>) dst(%dma_wait3A_192 : memref<1x32xf32, #tpu.memory_space<vmem>>)
      %dma_wait3A_196 = arith.constant 0 : i32
      %dma_wait3A_197 = arith.constant 0 : i32
      %dma_wait3A_198 = tpu.memref_slice %arg11[%dma_wait3A_196, %dma_wait3A_197] : memref<512x32xf32, #tpu.memory_space<vmem>> -> memref<1x32xf32, #tpu.memory_space<vmem>>
      %dma_wait3A_199 = arith.constant 0 : i32
      %dma_wait3A_200 = arith.constant 0 : i32
      %dma_wait3A_201 = tpu.memref_slice %arg3[%dma_wait3A_199, %dma_wait3A_200] : memref<1000000x32xf32, #tpu.memory_space<hbm>> -> memref<1x32xf32, #tpu.memory_space<hbm>>
      %dma_wait3A_202 = arith.constant 0 : i32
      %dma_wait3A_203 = arith.constant 0 : i32
      %dma_wait3A_204 = tpu.memref_slice %arg11[%dma_wait3A_202, %dma_wait3A_203] : memref<512x32xf32, #tpu.memory_space<vmem>> -> memref<1x32xf32, #tpu.memory_space<vmem>>
      %dma_wait3A_205 = arith.constant 0 : i32
      %dma_wait3A_206 = arith.constant 0 : i32
      %dma_wait3A_207 = tpu.memref_slice %arg3[%dma_wait3A_205, %dma_wait3A_206] : memref<1000000x32xf32, #tpu.memory_space<hbm>> -> memref<1x32xf32, #tpu.memory_space<hbm>>
      tpu.wait_dma2 semaphore(%arg12 : memref<!tpu.dma_semaphore, #tpu.memory_space<semaphore_mem>>) src(%dma_wait3A_207 : memref<1x32xf32, #tpu.memory_space<hbm>>) dst(%dma_wait3A_204 : memref<1x32xf32, #tpu.memory_space<vmem>>)
      %dma_wait3A_208 = arith.constant 0 : i32
      %dma_wait3A_209 = arith.constant 0 : i32
      %dma_wait3A_210 = tpu.memref_slice %arg11[%dma_wait3A_208, %dma_wait3A_209] : memref<512x32xf32, #tpu.memory_space<vmem>> -> memref<1x32xf32, #tpu.memory_space<vmem>>
      %dma_wait3A_211 = arith.constant 0 : i32
      %dma_wait3A_212 = arith.constant 0 : i32
      %dma_wait3A_213 = tpu.memref_slice %arg3[%dma_wait3A_211, %dma_wait3A_212] : memref<1000000x32xf32, #tpu.memory_space<hbm>> -> memref<1x32xf32, #tpu.memory_space<hbm>>
      %dma_wait3A_214 = arith.constant 0 : i32
      %dma_wait3A_215 = arith.constant 0 : i32
      %dma_wait3A_216 = tpu.memref_slice %arg11[%dma_wait3A_214, %dma_wait3A_215] : memref<512x32xf32, #tpu.memory_space<vmem>> -> memref<1x32xf32, #tpu.memory_space<vmem>>
      %dma_wait3A_217 = arith.constant 0 : i32
      %dma_wait3A_218 = arith.constant 0 : i32
      %dma_wait3A_219 = tpu.memref_slice %arg3[%dma_wait3A_217, %dma_wait3A_218] : memref<1000000x32xf32, #tpu.memory_space<hbm>> -> memref<1x32xf32, #tpu.memory_space<hbm>>
      tpu.wait_dma2 semaphore(%arg12 : memref<!tpu.dma_semaphore, #tpu.memory_space<semaphore_mem>>) src(%dma_wait3A_219 : memref<1x32xf32, #tpu.memory_space<hbm>>) dst(%dma_wait3A_216 : memref<1x32xf32, #tpu.memory_space<vmem>>)
      %dma_wait3A_220 = arith.constant 0 : i32
      %dma_wait3A_221 = arith.constant 0 : i32
      %dma_wait3A_222 = tpu.memref_slice %arg11[%dma_wait3A_220, %dma_wait3A_221] : memref<512x32xf32, #tpu.memory_space<vmem>> -> memref<1x32xf32, #tpu.memory_space<vmem>>
      %dma_wait3A_223 = arith.constant 0 : i32
      %dma_wait3A_224 = arith.constant 0 : i32
      %dma_wait3A_225 = tpu.memref_slice %arg3[%dma_wait3A_223, %dma_wait3A_224] : memref<1000000x32xf32, #tpu.memory_space<hbm>> -> memref<1x32xf32, #tpu.memory_space<hbm>>
      %dma_wait3A_226 = arith.constant 0 : i32
      %dma_wait3A_227 = arith.constant 0 : i32
      %dma_wait3A_228 = tpu.memref_slice %arg11[%dma_wait3A_226, %dma_wait3A_227] : memref<512x32xf32, #tpu.memory_space<vmem>> -> memref<1x32xf32, #tpu.memory_space<vmem>>
      %dma_wait3A_229 = arith.constant 0 : i32
      %dma_wait3A_230 = arith.constant 0 : i32
      %dma_wait3A_231 = tpu.memref_slice %arg3[%dma_wait3A_229, %dma_wait3A_230] : memref<1000000x32xf32, #tpu.memory_space<hbm>> -> memref<1x32xf32, #tpu.memory_space<hbm>>
      tpu.wait_dma2 semaphore(%arg12 : memref<!tpu.dma_semaphore, #tpu.memory_space<semaphore_mem>>) src(%dma_wait3A_231 : memref<1x32xf32, #tpu.memory_space<hbm>>) dst(%dma_wait3A_228 : memref<1x32xf32, #tpu.memory_space<vmem>>)
      %dma_wait3A_232 = arith.constant 0 : i32
      %dma_wait3A_233 = arith.constant 0 : i32
      %dma_wait3A_234 = tpu.memref_slice %arg11[%dma_wait3A_232, %dma_wait3A_233] : memref<512x32xf32, #tpu.memory_space<vmem>> -> memref<1x32xf32, #tpu.memory_space<vmem>>
      %dma_wait3A_235 = arith.constant 0 : i32
      %dma_wait3A_236 = arith.constant 0 : i32
      %dma_wait3A_237 = tpu.memref_slice %arg3[%dma_wait3A_235, %dma_wait3A_236] : memref<1000000x32xf32, #tpu.memory_space<hbm>> -> memref<1x32xf32, #tpu.memory_space<hbm>>
      %dma_wait3A_238 = arith.constant 0 : i32
      %dma_wait3A_239 = arith.constant 0 : i32
      %dma_wait3A_240 = tpu.memref_slice %arg11[%dma_wait3A_238, %dma_wait3A_239] : memref<512x32xf32, #tpu.memory_space<vmem>> -> memref<1x32xf32, #tpu.memory_space<vmem>>
      %dma_wait3A_241 = arith.constant 0 : i32
      %dma_wait3A_242 = arith.constant 0 : i32
      %dma_wait3A_243 = tpu.memref_slice %arg3[%dma_wait3A_241, %dma_wait3A_242] : memref<1000000x32xf32, #tpu.memory_space<hbm>> -> memref<1x32xf32, #tpu.memory_space<hbm>>
      tpu.wait_dma2 semaphore(%arg12 : memref<!tpu.dma_semaphore, #tpu.memory_space<semaphore_mem>>) src(%dma_wait3A_243 : memref<1x32xf32, #tpu.memory_space<hbm>>) dst(%dma_wait3A_240 : memref<1x32xf32, #tpu.memory_space<vmem>>)
      %scan3A_244 = arith.constant 0 : i32
      scf.yield %scan3A_244 : i32
    }
    %scan3A_22 = arith.constant 32 : i32
    "tpu.region"() ({
      %run_scoped3A = tpu.sem_alloc : memref<!tpu.dma_semaphore, #tpu.memory_space<semaphore_mem>>
      %dma_start3A = arith.constant 0 : i32
      %dma_start3A_51 = tpu.memref_slice %arg6[%mul3A_2, %dma_start3A] : memref<16384x32xf32, #tpu.memory_space<hbm>> -> memref<512x32xf32, #tpu.memory_space<hbm>>
      %dma_start3A_52 = arith.constant 0 : i32
      %dma_start3A_53 = tpu.memref_slice %arg6[%mul3A_2, %dma_start3A_52] : memref<16384x32xf32, #tpu.memory_space<hbm>> -> memref<512x32xf32, #tpu.memory_space<hbm>>
      tpu.enqueue_dma source(%arg11 : memref<512x32xf32, #tpu.memory_space<vmem>>) target(%dma_start3A_53 : memref<512x32xf32, #tpu.memory_space<hbm>>) target_semaphore(%run_scoped3A : memref<!tpu.dma_semaphore, #tpu.memory_space<semaphore_mem>>)
      %dma_wait3A = arith.constant 0 : i32
      %dma_wait3A_54 = tpu.memref_slice %arg6[%mul3A_2, %dma_wait3A] : memref<16384x32xf32, #tpu.memory_space<hbm>> -> memref<512x32xf32, #tpu.memory_space<hbm>>
      %dma_wait3A_55 = arith.constant 0 : i32
      %dma_wait3A_56 = tpu.memref_slice %arg6[%mul3A_2, %dma_wait3A_55] : memref<16384x32xf32, #tpu.memory_space<hbm>> -> memref<512x32xf32, #tpu.memory_space<hbm>>
      tpu.wait_dma2 semaphore(%run_scoped3A : memref<!tpu.dma_semaphore, #tpu.memory_space<semaphore_mem>>) src(%arg11 : memref<512x32xf32, #tpu.memory_space<vmem>>) dst(%dma_wait3A_56 : memref<512x32xf32, #tpu.memory_space<hbm>>)
      tpu.yield
    }) : () -> ()
    %scan3A_23 = arith.constant 0 : i32
    %scan3A_24 = arith.constant 0 : i32
    %scan3A_25 = arith.constant 32 : i32
    %scan3A_26 = arith.addi %scan3A_24, %scan3A_25 : i32
    %scan3A_27 = arith.constant 1 : i32
    %scan3A_28 = scf.for %scan3A_51 = %scan3A_24 to %scan3A_26 step %scan3A_27 iter_args(%scan3A_52 = %scan3A_23) -> (i32)  : i32 {
      %mul3A_53 = arith.constant 16 : i32
      %mul3A_54 = arith.muli %scan3A_51, %mul3A_53 : i32
      %add3A_55 = arith.constant 0 : i32
      %add3A_56 = arith.addi %mul3A_54, %add3A_55 : i32
      %get3A = arith.constant 0 : i32
      %get3A_57 = arith.index_cast %get3A : i32 to index
      %get3A_58 = arith.index_cast %add3A_56 : i32 to index
      %get3A_59 = memref.load %arg10[%get3A_57, %get3A_58] : memref<1x512xi32, #tpu.memory_space<smem>>
      %add3A_60 = arith.constant 0 : i32
      %add3A_61 = arith.addi %mul3A_54, %add3A_60 : i32
      %dma_start3A = arith.constant 0 : i32
      %dma_start3A_62 = tpu.memref_slice %arg11[%add3A_61, %dma_start3A] : memref<512x32xf32, #tpu.memory_space<vmem>> -> memref<1x32xf32, #tpu.memory_space<vmem>>
      %dma_start3A_63 = arith.constant 0 : i32
      %dma_start3A_64 = tpu.memref_slice %arg4[%get3A_59, %dma_start3A_63] : memref<1000000x32xf32, #tpu.memory_space<hbm>> -> memref<1x32xf32, #tpu.memory_space<hbm>>
      %dma_start3A_65 = arith.constant 0 : i32
      %dma_start3A_66 = tpu.memref_slice %arg11[%add3A_61, %dma_start3A_65] : memref<512x32xf32, #tpu.memory_space<vmem>> -> memref<1x32xf32, #tpu.memory_space<vmem>>
      %dma_start3A_67 = arith.constant 0 : i32
      %dma_start3A_68 = tpu.memref_slice %arg4[%get3A_59, %dma_start3A_67] : memref<1000000x32xf32, #tpu.memory_space<hbm>> -> memref<1x32xf32, #tpu.memory_space<hbm>>
      tpu.enqueue_dma source(%dma_start3A_68 : memref<1x32xf32, #tpu.memory_space<hbm>>) target(%dma_start3A_66 : memref<1x32xf32, #tpu.memory_space<vmem>>) target_semaphore(%arg12 : memref<!tpu.dma_semaphore, #tpu.memory_space<semaphore_mem>>)
      %add3A_69 = arith.constant 1 : i32
      %add3A_70 = arith.addi %mul3A_54, %add3A_69 : i32
      %get3A_71 = arith.constant 0 : i32
      %get3A_72 = arith.index_cast %get3A_71 : i32 to index
      %get3A_73 = arith.index_cast %add3A_70 : i32 to index
      %get3A_74 = memref.load %arg10[%get3A_72, %get3A_73] : memref<1x512xi32, #tpu.memory_space<smem>>
      %add3A_75 = arith.constant 1 : i32
      %add3A_76 = arith.addi %mul3A_54, %add3A_75 : i32
      %dma_start3A_77 = arith.constant 0 : i32
      %dma_start3A_78 = tpu.memref_slice %arg11[%add3A_76, %dma_start3A_77] : memref<512x32xf32, #tpu.memory_space<vmem>> -> memref<1x32xf32, #tpu.memory_space<vmem>>
      %dma_start3A_79 = arith.constant 0 : i32
      %dma_start3A_80 = tpu.memref_slice %arg4[%get3A_74, %dma_start3A_79] : memref<1000000x32xf32, #tpu.memory_space<hbm>> -> memref<1x32xf32, #tpu.memory_space<hbm>>
      %dma_start3A_81 = arith.constant 0 : i32
      %dma_start3A_82 = tpu.memref_slice %arg11[%add3A_76, %dma_start3A_81] : memref<512x32xf32, #tpu.memory_space<vmem>> -> memref<1x32xf32, #tpu.memory_space<vmem>>
      %dma_start3A_83 = arith.constant 0 : i32
      %dma_start3A_84 = tpu.memref_slice %arg4[%get3A_74, %dma_start3A_83] : memref<1000000x32xf32, #tpu.memory_space<hbm>> -> memref<1x32xf32, #tpu.memory_space<hbm>>
      tpu.enqueue_dma source(%dma_start3A_84 : memref<1x32xf32, #tpu.memory_space<hbm>>) target(%dma_start3A_82 : memref<1x32xf32, #tpu.memory_space<vmem>>) target_semaphore(%arg12 : memref<!tpu.dma_semaphore, #tpu.memory_space<semaphore_mem>>)
      %add3A_85 = arith.constant 2 : i32
      %add3A_86 = arith.addi %mul3A_54, %add3A_85 : i32
      %get3A_87 = arith.constant 0 : i32
      %get3A_88 = arith.index_cast %get3A_87 : i32 to index
      %get3A_89 = arith.index_cast %add3A_86 : i32 to index
      %get3A_90 = memref.load %arg10[%get3A_88, %get3A_89] : memref<1x512xi32, #tpu.memory_space<smem>>
      %add3A_91 = arith.constant 2 : i32
      %add3A_92 = arith.addi %mul3A_54, %add3A_91 : i32
      %dma_start3A_93 = arith.constant 0 : i32
      %dma_start3A_94 = tpu.memref_slice %arg11[%add3A_92, %dma_start3A_93] : memref<512x32xf32, #tpu.memory_space<vmem>> -> memref<1x32xf32, #tpu.memory_space<vmem>>
      %dma_start3A_95 = arith.constant 0 : i32
      %dma_start3A_96 = tpu.memref_slice %arg4[%get3A_90, %dma_start3A_95] : memref<1000000x32xf32, #tpu.memory_space<hbm>> -> memref<1x32xf32, #tpu.memory_space<hbm>>
      %dma_start3A_97 = arith.constant 0 : i32
      %dma_start3A_98 = tpu.memref_slice %arg11[%add3A_92, %dma_start3A_97] : memref<512x32xf32, #tpu.memory_space<vmem>> -> memref<1x32xf32, #tpu.memory_space<vmem>>
      %dma_start3A_99 = arith.constant 0 : i32
      %dma_start3A_100 = tpu.memref_slice %arg4[%get3A_90, %dma_start3A_99] : memref<1000000x32xf32, #tpu.memory_space<hbm>> -> memref<1x32xf32, #tpu.memory_space<hbm>>
      tpu.enqueue_dma source(%dma_start3A_100 : memref<1x32xf32, #tpu.memory_space<hbm>>) target(%dma_start3A_98 : memref<1x32xf32, #tpu.memory_space<vmem>>) target_semaphore(%arg12 : memref<!tpu.dma_semaphore, #tpu.memory_space<semaphore_mem>>)
      %add3A_101 = arith.constant 3 : i32
      %add3A_102 = arith.addi %mul3A_54, %add3A_101 : i32
      %get3A_103 = arith.constant 0 : i32
      %get3A_104 = arith.index_cast %get3A_103 : i32 to index
      %get3A_105 = arith.index_cast %add3A_102 : i32 to index
      %get3A_106 = memref.load %arg10[%get3A_104, %get3A_105] : memref<1x512xi32, #tpu.memory_space<smem>>
      %add3A_107 = arith.constant 3 : i32
      %add3A_108 = arith.addi %mul3A_54, %add3A_107 : i32
      %dma_start3A_109 = arith.constant 0 : i32
      %dma_start3A_110 = tpu.memref_slice %arg11[%add3A_108, %dma_start3A_109] : memref<512x32xf32, #tpu.memory_space<vmem>> -> memref<1x32xf32, #tpu.memory_space<vmem>>
      %dma_start3A_111 = arith.constant 0 : i32
      %dma_start3A_112 = tpu.memref_slice %arg4[%get3A_106, %dma_start3A_111] : memref<1000000x32xf32, #tpu.memory_space<hbm>> -> memref<1x32xf32, #tpu.memory_space<hbm>>
      %dma_start3A_113 = arith.constant 0 : i32
      %dma_start3A_114 = tpu.memref_slice %arg11[%add3A_108, %dma_start3A_113] : memref<512x32xf32, #tpu.memory_space<vmem>> -> memref<1x32xf32, #tpu.memory_space<vmem>>
      %dma_start3A_115 = arith.constant 0 : i32
      %dma_start3A_116 = tpu.memref_slice %arg4[%get3A_106, %dma_start3A_115] : memref<1000000x32xf32, #tpu.memory_space<hbm>> -> memref<1x32xf32, #tpu.memory_space<hbm>>
      tpu.enqueue_dma source(%dma_start3A_116 : memref<1x32xf32, #tpu.memory_space<hbm>>) target(%dma_start3A_114 : memref<1x32xf32, #tpu.memory_space<vmem>>) target_semaphore(%arg12 : memref<!tpu.dma_semaphore, #tpu.memory_space<semaphore_mem>>)
      %add3A_117 = arith.constant 4 : i32
      %add3A_118 = arith.addi %mul3A_54, %add3A_117 : i32
      %get3A_119 = arith.constant 0 : i32
      %get3A_120 = arith.index_cast %get3A_119 : i32 to index
      %get3A_121 = arith.index_cast %add3A_118 : i32 to index
      %get3A_122 = memref.load %arg10[%get3A_120, %get3A_121] : memref<1x512xi32, #tpu.memory_space<smem>>
      %add3A_123 = arith.constant 4 : i32
      %add3A_124 = arith.addi %mul3A_54, %add3A_123 : i32
      %dma_start3A_125 = arith.constant 0 : i32
      %dma_start3A_126 = tpu.memref_slice %arg11[%add3A_124, %dma_start3A_125] : memref<512x32xf32, #tpu.memory_space<vmem>> -> memref<1x32xf32, #tpu.memory_space<vmem>>
      %dma_start3A_127 = arith.constant 0 : i32
      %dma_start3A_128 = tpu.memref_slice %arg4[%get3A_122, %dma_start3A_127] : memref<1000000x32xf32, #tpu.memory_space<hbm>> -> memref<1x32xf32, #tpu.memory_space<hbm>>
      %dma_start3A_129 = arith.constant 0 : i32
      %dma_start3A_130 = tpu.memref_slice %arg11[%add3A_124, %dma_start3A_129] : memref<512x32xf32, #tpu.memory_space<vmem>> -> memref<1x32xf32, #tpu.memory_space<vmem>>
      %dma_start3A_131 = arith.constant 0 : i32
      %dma_start3A_132 = tpu.memref_slice %arg4[%get3A_122, %dma_start3A_131] : memref<1000000x32xf32, #tpu.memory_space<hbm>> -> memref<1x32xf32, #tpu.memory_space<hbm>>
      tpu.enqueue_dma source(%dma_start3A_132 : memref<1x32xf32, #tpu.memory_space<hbm>>) target(%dma_start3A_130 : memref<1x32xf32, #tpu.memory_space<vmem>>) target_semaphore(%arg12 : memref<!tpu.dma_semaphore, #tpu.memory_space<semaphore_mem>>)
      %add3A_133 = arith.constant 5 : i32
      %add3A_134 = arith.addi %mul3A_54, %add3A_133 : i32
      %get3A_135 = arith.constant 0 : i32
      %get3A_136 = arith.index_cast %get3A_135 : i32 to index
      %get3A_137 = arith.index_cast %add3A_134 : i32 to index
      %get3A_138 = memref.load %arg10[%get3A_136, %get3A_137] : memref<1x512xi32, #tpu.memory_space<smem>>
      %add3A_139 = arith.constant 5 : i32
      %add3A_140 = arith.addi %mul3A_54, %add3A_139 : i32
      %dma_start3A_141 = arith.constant 0 : i32
      %dma_start3A_142 = tpu.memref_slice %arg11[%add3A_140, %dma_start3A_141] : memref<512x32xf32, #tpu.memory_space<vmem>> -> memref<1x32xf32, #tpu.memory_space<vmem>>
      %dma_start3A_143 = arith.constant 0 : i32
      %dma_start3A_144 = tpu.memref_slice %arg4[%get3A_138, %dma_start3A_143] : memref<1000000x32xf32, #tpu.memory_space<hbm>> -> memref<1x32xf32, #tpu.memory_space<hbm>>
      %dma_start3A_145 = arith.constant 0 : i32
      %dma_start3A_146 = tpu.memref_slice %arg11[%add3A_140, %dma_start3A_145] : memref<512x32xf32, #tpu.memory_space<vmem>> -> memref<1x32xf32, #tpu.memory_space<vmem>>
      %dma_start3A_147 = arith.constant 0 : i32
      %dma_start3A_148 = tpu.memref_slice %arg4[%get3A_138, %dma_start3A_147] : memref<1000000x32xf32, #tpu.memory_space<hbm>> -> memref<1x32xf32, #tpu.memory_space<hbm>>
      tpu.enqueue_dma source(%dma_start3A_148 : memref<1x32xf32, #tpu.memory_space<hbm>>) target(%dma_start3A_146 : memref<1x32xf32, #tpu.memory_space<vmem>>) target_semaphore(%arg12 : memref<!tpu.dma_semaphore, #tpu.memory_space<semaphore_mem>>)
      %add3A_149 = arith.constant 6 : i32
      %add3A_150 = arith.addi %mul3A_54, %add3A_149 : i32
      %get3A_151 = arith.constant 0 : i32
      %get3A_152 = arith.index_cast %get3A_151 : i32 to index
      %get3A_153 = arith.index_cast %add3A_150 : i32 to index
      %get3A_154 = memref.load %arg10[%get3A_152, %get3A_153] : memref<1x512xi32, #tpu.memory_space<smem>>
      %add3A_155 = arith.constant 6 : i32
      %add3A_156 = arith.addi %mul3A_54, %add3A_155 : i32
      %dma_start3A_157 = arith.constant 0 : i32
      %dma_start3A_158 = tpu.memref_slice %arg11[%add3A_156, %dma_start3A_157] : memref<512x32xf32, #tpu.memory_space<vmem>> -> memref<1x32xf32, #tpu.memory_space<vmem>>
      %dma_start3A_159 = arith.constant 0 : i32
      %dma_start3A_160 = tpu.memref_slice %arg4[%get3A_154, %dma_start3A_159] : memref<1000000x32xf32, #tpu.memory_space<hbm>> -> memref<1x32xf32, #tpu.memory_space<hbm>>
      %dma_start3A_161 = arith.constant 0 : i32
      %dma_start3A_162 = tpu.memref_slice %arg11[%add3A_156, %dma_start3A_161] : memref<512x32xf32, #tpu.memory_space<vmem>> -> memref<1x32xf32, #tpu.memory_space<vmem>>
      %dma_start3A_163 = arith.constant 0 : i32
      %dma_start3A_164 = tpu.memref_slice %arg4[%get3A_154, %dma_start3A_163] : memref<1000000x32xf32, #tpu.memory_space<hbm>> -> memref<1x32xf32, #tpu.memory_space<hbm>>
      tpu.enqueue_dma source(%dma_start3A_164 : memref<1x32xf32, #tpu.memory_space<hbm>>) target(%dma_start3A_162 : memref<1x32xf32, #tpu.memory_space<vmem>>) target_semaphore(%arg12 : memref<!tpu.dma_semaphore, #tpu.memory_space<semaphore_mem>>)
      %add3A_165 = arith.constant 7 : i32
      %add3A_166 = arith.addi %mul3A_54, %add3A_165 : i32
      %get3A_167 = arith.constant 0 : i32
      %get3A_168 = arith.index_cast %get3A_167 : i32 to index
      %get3A_169 = arith.index_cast %add3A_166 : i32 to index
      %get3A_170 = memref.load %arg10[%get3A_168, %get3A_169] : memref<1x512xi32, #tpu.memory_space<smem>>
      %add3A_171 = arith.constant 7 : i32
      %add3A_172 = arith.addi %mul3A_54, %add3A_171 : i32
      %dma_start3A_173 = arith.constant 0 : i32
      %dma_start3A_174 = tpu.memref_slice %arg11[%add3A_172, %dma_start3A_173] : memref<512x32xf32, #tpu.memory_space<vmem>> -> memref<1x32xf32, #tpu.memory_space<vmem>>
      %dma_start3A_175 = arith.constant 0 : i32
      %dma_start3A_176 = tpu.memref_slice %arg4[%get3A_170, %dma_start3A_175] : memref<1000000x32xf32, #tpu.memory_space<hbm>> -> memref<1x32xf32, #tpu.memory_space<hbm>>
      %dma_start3A_177 = arith.constant 0 : i32
      %dma_start3A_178 = tpu.memref_slice %arg11[%add3A_172, %dma_start3A_177] : memref<512x32xf32, #tpu.memory_space<vmem>> -> memref<1x32xf32, #tpu.memory_space<vmem>>
      %dma_start3A_179 = arith.constant 0 : i32
      %dma_start3A_180 = tpu.memref_slice %arg4[%get3A_170, %dma_start3A_179] : memref<1000000x32xf32, #tpu.memory_space<hbm>> -> memref<1x32xf32, #tpu.memory_space<hbm>>
      tpu.enqueue_dma source(%dma_start3A_180 : memref<1x32xf32, #tpu.memory_space<hbm>>) target(%dma_start3A_178 : memref<1x32xf32, #tpu.memory_space<vmem>>) target_semaphore(%arg12 : memref<!tpu.dma_semaphore, #tpu.memory_space<semaphore_mem>>)
      %add3A_181 = arith.constant 8 : i32
      %add3A_182 = arith.addi %mul3A_54, %add3A_181 : i32
      %get3A_183 = arith.constant 0 : i32
      %get3A_184 = arith.index_cast %get3A_183 : i32 to index
      %get3A_185 = arith.index_cast %add3A_182 : i32 to index
      %get3A_186 = memref.load %arg10[%get3A_184, %get3A_185] : memref<1x512xi32, #tpu.memory_space<smem>>
      %add3A_187 = arith.constant 8 : i32
      %add3A_188 = arith.addi %mul3A_54, %add3A_187 : i32
      %dma_start3A_189 = arith.constant 0 : i32
      %dma_start3A_190 = tpu.memref_slice %arg11[%add3A_188, %dma_start3A_189] : memref<512x32xf32, #tpu.memory_space<vmem>> -> memref<1x32xf32, #tpu.memory_space<vmem>>
      %dma_start3A_191 = arith.constant 0 : i32
      %dma_start3A_192 = tpu.memref_slice %arg4[%get3A_186, %dma_start3A_191] : memref<1000000x32xf32, #tpu.memory_space<hbm>> -> memref<1x32xf32, #tpu.memory_space<hbm>>
      %dma_start3A_193 = arith.constant 0 : i32
      %dma_start3A_194 = tpu.memref_slice %arg11[%add3A_188, %dma_start3A_193] : memref<512x32xf32, #tpu.memory_space<vmem>> -> memref<1x32xf32, #tpu.memory_space<vmem>>
      %dma_start3A_195 = arith.constant 0 : i32
      %dma_start3A_196 = tpu.memref_slice %arg4[%get3A_186, %dma_start3A_195] : memref<1000000x32xf32, #tpu.memory_space<hbm>> -> memref<1x32xf32, #tpu.memory_space<hbm>>
      tpu.enqueue_dma source(%dma_start3A_196 : memref<1x32xf32, #tpu.memory_space<hbm>>) target(%dma_start3A_194 : memref<1x32xf32, #tpu.memory_space<vmem>>) target_semaphore(%arg12 : memref<!tpu.dma_semaphore, #tpu.memory_space<semaphore_mem>>)
      %add3A_197 = arith.constant 9 : i32
      %add3A_198 = arith.addi %mul3A_54, %add3A_197 : i32
      %get3A_199 = arith.constant 0 : i32
      %get3A_200 = arith.index_cast %get3A_199 : i32 to index
      %get3A_201 = arith.index_cast %add3A_198 : i32 to index
      %get3A_202 = memref.load %arg10[%get3A_200, %get3A_201] : memref<1x512xi32, #tpu.memory_space<smem>>
      %add3A_203 = arith.constant 9 : i32
      %add3A_204 = arith.addi %mul3A_54, %add3A_203 : i32
      %dma_start3A_205 = arith.constant 0 : i32
      %dma_start3A_206 = tpu.memref_slice %arg11[%add3A_204, %dma_start3A_205] : memref<512x32xf32, #tpu.memory_space<vmem>> -> memref<1x32xf32, #tpu.memory_space<vmem>>
      %dma_start3A_207 = arith.constant 0 : i32
      %dma_start3A_208 = tpu.memref_slice %arg4[%get3A_202, %dma_start3A_207] : memref<1000000x32xf32, #tpu.memory_space<hbm>> -> memref<1x32xf32, #tpu.memory_space<hbm>>
      %dma_start3A_209 = arith.constant 0 : i32
      %dma_start3A_210 = tpu.memref_slice %arg11[%add3A_204, %dma_start3A_209] : memref<512x32xf32, #tpu.memory_space<vmem>> -> memref<1x32xf32, #tpu.memory_space<vmem>>
      %dma_start3A_211 = arith.constant 0 : i32
      %dma_start3A_212 = tpu.memref_slice %arg4[%get3A_202, %dma_start3A_211] : memref<1000000x32xf32, #tpu.memory_space<hbm>> -> memref<1x32xf32, #tpu.memory_space<hbm>>
      tpu.enqueue_dma source(%dma_start3A_212 : memref<1x32xf32, #tpu.memory_space<hbm>>) target(%dma_start3A_210 : memref<1x32xf32, #tpu.memory_space<vmem>>) target_semaphore(%arg12 : memref<!tpu.dma_semaphore, #tpu.memory_space<semaphore_mem>>)
      %add3A_213 = arith.constant 10 : i32
      %add3A_214 = arith.addi %mul3A_54, %add3A_213 : i32
      %get3A_215 = arith.constant 0 : i32
      %get3A_216 = arith.index_cast %get3A_215 : i32 to index
      %get3A_217 = arith.index_cast %add3A_214 : i32 to index
      %get3A_218 = memref.load %arg10[%get3A_216, %get3A_217] : memref<1x512xi32, #tpu.memory_space<smem>>
      %add3A_219 = arith.constant 10 : i32
      %add3A_220 = arith.addi %mul3A_54, %add3A_219 : i32
      %dma_start3A_221 = arith.constant 0 : i32
      %dma_start3A_222 = tpu.memref_slice %arg11[%add3A_220, %dma_start3A_221] : memref<512x32xf32, #tpu.memory_space<vmem>> -> memref<1x32xf32, #tpu.memory_space<vmem>>
      %dma_start3A_223 = arith.constant 0 : i32
      %dma_start3A_224 = tpu.memref_slice %arg4[%get3A_218, %dma_start3A_223] : memref<1000000x32xf32, #tpu.memory_space<hbm>> -> memref<1x32xf32, #tpu.memory_space<hbm>>
      %dma_start3A_225 = arith.constant 0 : i32
      %dma_start3A_226 = tpu.memref_slice %arg11[%add3A_220, %dma_start3A_225] : memref<512x32xf32, #tpu.memory_space<vmem>> -> memref<1x32xf32, #tpu.memory_space<vmem>>
      %dma_start3A_227 = arith.constant 0 : i32
      %dma_start3A_228 = tpu.memref_slice %arg4[%get3A_218, %dma_start3A_227] : memref<1000000x32xf32, #tpu.memory_space<hbm>> -> memref<1x32xf32, #tpu.memory_space<hbm>>
      tpu.enqueue_dma source(%dma_start3A_228 : memref<1x32xf32, #tpu.memory_space<hbm>>) target(%dma_start3A_226 : memref<1x32xf32, #tpu.memory_space<vmem>>) target_semaphore(%arg12 : memref<!tpu.dma_semaphore, #tpu.memory_space<semaphore_mem>>)
      %add3A_229 = arith.constant 11 : i32
      %add3A_230 = arith.addi %mul3A_54, %add3A_229 : i32
      %get3A_231 = arith.constant 0 : i32
      %get3A_232 = arith.index_cast %get3A_231 : i32 to index
      %get3A_233 = arith.index_cast %add3A_230 : i32 to index
      %get3A_234 = memref.load %arg10[%get3A_232, %get3A_233] : memref<1x512xi32, #tpu.memory_space<smem>>
      %add3A_235 = arith.constant 11 : i32
      %add3A_236 = arith.addi %mul3A_54, %add3A_235 : i32
      %dma_start3A_237 = arith.constant 0 : i32
      %dma_start3A_238 = tpu.memref_slice %arg11[%add3A_236, %dma_start3A_237] : memref<512x32xf32, #tpu.memory_space<vmem>> -> memref<1x32xf32, #tpu.memory_space<vmem>>
      %dma_start3A_239 = arith.constant 0 : i32
      %dma_start3A_240 = tpu.memref_slice %arg4[%get3A_234, %dma_start3A_239] : memref<1000000x32xf32, #tpu.memory_space<hbm>> -> memref<1x32xf32, #tpu.memory_space<hbm>>
      %dma_start3A_241 = arith.constant 0 : i32
      %dma_start3A_242 = tpu.memref_slice %arg11[%add3A_236, %dma_start3A_241] : memref<512x32xf32, #tpu.memory_space<vmem>> -> memref<1x32xf32, #tpu.memory_space<vmem>>
      %dma_start3A_243 = arith.constant 0 : i32
      %dma_start3A_244 = tpu.memref_slice %arg4[%get3A_234, %dma_start3A_243] : memref<1000000x32xf32, #tpu.memory_space<hbm>> -> memref<1x32xf32, #tpu.memory_space<hbm>>
      tpu.enqueue_dma source(%dma_start3A_244 : memref<1x32xf32, #tpu.memory_space<hbm>>) target(%dma_start3A_242 : memref<1x32xf32, #tpu.memory_space<vmem>>) target_semaphore(%arg12 : memref<!tpu.dma_semaphore, #tpu.memory_space<semaphore_mem>>)
      %add3A_245 = arith.constant 12 : i32
      %add3A_246 = arith.addi %mul3A_54, %add3A_245 : i32
      %get3A_247 = arith.constant 0 : i32
      %get3A_248 = arith.index_cast %get3A_247 : i32 to index
      %get3A_249 = arith.index_cast %add3A_246 : i32 to index
      %get3A_250 = memref.load %arg10[%get3A_248, %get3A_249] : memref<1x512xi32, #tpu.memory_space<smem>>
      %add3A_251 = arith.constant 12 : i32
      %add3A_252 = arith.addi %mul3A_54, %add3A_251 : i32
      %dma_start3A_253 = arith.constant 0 : i32
      %dma_start3A_254 = tpu.memref_slice %arg11[%add3A_252, %dma_start3A_253] : memref<512x32xf32, #tpu.memory_space<vmem>> -> memref<1x32xf32, #tpu.memory_space<vmem>>
      %dma_start3A_255 = arith.constant 0 : i32
      %dma_start3A_256 = tpu.memref_slice %arg4[%get3A_250, %dma_start3A_255] : memref<1000000x32xf32, #tpu.memory_space<hbm>> -> memref<1x32xf32, #tpu.memory_space<hbm>>
      %dma_start3A_257 = arith.constant 0 : i32
      %dma_start3A_258 = tpu.memref_slice %arg11[%add3A_252, %dma_start3A_257] : memref<512x32xf32, #tpu.memory_space<vmem>> -> memref<1x32xf32, #tpu.memory_space<vmem>>
      %dma_start3A_259 = arith.constant 0 : i32
      %dma_start3A_260 = tpu.memref_slice %arg4[%get3A_250, %dma_start3A_259] : memref<1000000x32xf32, #tpu.memory_space<hbm>> -> memref<1x32xf32, #tpu.memory_space<hbm>>
      tpu.enqueue_dma source(%dma_start3A_260 : memref<1x32xf32, #tpu.memory_space<hbm>>) target(%dma_start3A_258 : memref<1x32xf32, #tpu.memory_space<vmem>>) target_semaphore(%arg12 : memref<!tpu.dma_semaphore, #tpu.memory_space<semaphore_mem>>)
      %add3A_261 = arith.constant 13 : i32
      %add3A_262 = arith.addi %mul3A_54, %add3A_261 : i32
      %get3A_263 = arith.constant 0 : i32
      %get3A_264 = arith.index_cast %get3A_263 : i32 to index
      %get3A_265 = arith.index_cast %add3A_262 : i32 to index
      %get3A_266 = memref.load %arg10[%get3A_264, %get3A_265] : memref<1x512xi32, #tpu.memory_space<smem>>
      %add3A_267 = arith.constant 13 : i32
      %add3A_268 = arith.addi %mul3A_54, %add3A_267 : i32
      %dma_start3A_269 = arith.constant 0 : i32
      %dma_start3A_270 = tpu.memref_slice %arg11[%add3A_268, %dma_start3A_269] : memref<512x32xf32, #tpu.memory_space<vmem>> -> memref<1x32xf32, #tpu.memory_space<vmem>>
      %dma_start3A_271 = arith.constant 0 : i32
      %dma_start3A_272 = tpu.memref_slice %arg4[%get3A_266, %dma_start3A_271] : memref<1000000x32xf32, #tpu.memory_space<hbm>> -> memref<1x32xf32, #tpu.memory_space<hbm>>
      %dma_start3A_273 = arith.constant 0 : i32
      %dma_start3A_274 = tpu.memref_slice %arg11[%add3A_268, %dma_start3A_273] : memref<512x32xf32, #tpu.memory_space<vmem>> -> memref<1x32xf32, #tpu.memory_space<vmem>>
      %dma_start3A_275 = arith.constant 0 : i32
      %dma_start3A_276 = tpu.memref_slice %arg4[%get3A_266, %dma_start3A_275] : memref<1000000x32xf32, #tpu.memory_space<hbm>> -> memref<1x32xf32, #tpu.memory_space<hbm>>
      tpu.enqueue_dma source(%dma_start3A_276 : memref<1x32xf32, #tpu.memory_space<hbm>>) target(%dma_start3A_274 : memref<1x32xf32, #tpu.memory_space<vmem>>) target_semaphore(%arg12 : memref<!tpu.dma_semaphore, #tpu.memory_space<semaphore_mem>>)
      %add3A_277 = arith.constant 14 : i32
      %add3A_278 = arith.addi %mul3A_54, %add3A_277 : i32
      %get3A_279 = arith.constant 0 : i32
      %get3A_280 = arith.index_cast %get3A_279 : i32 to index
      %get3A_281 = arith.index_cast %add3A_278 : i32 to index
      %get3A_282 = memref.load %arg10[%get3A_280, %get3A_281] : memref<1x512xi32, #tpu.memory_space<smem>>
      %add3A_283 = arith.constant 14 : i32
      %add3A_284 = arith.addi %mul3A_54, %add3A_283 : i32
      %dma_start3A_285 = arith.constant 0 : i32
      %dma_start3A_286 = tpu.memref_slice %arg11[%add3A_284, %dma_start3A_285] : memref<512x32xf32, #tpu.memory_space<vmem>> -> memref<1x32xf32, #tpu.memory_space<vmem>>
      %dma_start3A_287 = arith.constant 0 : i32
      %dma_start3A_288 = tpu.memref_slice %arg4[%get3A_282, %dma_start3A_287] : memref<1000000x32xf32, #tpu.memory_space<hbm>> -> memref<1x32xf32, #tpu.memory_space<hbm>>
      %dma_start3A_289 = arith.constant 0 : i32
      %dma_start3A_290 = tpu.memref_slice %arg11[%add3A_284, %dma_start3A_289] : memref<512x32xf32, #tpu.memory_space<vmem>> -> memref<1x32xf32, #tpu.memory_space<vmem>>
      %dma_start3A_291 = arith.constant 0 : i32
      %dma_start3A_292 = tpu.memref_slice %arg4[%get3A_282, %dma_start3A_291] : memref<1000000x32xf32, #tpu.memory_space<hbm>> -> memref<1x32xf32, #tpu.memory_space<hbm>>
      tpu.enqueue_dma source(%dma_start3A_292 : memref<1x32xf32, #tpu.memory_space<hbm>>) target(%dma_start3A_290 : memref<1x32xf32, #tpu.memory_space<vmem>>) target_semaphore(%arg12 : memref<!tpu.dma_semaphore, #tpu.memory_space<semaphore_mem>>)
      %add3A_293 = arith.constant 15 : i32
      %add3A_294 = arith.addi %mul3A_54, %add3A_293 : i32
      %get3A_295 = arith.constant 0 : i32
      %get3A_296 = arith.index_cast %get3A_295 : i32 to index
      %get3A_297 = arith.index_cast %add3A_294 : i32 to index
      %get3A_298 = memref.load %arg10[%get3A_296, %get3A_297] : memref<1x512xi32, #tpu.memory_space<smem>>
      %add3A_299 = arith.constant 15 : i32
      %add3A_300 = arith.addi %mul3A_54, %add3A_299 : i32
      %dma_start3A_301 = arith.constant 0 : i32
      %dma_start3A_302 = tpu.memref_slice %arg11[%add3A_300, %dma_start3A_301] : memref<512x32xf32, #tpu.memory_space<vmem>> -> memref<1x32xf32, #tpu.memory_space<vmem>>
      %dma_start3A_303 = arith.constant 0 : i32
      %dma_start3A_304 = tpu.memref_slice %arg4[%get3A_298, %dma_start3A_303] : memref<1000000x32xf32, #tpu.memory_space<hbm>> -> memref<1x32xf32, #tpu.memory_space<hbm>>
      %dma_start3A_305 = arith.constant 0 : i32
      %dma_start3A_306 = tpu.memref_slice %arg11[%add3A_300, %dma_start3A_305] : memref<512x32xf32, #tpu.memory_space<vmem>> -> memref<1x32xf32, #tpu.memory_space<vmem>>
      %dma_start3A_307 = arith.constant 0 : i32
      %dma_start3A_308 = tpu.memref_slice %arg4[%get3A_298, %dma_start3A_307] : memref<1000000x32xf32, #tpu.memory_space<hbm>> -> memref<1x32xf32, #tpu.memory_space<hbm>>
      tpu.enqueue_dma source(%dma_start3A_308 : memref<1x32xf32, #tpu.memory_space<hbm>>) target(%dma_start3A_306 : memref<1x32xf32, #tpu.memory_space<vmem>>) target_semaphore(%arg12 : memref<!tpu.dma_semaphore, #tpu.memory_space<semaphore_mem>>)
      %scan3A_309 = arith.constant 0 : i32
      scf.yield %scan3A_309 : i32
    }
    %scan3A_29 = arith.constant 32 : i32
    %scan3A_30 = arith.constant 0 : i32
    %scan3A_31 = arith.constant 0 : i32
    %scan3A_32 = arith.constant 32 : i32
    %scan3A_33 = arith.addi %scan3A_31, %scan3A_32 : i32
    %scan3A_34 = arith.constant 1 : i32
    %scan3A_35 = scf.for %scan3A_51 = %scan3A_31 to %scan3A_33 step %scan3A_34 iter_args(%scan3A_52 = %scan3A_30) -> (i32)  : i32 {
      %dma_wait3A = arith.constant 0 : i32
      %dma_wait3A_53 = arith.constant 0 : i32
      %dma_wait3A_54 = tpu.memref_slice %arg11[%dma_wait3A, %dma_wait3A_53] : memref<512x32xf32, #tpu.memory_space<vmem>> -> memref<1x32xf32, #tpu.memory_space<vmem>>
      %dma_wait3A_55 = arith.constant 0 : i32
      %dma_wait3A_56 = arith.constant 0 : i32
      %dma_wait3A_57 = tpu.memref_slice %arg4[%dma_wait3A_55, %dma_wait3A_56] : memref<1000000x32xf32, #tpu.memory_space<hbm>> -> memref<1x32xf32, #tpu.memory_space<hbm>>
      %dma_wait3A_58 = arith.constant 0 : i32
      %dma_wait3A_59 = arith.constant 0 : i32
      %dma_wait3A_60 = tpu.memref_slice %arg11[%dma_wait3A_58, %dma_wait3A_59] : memref<512x32xf32, #tpu.memory_space<vmem>> -> memref<1x32xf32, #tpu.memory_space<vmem>>
      %dma_wait3A_61 = arith.constant 0 : i32
      %dma_wait3A_62 = arith.constant 0 : i32
      %dma_wait3A_63 = tpu.memref_slice %arg4[%dma_wait3A_61, %dma_wait3A_62] : memref<1000000x32xf32, #tpu.memory_space<hbm>> -> memref<1x32xf32, #tpu.memory_space<hbm>>
      tpu.wait_dma2 semaphore(%arg12 : memref<!tpu.dma_semaphore, #tpu.memory_space<semaphore_mem>>) src(%dma_wait3A_63 : memref<1x32xf32, #tpu.memory_space<hbm>>) dst(%dma_wait3A_60 : memref<1x32xf32, #tpu.memory_space<vmem>>)
      %dma_wait3A_64 = arith.constant 0 : i32
      %dma_wait3A_65 = arith.constant 0 : i32
      %dma_wait3A_66 = tpu.memref_slice %arg11[%dma_wait3A_64, %dma_wait3A_65] : memref<512x32xf32, #tpu.memory_space<vmem>> -> memref<1x32xf32, #tpu.memory_space<vmem>>
      %dma_wait3A_67 = arith.constant 0 : i32
      %dma_wait3A_68 = arith.constant 0 : i32
      %dma_wait3A_69 = tpu.memref_slice %arg4[%dma_wait3A_67, %dma_wait3A_68] : memref<1000000x32xf32, #tpu.memory_space<hbm>> -> memref<1x32xf32, #tpu.memory_space<hbm>>
      %dma_wait3A_70 = arith.constant 0 : i32
      %dma_wait3A_71 = arith.constant 0 : i32
      %dma_wait3A_72 = tpu.memref_slice %arg11[%dma_wait3A_70, %dma_wait3A_71] : memref<512x32xf32, #tpu.memory_space<vmem>> -> memref<1x32xf32, #tpu.memory_space<vmem>>
      %dma_wait3A_73 = arith.constant 0 : i32
      %dma_wait3A_74 = arith.constant 0 : i32
      %dma_wait3A_75 = tpu.memref_slice %arg4[%dma_wait3A_73, %dma_wait3A_74] : memref<1000000x32xf32, #tpu.memory_space<hbm>> -> memref<1x32xf32, #tpu.memory_space<hbm>>
      tpu.wait_dma2 semaphore(%arg12 : memref<!tpu.dma_semaphore, #tpu.memory_space<semaphore_mem>>) src(%dma_wait3A_75 : memref<1x32xf32, #tpu.memory_space<hbm>>) dst(%dma_wait3A_72 : memref<1x32xf32, #tpu.memory_space<vmem>>)
      %dma_wait3A_76 = arith.constant 0 : i32
      %dma_wait3A_77 = arith.constant 0 : i32
      %dma_wait3A_78 = tpu.memref_slice %arg11[%dma_wait3A_76, %dma_wait3A_77] : memref<512x32xf32, #tpu.memory_space<vmem>> -> memref<1x32xf32, #tpu.memory_space<vmem>>
      %dma_wait3A_79 = arith.constant 0 : i32
      %dma_wait3A_80 = arith.constant 0 : i32
      %dma_wait3A_81 = tpu.memref_slice %arg4[%dma_wait3A_79, %dma_wait3A_80] : memref<1000000x32xf32, #tpu.memory_space<hbm>> -> memref<1x32xf32, #tpu.memory_space<hbm>>
      %dma_wait3A_82 = arith.constant 0 : i32
      %dma_wait3A_83 = arith.constant 0 : i32
      %dma_wait3A_84 = tpu.memref_slice %arg11[%dma_wait3A_82, %dma_wait3A_83] : memref<512x32xf32, #tpu.memory_space<vmem>> -> memref<1x32xf32, #tpu.memory_space<vmem>>
      %dma_wait3A_85 = arith.constant 0 : i32
      %dma_wait3A_86 = arith.constant 0 : i32
      %dma_wait3A_87 = tpu.memref_slice %arg4[%dma_wait3A_85, %dma_wait3A_86] : memref<1000000x32xf32, #tpu.memory_space<hbm>> -> memref<1x32xf32, #tpu.memory_space<hbm>>
      tpu.wait_dma2 semaphore(%arg12 : memref<!tpu.dma_semaphore, #tpu.memory_space<semaphore_mem>>) src(%dma_wait3A_87 : memref<1x32xf32, #tpu.memory_space<hbm>>) dst(%dma_wait3A_84 : memref<1x32xf32, #tpu.memory_space<vmem>>)
      %dma_wait3A_88 = arith.constant 0 : i32
      %dma_wait3A_89 = arith.constant 0 : i32
      %dma_wait3A_90 = tpu.memref_slice %arg11[%dma_wait3A_88, %dma_wait3A_89] : memref<512x32xf32, #tpu.memory_space<vmem>> -> memref<1x32xf32, #tpu.memory_space<vmem>>
      %dma_wait3A_91 = arith.constant 0 : i32
      %dma_wait3A_92 = arith.constant 0 : i32
      %dma_wait3A_93 = tpu.memref_slice %arg4[%dma_wait3A_91, %dma_wait3A_92] : memref<1000000x32xf32, #tpu.memory_space<hbm>> -> memref<1x32xf32, #tpu.memory_space<hbm>>
      %dma_wait3A_94 = arith.constant 0 : i32
      %dma_wait3A_95 = arith.constant 0 : i32
      %dma_wait3A_96 = tpu.memref_slice %arg11[%dma_wait3A_94, %dma_wait3A_95] : memref<512x32xf32, #tpu.memory_space<vmem>> -> memref<1x32xf32, #tpu.memory_space<vmem>>
      %dma_wait3A_97 = arith.constant 0 : i32
      %dma_wait3A_98 = arith.constant 0 : i32
      %dma_wait3A_99 = tpu.memref_slice %arg4[%dma_wait3A_97, %dma_wait3A_98] : memref<1000000x32xf32, #tpu.memory_space<hbm>> -> memref<1x32xf32, #tpu.memory_space<hbm>>
      tpu.wait_dma2 semaphore(%arg12 : memref<!tpu.dma_semaphore, #tpu.memory_space<semaphore_mem>>) src(%dma_wait3A_99 : memref<1x32xf32, #tpu.memory_space<hbm>>) dst(%dma_wait3A_96 : memref<1x32xf32, #tpu.memory_space<vmem>>)
      %dma_wait3A_100 = arith.constant 0 : i32
      %dma_wait3A_101 = arith.constant 0 : i32
      %dma_wait3A_102 = tpu.memref_slice %arg11[%dma_wait3A_100, %dma_wait3A_101] : memref<512x32xf32, #tpu.memory_space<vmem>> -> memref<1x32xf32, #tpu.memory_space<vmem>>
      %dma_wait3A_103 = arith.constant 0 : i32
      %dma_wait3A_104 = arith.constant 0 : i32
      %dma_wait3A_105 = tpu.memref_slice %arg4[%dma_wait3A_103, %dma_wait3A_104] : memref<1000000x32xf32, #tpu.memory_space<hbm>> -> memref<1x32xf32, #tpu.memory_space<hbm>>
      %dma_wait3A_106 = arith.constant 0 : i32
      %dma_wait3A_107 = arith.constant 0 : i32
      %dma_wait3A_108 = tpu.memref_slice %arg11[%dma_wait3A_106, %dma_wait3A_107] : memref<512x32xf32, #tpu.memory_space<vmem>> -> memref<1x32xf32, #tpu.memory_space<vmem>>
      %dma_wait3A_109 = arith.constant 0 : i32
      %dma_wait3A_110 = arith.constant 0 : i32
      %dma_wait3A_111 = tpu.memref_slice %arg4[%dma_wait3A_109, %dma_wait3A_110] : memref<1000000x32xf32, #tpu.memory_space<hbm>> -> memref<1x32xf32, #tpu.memory_space<hbm>>
      tpu.wait_dma2 semaphore(%arg12 : memref<!tpu.dma_semaphore, #tpu.memory_space<semaphore_mem>>) src(%dma_wait3A_111 : memref<1x32xf32, #tpu.memory_space<hbm>>) dst(%dma_wait3A_108 : memref<1x32xf32, #tpu.memory_space<vmem>>)
      %dma_wait3A_112 = arith.constant 0 : i32
      %dma_wait3A_113 = arith.constant 0 : i32
      %dma_wait3A_114 = tpu.memref_slice %arg11[%dma_wait3A_112, %dma_wait3A_113] : memref<512x32xf32, #tpu.memory_space<vmem>> -> memref<1x32xf32, #tpu.memory_space<vmem>>
      %dma_wait3A_115 = arith.constant 0 : i32
      %dma_wait3A_116 = arith.constant 0 : i32
      %dma_wait3A_117 = tpu.memref_slice %arg4[%dma_wait3A_115, %dma_wait3A_116] : memref<1000000x32xf32, #tpu.memory_space<hbm>> -> memref<1x32xf32, #tpu.memory_space<hbm>>
      %dma_wait3A_118 = arith.constant 0 : i32
      %dma_wait3A_119 = arith.constant 0 : i32
      %dma_wait3A_120 = tpu.memref_slice %arg11[%dma_wait3A_118, %dma_wait3A_119] : memref<512x32xf32, #tpu.memory_space<vmem>> -> memref<1x32xf32, #tpu.memory_space<vmem>>
      %dma_wait3A_121 = arith.constant 0 : i32
      %dma_wait3A_122 = arith.constant 0 : i32
      %dma_wait3A_123 = tpu.memref_slice %arg4[%dma_wait3A_121, %dma_wait3A_122] : memref<1000000x32xf32, #tpu.memory_space<hbm>> -> memref<1x32xf32, #tpu.memory_space<hbm>>
      tpu.wait_dma2 semaphore(%arg12 : memref<!tpu.dma_semaphore, #tpu.memory_space<semaphore_mem>>) src(%dma_wait3A_123 : memref<1x32xf32, #tpu.memory_space<hbm>>) dst(%dma_wait3A_120 : memref<1x32xf32, #tpu.memory_space<vmem>>)
      %dma_wait3A_124 = arith.constant 0 : i32
      %dma_wait3A_125 = arith.constant 0 : i32
      %dma_wait3A_126 = tpu.memref_slice %arg11[%dma_wait3A_124, %dma_wait3A_125] : memref<512x32xf32, #tpu.memory_space<vmem>> -> memref<1x32xf32, #tpu.memory_space<vmem>>
      %dma_wait3A_127 = arith.constant 0 : i32
      %dma_wait3A_128 = arith.constant 0 : i32
      %dma_wait3A_129 = tpu.memref_slice %arg4[%dma_wait3A_127, %dma_wait3A_128] : memref<1000000x32xf32, #tpu.memory_space<hbm>> -> memref<1x32xf32, #tpu.memory_space<hbm>>
      %dma_wait3A_130 = arith.constant 0 : i32
      %dma_wait3A_131 = arith.constant 0 : i32
      %dma_wait3A_132 = tpu.memref_slice %arg11[%dma_wait3A_130, %dma_wait3A_131] : memref<512x32xf32, #tpu.memory_space<vmem>> -> memref<1x32xf32, #tpu.memory_space<vmem>>
      %dma_wait3A_133 = arith.constant 0 : i32
      %dma_wait3A_134 = arith.constant 0 : i32
      %dma_wait3A_135 = tpu.memref_slice %arg4[%dma_wait3A_133, %dma_wait3A_134] : memref<1000000x32xf32, #tpu.memory_space<hbm>> -> memref<1x32xf32, #tpu.memory_space<hbm>>
      tpu.wait_dma2 semaphore(%arg12 : memref<!tpu.dma_semaphore, #tpu.memory_space<semaphore_mem>>) src(%dma_wait3A_135 : memref<1x32xf32, #tpu.memory_space<hbm>>) dst(%dma_wait3A_132 : memref<1x32xf32, #tpu.memory_space<vmem>>)
      %dma_wait3A_136 = arith.constant 0 : i32
      %dma_wait3A_137 = arith.constant 0 : i32
      %dma_wait3A_138 = tpu.memref_slice %arg11[%dma_wait3A_136, %dma_wait3A_137] : memref<512x32xf32, #tpu.memory_space<vmem>> -> memref<1x32xf32, #tpu.memory_space<vmem>>
      %dma_wait3A_139 = arith.constant 0 : i32
      %dma_wait3A_140 = arith.constant 0 : i32
      %dma_wait3A_141 = tpu.memref_slice %arg4[%dma_wait3A_139, %dma_wait3A_140] : memref<1000000x32xf32, #tpu.memory_space<hbm>> -> memref<1x32xf32, #tpu.memory_space<hbm>>
      %dma_wait3A_142 = arith.constant 0 : i32
      %dma_wait3A_143 = arith.constant 0 : i32
      %dma_wait3A_144 = tpu.memref_slice %arg11[%dma_wait3A_142, %dma_wait3A_143] : memref<512x32xf32, #tpu.memory_space<vmem>> -> memref<1x32xf32, #tpu.memory_space<vmem>>
      %dma_wait3A_145 = arith.constant 0 : i32
      %dma_wait3A_146 = arith.constant 0 : i32
      %dma_wait3A_147 = tpu.memref_slice %arg4[%dma_wait3A_145, %dma_wait3A_146] : memref<1000000x32xf32, #tpu.memory_space<hbm>> -> memref<1x32xf32, #tpu.memory_space<hbm>>
      tpu.wait_dma2 semaphore(%arg12 : memref<!tpu.dma_semaphore, #tpu.memory_space<semaphore_mem>>) src(%dma_wait3A_147 : memref<1x32xf32, #tpu.memory_space<hbm>>) dst(%dma_wait3A_144 : memref<1x32xf32, #tpu.memory_space<vmem>>)
      %dma_wait3A_148 = arith.constant 0 : i32
      %dma_wait3A_149 = arith.constant 0 : i32
      %dma_wait3A_150 = tpu.memref_slice %arg11[%dma_wait3A_148, %dma_wait3A_149] : memref<512x32xf32, #tpu.memory_space<vmem>> -> memref<1x32xf32, #tpu.memory_space<vmem>>
      %dma_wait3A_151 = arith.constant 0 : i32
      %dma_wait3A_152 = arith.constant 0 : i32
      %dma_wait3A_153 = tpu.memref_slice %arg4[%dma_wait3A_151, %dma_wait3A_152] : memref<1000000x32xf32, #tpu.memory_space<hbm>> -> memref<1x32xf32, #tpu.memory_space<hbm>>
      %dma_wait3A_154 = arith.constant 0 : i32
      %dma_wait3A_155 = arith.constant 0 : i32
      %dma_wait3A_156 = tpu.memref_slice %arg11[%dma_wait3A_154, %dma_wait3A_155] : memref<512x32xf32, #tpu.memory_space<vmem>> -> memref<1x32xf32, #tpu.memory_space<vmem>>
      %dma_wait3A_157 = arith.constant 0 : i32
      %dma_wait3A_158 = arith.constant 0 : i32
      %dma_wait3A_159 = tpu.memref_slice %arg4[%dma_wait3A_157, %dma_wait3A_158] : memref<1000000x32xf32, #tpu.memory_space<hbm>> -> memref<1x32xf32, #tpu.memory_space<hbm>>
      tpu.wait_dma2 semaphore(%arg12 : memref<!tpu.dma_semaphore, #tpu.memory_space<semaphore_mem>>) src(%dma_wait3A_159 : memref<1x32xf32, #tpu.memory_space<hbm>>) dst(%dma_wait3A_156 : memref<1x32xf32, #tpu.memory_space<vmem>>)
      %dma_wait3A_160 = arith.constant 0 : i32
      %dma_wait3A_161 = arith.constant 0 : i32
      %dma_wait3A_162 = tpu.memref_slice %arg11[%dma_wait3A_160, %dma_wait3A_161] : memref<512x32xf32, #tpu.memory_space<vmem>> -> memref<1x32xf32, #tpu.memory_space<vmem>>
      %dma_wait3A_163 = arith.constant 0 : i32
      %dma_wait3A_164 = arith.constant 0 : i32
      %dma_wait3A_165 = tpu.memref_slice %arg4[%dma_wait3A_163, %dma_wait3A_164] : memref<1000000x32xf32, #tpu.memory_space<hbm>> -> memref<1x32xf32, #tpu.memory_space<hbm>>
      %dma_wait3A_166 = arith.constant 0 : i32
      %dma_wait3A_167 = arith.constant 0 : i32
      %dma_wait3A_168 = tpu.memref_slice %arg11[%dma_wait3A_166, %dma_wait3A_167] : memref<512x32xf32, #tpu.memory_space<vmem>> -> memref<1x32xf32, #tpu.memory_space<vmem>>
      %dma_wait3A_169 = arith.constant 0 : i32
      %dma_wait3A_170 = arith.constant 0 : i32
      %dma_wait3A_171 = tpu.memref_slice %arg4[%dma_wait3A_169, %dma_wait3A_170] : memref<1000000x32xf32, #tpu.memory_space<hbm>> -> memref<1x32xf32, #tpu.memory_space<hbm>>
      tpu.wait_dma2 semaphore(%arg12 : memref<!tpu.dma_semaphore, #tpu.memory_space<semaphore_mem>>) src(%dma_wait3A_171 : memref<1x32xf32, #tpu.memory_space<hbm>>) dst(%dma_wait3A_168 : memref<1x32xf32, #tpu.memory_space<vmem>>)
      %dma_wait3A_172 = arith.constant 0 : i32
      %dma_wait3A_173 = arith.constant 0 : i32
      %dma_wait3A_174 = tpu.memref_slice %arg11[%dma_wait3A_172, %dma_wait3A_173] : memref<512x32xf32, #tpu.memory_space<vmem>> -> memref<1x32xf32, #tpu.memory_space<vmem>>
      %dma_wait3A_175 = arith.constant 0 : i32
      %dma_wait3A_176 = arith.constant 0 : i32
      %dma_wait3A_177 = tpu.memref_slice %arg4[%dma_wait3A_175, %dma_wait3A_176] : memref<1000000x32xf32, #tpu.memory_space<hbm>> -> memref<1x32xf32, #tpu.memory_space<hbm>>
      %dma_wait3A_178 = arith.constant 0 : i32
      %dma_wait3A_179 = arith.constant 0 : i32
      %dma_wait3A_180 = tpu.memref_slice %arg11[%dma_wait3A_178, %dma_wait3A_179] : memref<512x32xf32, #tpu.memory_space<vmem>> -> memref<1x32xf32, #tpu.memory_space<vmem>>
      %dma_wait3A_181 = arith.constant 0 : i32
      %dma_wait3A_182 = arith.constant 0 : i32
      %dma_wait3A_183 = tpu.memref_slice %arg4[%dma_wait3A_181, %dma_wait3A_182] : memref<1000000x32xf32, #tpu.memory_space<hbm>> -> memref<1x32xf32, #tpu.memory_space<hbm>>
      tpu.wait_dma2 semaphore(%arg12 : memref<!tpu.dma_semaphore, #tpu.memory_space<semaphore_mem>>) src(%dma_wait3A_183 : memref<1x32xf32, #tpu.memory_space<hbm>>) dst(%dma_wait3A_180 : memref<1x32xf32, #tpu.memory_space<vmem>>)
      %dma_wait3A_184 = arith.constant 0 : i32
      %dma_wait3A_185 = arith.constant 0 : i32
      %dma_wait3A_186 = tpu.memref_slice %arg11[%dma_wait3A_184, %dma_wait3A_185] : memref<512x32xf32, #tpu.memory_space<vmem>> -> memref<1x32xf32, #tpu.memory_space<vmem>>
      %dma_wait3A_187 = arith.constant 0 : i32
      %dma_wait3A_188 = arith.constant 0 : i32
      %dma_wait3A_189 = tpu.memref_slice %arg4[%dma_wait3A_187, %dma_wait3A_188] : memref<1000000x32xf32, #tpu.memory_space<hbm>> -> memref<1x32xf32, #tpu.memory_space<hbm>>
      %dma_wait3A_190 = arith.constant 0 : i32
      %dma_wait3A_191 = arith.constant 0 : i32
      %dma_wait3A_192 = tpu.memref_slice %arg11[%dma_wait3A_190, %dma_wait3A_191] : memref<512x32xf32, #tpu.memory_space<vmem>> -> memref<1x32xf32, #tpu.memory_space<vmem>>
      %dma_wait3A_193 = arith.constant 0 : i32
      %dma_wait3A_194 = arith.constant 0 : i32
      %dma_wait3A_195 = tpu.memref_slice %arg4[%dma_wait3A_193, %dma_wait3A_194] : memref<1000000x32xf32, #tpu.memory_space<hbm>> -> memref<1x32xf32, #tpu.memory_space<hbm>>
      tpu.wait_dma2 semaphore(%arg12 : memref<!tpu.dma_semaphore, #tpu.memory_space<semaphore_mem>>) src(%dma_wait3A_195 : memref<1x32xf32, #tpu.memory_space<hbm>>) dst(%dma_wait3A_192 : memref<1x32xf32, #tpu.memory_space<vmem>>)
      %dma_wait3A_196 = arith.constant 0 : i32
      %dma_wait3A_197 = arith.constant 0 : i32
      %dma_wait3A_198 = tpu.memref_slice %arg11[%dma_wait3A_196, %dma_wait3A_197] : memref<512x32xf32, #tpu.memory_space<vmem>> -> memref<1x32xf32, #tpu.memory_space<vmem>>
      %dma_wait3A_199 = arith.constant 0 : i32
      %dma_wait3A_200 = arith.constant 0 : i32
      %dma_wait3A_201 = tpu.memref_slice %arg4[%dma_wait3A_199, %dma_wait3A_200] : memref<1000000x32xf32, #tpu.memory_space<hbm>> -> memref<1x32xf32, #tpu.memory_space<hbm>>
      %dma_wait3A_202 = arith.constant 0 : i32
      %dma_wait3A_203 = arith.constant 0 : i32
      %dma_wait3A_204 = tpu.memref_slice %arg11[%dma_wait3A_202, %dma_wait3A_203] : memref<512x32xf32, #tpu.memory_space<vmem>> -> memref<1x32xf32, #tpu.memory_space<vmem>>
      %dma_wait3A_205 = arith.constant 0 : i32
      %dma_wait3A_206 = arith.constant 0 : i32
      %dma_wait3A_207 = tpu.memref_slice %arg4[%dma_wait3A_205, %dma_wait3A_206] : memref<1000000x32xf32, #tpu.memory_space<hbm>> -> memref<1x32xf32, #tpu.memory_space<hbm>>
      tpu.wait_dma2 semaphore(%arg12 : memref<!tpu.dma_semaphore, #tpu.memory_space<semaphore_mem>>) src(%dma_wait3A_207 : memref<1x32xf32, #tpu.memory_space<hbm>>) dst(%dma_wait3A_204 : memref<1x32xf32, #tpu.memory_space<vmem>>)
      %dma_wait3A_208 = arith.constant 0 : i32
      %dma_wait3A_209 = arith.constant 0 : i32
      %dma_wait3A_210 = tpu.memref_slice %arg11[%dma_wait3A_208, %dma_wait3A_209] : memref<512x32xf32, #tpu.memory_space<vmem>> -> memref<1x32xf32, #tpu.memory_space<vmem>>
      %dma_wait3A_211 = arith.constant 0 : i32
      %dma_wait3A_212 = arith.constant 0 : i32
      %dma_wait3A_213 = tpu.memref_slice %arg4[%dma_wait3A_211, %dma_wait3A_212] : memref<1000000x32xf32, #tpu.memory_space<hbm>> -> memref<1x32xf32, #tpu.memory_space<hbm>>
      %dma_wait3A_214 = arith.constant 0 : i32
      %dma_wait3A_215 = arith.constant 0 : i32
      %dma_wait3A_216 = tpu.memref_slice %arg11[%dma_wait3A_214, %dma_wait3A_215] : memref<512x32xf32, #tpu.memory_space<vmem>> -> memref<1x32xf32, #tpu.memory_space<vmem>>
      %dma_wait3A_217 = arith.constant 0 : i32
      %dma_wait3A_218 = arith.constant 0 : i32
      %dma_wait3A_219 = tpu.memref_slice %arg4[%dma_wait3A_217, %dma_wait3A_218] : memref<1000000x32xf32, #tpu.memory_space<hbm>> -> memref<1x32xf32, #tpu.memory_space<hbm>>
      tpu.wait_dma2 semaphore(%arg12 : memref<!tpu.dma_semaphore, #tpu.memory_space<semaphore_mem>>) src(%dma_wait3A_219 : memref<1x32xf32, #tpu.memory_space<hbm>>) dst(%dma_wait3A_216 : memref<1x32xf32, #tpu.memory_space<vmem>>)
      %dma_wait3A_220 = arith.constant 0 : i32
      %dma_wait3A_221 = arith.constant 0 : i32
      %dma_wait3A_222 = tpu.memref_slice %arg11[%dma_wait3A_220, %dma_wait3A_221] : memref<512x32xf32, #tpu.memory_space<vmem>> -> memref<1x32xf32, #tpu.memory_space<vmem>>
      %dma_wait3A_223 = arith.constant 0 : i32
      %dma_wait3A_224 = arith.constant 0 : i32
      %dma_wait3A_225 = tpu.memref_slice %arg4[%dma_wait3A_223, %dma_wait3A_224] : memref<1000000x32xf32, #tpu.memory_space<hbm>> -> memref<1x32xf32, #tpu.memory_space<hbm>>
      %dma_wait3A_226 = arith.constant 0 : i32
      %dma_wait3A_227 = arith.constant 0 : i32
      %dma_wait3A_228 = tpu.memref_slice %arg11[%dma_wait3A_226, %dma_wait3A_227] : memref<512x32xf32, #tpu.memory_space<vmem>> -> memref<1x32xf32, #tpu.memory_space<vmem>>
      %dma_wait3A_229 = arith.constant 0 : i32
      %dma_wait3A_230 = arith.constant 0 : i32
      %dma_wait3A_231 = tpu.memref_slice %arg4[%dma_wait3A_229, %dma_wait3A_230] : memref<1000000x32xf32, #tpu.memory_space<hbm>> -> memref<1x32xf32, #tpu.memory_space<hbm>>
      tpu.wait_dma2 semaphore(%arg12 : memref<!tpu.dma_semaphore, #tpu.memory_space<semaphore_mem>>) src(%dma_wait3A_231 : memref<1x32xf32, #tpu.memory_space<hbm>>) dst(%dma_wait3A_228 : memref<1x32xf32, #tpu.memory_space<vmem>>)
      %dma_wait3A_232 = arith.constant 0 : i32
      %dma_wait3A_233 = arith.constant 0 : i32
      %dma_wait3A_234 = tpu.memref_slice %arg11[%dma_wait3A_232, %dma_wait3A_233] : memref<512x32xf32, #tpu.memory_space<vmem>> -> memref<1x32xf32, #tpu.memory_space<vmem>>
      %dma_wait3A_235 = arith.constant 0 : i32
      %dma_wait3A_236 = arith.constant 0 : i32
      %dma_wait3A_237 = tpu.memref_slice %arg4[%dma_wait3A_235, %dma_wait3A_236] : memref<1000000x32xf32, #tpu.memory_space<hbm>> -> memref<1x32xf32, #tpu.memory_space<hbm>>
      %dma_wait3A_238 = arith.constant 0 : i32
      %dma_wait3A_239 = arith.constant 0 : i32
      %dma_wait3A_240 = tpu.memref_slice %arg11[%dma_wait3A_238, %dma_wait3A_239] : memref<512x32xf32, #tpu.memory_space<vmem>> -> memref<1x32xf32, #tpu.memory_space<vmem>>
      %dma_wait3A_241 = arith.constant 0 : i32
      %dma_wait3A_242 = arith.constant 0 : i32
      %dma_wait3A_243 = tpu.memref_slice %arg4[%dma_wait3A_241, %dma_wait3A_242] : memref<1000000x32xf32, #tpu.memory_space<hbm>> -> memref<1x32xf32, #tpu.memory_space<hbm>>
      tpu.wait_dma2 semaphore(%arg12 : memref<!tpu.dma_semaphore, #tpu.memory_space<semaphore_mem>>) src(%dma_wait3A_243 : memref<1x32xf32, #tpu.memory_space<hbm>>) dst(%dma_wait3A_240 : memref<1x32xf32, #tpu.memory_space<vmem>>)
      %scan3A_244 = arith.constant 0 : i32
      scf.yield %scan3A_244 : i32
    }
    %scan3A_36 = arith.constant 32 : i32
    "tpu.region"() ({
      %run_scoped3A = tpu.sem_alloc : memref<!tpu.dma_semaphore, #tpu.memory_space<semaphore_mem>>
      %dma_start3A = arith.constant 0 : i32
      %dma_start3A_51 = tpu.memref_slice %arg7[%mul3A_2, %dma_start3A] : memref<16384x32xf32, #tpu.memory_space<hbm>> -> memref<512x32xf32, #tpu.memory_space<hbm>>
      %dma_start3A_52 = arith.constant 0 : i32
      %dma_start3A_53 = tpu.memref_slice %arg7[%mul3A_2, %dma_start3A_52] : memref<16384x32xf32, #tpu.memory_space<hbm>> -> memref<512x32xf32, #tpu.memory_space<hbm>>
      tpu.enqueue_dma source(%arg11 : memref<512x32xf32, #tpu.memory_space<vmem>>) target(%dma_start3A_53 : memref<512x32xf32, #tpu.memory_space<hbm>>) target_semaphore(%run_scoped3A : memref<!tpu.dma_semaphore, #tpu.memory_space<semaphore_mem>>)
      %dma_wait3A = arith.constant 0 : i32
      %dma_wait3A_54 = tpu.memref_slice %arg7[%mul3A_2, %dma_wait3A] : memref<16384x32xf32, #tpu.memory_space<hbm>> -> memref<512x32xf32, #tpu.memory_space<hbm>>
      %dma_wait3A_55 = arith.constant 0 : i32
      %dma_wait3A_56 = tpu.memref_slice %arg7[%mul3A_2, %dma_wait3A_55] : memref<16384x32xf32, #tpu.memory_space<hbm>> -> memref<512x32xf32, #tpu.memory_space<hbm>>
      tpu.wait_dma2 semaphore(%run_scoped3A : memref<!tpu.dma_semaphore, #tpu.memory_space<semaphore_mem>>) src(%arg11 : memref<512x32xf32, #tpu.memory_space<vmem>>) dst(%dma_wait3A_56 : memref<512x32xf32, #tpu.memory_space<hbm>>)
      tpu.yield
    }) : () -> ()
    %scan3A_37 = arith.constant 0 : i32
    %scan3A_38 = arith.constant 0 : i32
    %scan3A_39 = arith.constant 32 : i32
    %scan3A_40 = arith.addi %scan3A_38, %scan3A_39 : i32
    %scan3A_41 = arith.constant 1 : i32
    %scan3A_42 = scf.for %scan3A_51 = %scan3A_38 to %scan3A_40 step %scan3A_41 iter_args(%scan3A_52 = %scan3A_37) -> (i32)  : i32 {
      %mul3A_53 = arith.constant 16 : i32
      %mul3A_54 = arith.muli %scan3A_51, %mul3A_53 : i32
      %add3A_55 = arith.constant 0 : i32
      %add3A_56 = arith.addi %mul3A_54, %add3A_55 : i32
      %get3A = arith.constant 0 : i32
      %get3A_57 = arith.index_cast %get3A : i32 to index
      %get3A_58 = arith.index_cast %add3A_56 : i32 to index
      %get3A_59 = memref.load %arg10[%get3A_57, %get3A_58] : memref<1x512xi32, #tpu.memory_space<smem>>
      %add3A_60 = arith.constant 0 : i32
      %add3A_61 = arith.addi %mul3A_54, %add3A_60 : i32
      %dma_start3A = arith.constant 0 : i32
      %dma_start3A_62 = tpu.memref_slice %arg11[%add3A_61, %dma_start3A] : memref<512x32xf32, #tpu.memory_space<vmem>> -> memref<1x32xf32, #tpu.memory_space<vmem>>
      %dma_start3A_63 = arith.constant 0 : i32
      %dma_start3A_64 = tpu.memref_slice %arg5[%get3A_59, %dma_start3A_63] : memref<1000000x32xf32, #tpu.memory_space<hbm>> -> memref<1x32xf32, #tpu.memory_space<hbm>>
      %dma_start3A_65 = arith.constant 0 : i32
      %dma_start3A_66 = tpu.memref_slice %arg11[%add3A_61, %dma_start3A_65] : memref<512x32xf32, #tpu.memory_space<vmem>> -> memref<1x32xf32, #tpu.memory_space<vmem>>
      %dma_start3A_67 = arith.constant 0 : i32
      %dma_start3A_68 = tpu.memref_slice %arg5[%get3A_59, %dma_start3A_67] : memref<1000000x32xf32, #tpu.memory_space<hbm>> -> memref<1x32xf32, #tpu.memory_space<hbm>>
      tpu.enqueue_dma source(%dma_start3A_68 : memref<1x32xf32, #tpu.memory_space<hbm>>) target(%dma_start3A_66 : memref<1x32xf32, #tpu.memory_space<vmem>>) target_semaphore(%arg12 : memref<!tpu.dma_semaphore, #tpu.memory_space<semaphore_mem>>)
      %add3A_69 = arith.constant 1 : i32
      %add3A_70 = arith.addi %mul3A_54, %add3A_69 : i32
      %get3A_71 = arith.constant 0 : i32
      %get3A_72 = arith.index_cast %get3A_71 : i32 to index
      %get3A_73 = arith.index_cast %add3A_70 : i32 to index
      %get3A_74 = memref.load %arg10[%get3A_72, %get3A_73] : memref<1x512xi32, #tpu.memory_space<smem>>
      %add3A_75 = arith.constant 1 : i32
      %add3A_76 = arith.addi %mul3A_54, %add3A_75 : i32
      %dma_start3A_77 = arith.constant 0 : i32
      %dma_start3A_78 = tpu.memref_slice %arg11[%add3A_76, %dma_start3A_77] : memref<512x32xf32, #tpu.memory_space<vmem>> -> memref<1x32xf32, #tpu.memory_space<vmem>>
      %dma_start3A_79 = arith.constant 0 : i32
      %dma_start3A_80 = tpu.memref_slice %arg5[%get3A_74, %dma_start3A_79] : memref<1000000x32xf32, #tpu.memory_space<hbm>> -> memref<1x32xf32, #tpu.memory_space<hbm>>
      %dma_start3A_81 = arith.constant 0 : i32
      %dma_start3A_82 = tpu.memref_slice %arg11[%add3A_76, %dma_start3A_81] : memref<512x32xf32, #tpu.memory_space<vmem>> -> memref<1x32xf32, #tpu.memory_space<vmem>>
      %dma_start3A_83 = arith.constant 0 : i32
      %dma_start3A_84 = tpu.memref_slice %arg5[%get3A_74, %dma_start3A_83] : memref<1000000x32xf32, #tpu.memory_space<hbm>> -> memref<1x32xf32, #tpu.memory_space<hbm>>
      tpu.enqueue_dma source(%dma_start3A_84 : memref<1x32xf32, #tpu.memory_space<hbm>>) target(%dma_start3A_82 : memref<1x32xf32, #tpu.memory_space<vmem>>) target_semaphore(%arg12 : memref<!tpu.dma_semaphore, #tpu.memory_space<semaphore_mem>>)
      %add3A_85 = arith.constant 2 : i32
      %add3A_86 = arith.addi %mul3A_54, %add3A_85 : i32
      %get3A_87 = arith.constant 0 : i32
      %get3A_88 = arith.index_cast %get3A_87 : i32 to index
      %get3A_89 = arith.index_cast %add3A_86 : i32 to index
      %get3A_90 = memref.load %arg10[%get3A_88, %get3A_89] : memref<1x512xi32, #tpu.memory_space<smem>>
      %add3A_91 = arith.constant 2 : i32
      %add3A_92 = arith.addi %mul3A_54, %add3A_91 : i32
      %dma_start3A_93 = arith.constant 0 : i32
      %dma_start3A_94 = tpu.memref_slice %arg11[%add3A_92, %dma_start3A_93] : memref<512x32xf32, #tpu.memory_space<vmem>> -> memref<1x32xf32, #tpu.memory_space<vmem>>
      %dma_start3A_95 = arith.constant 0 : i32
      %dma_start3A_96 = tpu.memref_slice %arg5[%get3A_90, %dma_start3A_95] : memref<1000000x32xf32, #tpu.memory_space<hbm>> -> memref<1x32xf32, #tpu.memory_space<hbm>>
      %dma_start3A_97 = arith.constant 0 : i32
      %dma_start3A_98 = tpu.memref_slice %arg11[%add3A_92, %dma_start3A_97] : memref<512x32xf32, #tpu.memory_space<vmem>> -> memref<1x32xf32, #tpu.memory_space<vmem>>
      %dma_start3A_99 = arith.constant 0 : i32
      %dma_start3A_100 = tpu.memref_slice %arg5[%get3A_90, %dma_start3A_99] : memref<1000000x32xf32, #tpu.memory_space<hbm>> -> memref<1x32xf32, #tpu.memory_space<hbm>>
      tpu.enqueue_dma source(%dma_start3A_100 : memref<1x32xf32, #tpu.memory_space<hbm>>) target(%dma_start3A_98 : memref<1x32xf32, #tpu.memory_space<vmem>>) target_semaphore(%arg12 : memref<!tpu.dma_semaphore, #tpu.memory_space<semaphore_mem>>)
      %add3A_101 = arith.constant 3 : i32
      %add3A_102 = arith.addi %mul3A_54, %add3A_101 : i32
      %get3A_103 = arith.constant 0 : i32
      %get3A_104 = arith.index_cast %get3A_103 : i32 to index
      %get3A_105 = arith.index_cast %add3A_102 : i32 to index
      %get3A_106 = memref.load %arg10[%get3A_104, %get3A_105] : memref<1x512xi32, #tpu.memory_space<smem>>
      %add3A_107 = arith.constant 3 : i32
      %add3A_108 = arith.addi %mul3A_54, %add3A_107 : i32
      %dma_start3A_109 = arith.constant 0 : i32
      %dma_start3A_110 = tpu.memref_slice %arg11[%add3A_108, %dma_start3A_109] : memref<512x32xf32, #tpu.memory_space<vmem>> -> memref<1x32xf32, #tpu.memory_space<vmem>>
      %dma_start3A_111 = arith.constant 0 : i32
      %dma_start3A_112 = tpu.memref_slice %arg5[%get3A_106, %dma_start3A_111] : memref<1000000x32xf32, #tpu.memory_space<hbm>> -> memref<1x32xf32, #tpu.memory_space<hbm>>
      %dma_start3A_113 = arith.constant 0 : i32
      %dma_start3A_114 = tpu.memref_slice %arg11[%add3A_108, %dma_start3A_113] : memref<512x32xf32, #tpu.memory_space<vmem>> -> memref<1x32xf32, #tpu.memory_space<vmem>>
      %dma_start3A_115 = arith.constant 0 : i32
      %dma_start3A_116 = tpu.memref_slice %arg5[%get3A_106, %dma_start3A_115] : memref<1000000x32xf32, #tpu.memory_space<hbm>> -> memref<1x32xf32, #tpu.memory_space<hbm>>
      tpu.enqueue_dma source(%dma_start3A_116 : memref<1x32xf32, #tpu.memory_space<hbm>>) target(%dma_start3A_114 : memref<1x32xf32, #tpu.memory_space<vmem>>) target_semaphore(%arg12 : memref<!tpu.dma_semaphore, #tpu.memory_space<semaphore_mem>>)
      %add3A_117 = arith.constant 4 : i32
      %add3A_118 = arith.addi %mul3A_54, %add3A_117 : i32
      %get3A_119 = arith.constant 0 : i32
      %get3A_120 = arith.index_cast %get3A_119 : i32 to index
      %get3A_121 = arith.index_cast %add3A_118 : i32 to index
      %get3A_122 = memref.load %arg10[%get3A_120, %get3A_121] : memref<1x512xi32, #tpu.memory_space<smem>>
      %add3A_123 = arith.constant 4 : i32
      %add3A_124 = arith.addi %mul3A_54, %add3A_123 : i32
      %dma_start3A_125 = arith.constant 0 : i32
      %dma_start3A_126 = tpu.memref_slice %arg11[%add3A_124, %dma_start3A_125] : memref<512x32xf32, #tpu.memory_space<vmem>> -> memref<1x32xf32, #tpu.memory_space<vmem>>
      %dma_start3A_127 = arith.constant 0 : i32
      %dma_start3A_128 = tpu.memref_slice %arg5[%get3A_122, %dma_start3A_127] : memref<1000000x32xf32, #tpu.memory_space<hbm>> -> memref<1x32xf32, #tpu.memory_space<hbm>>
      %dma_start3A_129 = arith.constant 0 : i32
      %dma_start3A_130 = tpu.memref_slice %arg11[%add3A_124, %dma_start3A_129] : memref<512x32xf32, #tpu.memory_space<vmem>> -> memref<1x32xf32, #tpu.memory_space<vmem>>
      %dma_start3A_131 = arith.constant 0 : i32
      %dma_start3A_132 = tpu.memref_slice %arg5[%get3A_122, %dma_start3A_131] : memref<1000000x32xf32, #tpu.memory_space<hbm>> -> memref<1x32xf32, #tpu.memory_space<hbm>>
      tpu.enqueue_dma source(%dma_start3A_132 : memref<1x32xf32, #tpu.memory_space<hbm>>) target(%dma_start3A_130 : memref<1x32xf32, #tpu.memory_space<vmem>>) target_semaphore(%arg12 : memref<!tpu.dma_semaphore, #tpu.memory_space<semaphore_mem>>)
      %add3A_133 = arith.constant 5 : i32
      %add3A_134 = arith.addi %mul3A_54, %add3A_133 : i32
      %get3A_135 = arith.constant 0 : i32
      %get3A_136 = arith.index_cast %get3A_135 : i32 to index
      %get3A_137 = arith.index_cast %add3A_134 : i32 to index
      %get3A_138 = memref.load %arg10[%get3A_136, %get3A_137] : memref<1x512xi32, #tpu.memory_space<smem>>
      %add3A_139 = arith.constant 5 : i32
      %add3A_140 = arith.addi %mul3A_54, %add3A_139 : i32
      %dma_start3A_141 = arith.constant 0 : i32
      %dma_start3A_142 = tpu.memref_slice %arg11[%add3A_140, %dma_start3A_141] : memref<512x32xf32, #tpu.memory_space<vmem>> -> memref<1x32xf32, #tpu.memory_space<vmem>>
      %dma_start3A_143 = arith.constant 0 : i32
      %dma_start3A_144 = tpu.memref_slice %arg5[%get3A_138, %dma_start3A_143] : memref<1000000x32xf32, #tpu.memory_space<hbm>> -> memref<1x32xf32, #tpu.memory_space<hbm>>
      %dma_start3A_145 = arith.constant 0 : i32
      %dma_start3A_146 = tpu.memref_slice %arg11[%add3A_140, %dma_start3A_145] : memref<512x32xf32, #tpu.memory_space<vmem>> -> memref<1x32xf32, #tpu.memory_space<vmem>>
      %dma_start3A_147 = arith.constant 0 : i32
      %dma_start3A_148 = tpu.memref_slice %arg5[%get3A_138, %dma_start3A_147] : memref<1000000x32xf32, #tpu.memory_space<hbm>> -> memref<1x32xf32, #tpu.memory_space<hbm>>
      tpu.enqueue_dma source(%dma_start3A_148 : memref<1x32xf32, #tpu.memory_space<hbm>>) target(%dma_start3A_146 : memref<1x32xf32, #tpu.memory_space<vmem>>) target_semaphore(%arg12 : memref<!tpu.dma_semaphore, #tpu.memory_space<semaphore_mem>>)
      %add3A_149 = arith.constant 6 : i32
      %add3A_150 = arith.addi %mul3A_54, %add3A_149 : i32
      %get3A_151 = arith.constant 0 : i32
      %get3A_152 = arith.index_cast %get3A_151 : i32 to index
      %get3A_153 = arith.index_cast %add3A_150 : i32 to index
      %get3A_154 = memref.load %arg10[%get3A_152, %get3A_153] : memref<1x512xi32, #tpu.memory_space<smem>>
      %add3A_155 = arith.constant 6 : i32
      %add3A_156 = arith.addi %mul3A_54, %add3A_155 : i32
      %dma_start3A_157 = arith.constant 0 : i32
      %dma_start3A_158 = tpu.memref_slice %arg11[%add3A_156, %dma_start3A_157] : memref<512x32xf32, #tpu.memory_space<vmem>> -> memref<1x32xf32, #tpu.memory_space<vmem>>
      %dma_start3A_159 = arith.constant 0 : i32
      %dma_start3A_160 = tpu.memref_slice %arg5[%get3A_154, %dma_start3A_159] : memref<1000000x32xf32, #tpu.memory_space<hbm>> -> memref<1x32xf32, #tpu.memory_space<hbm>>
      %dma_start3A_161 = arith.constant 0 : i32
      %dma_start3A_162 = tpu.memref_slice %arg11[%add3A_156, %dma_start3A_161] : memref<512x32xf32, #tpu.memory_space<vmem>> -> memref<1x32xf32, #tpu.memory_space<vmem>>
      %dma_start3A_163 = arith.constant 0 : i32
      %dma_start3A_164 = tpu.memref_slice %arg5[%get3A_154, %dma_start3A_163] : memref<1000000x32xf32, #tpu.memory_space<hbm>> -> memref<1x32xf32, #tpu.memory_space<hbm>>
      tpu.enqueue_dma source(%dma_start3A_164 : memref<1x32xf32, #tpu.memory_space<hbm>>) target(%dma_start3A_162 : memref<1x32xf32, #tpu.memory_space<vmem>>) target_semaphore(%arg12 : memref<!tpu.dma_semaphore, #tpu.memory_space<semaphore_mem>>)
      %add3A_165 = arith.constant 7 : i32
      %add3A_166 = arith.addi %mul3A_54, %add3A_165 : i32
      %get3A_167 = arith.constant 0 : i32
      %get3A_168 = arith.index_cast %get3A_167 : i32 to index
      %get3A_169 = arith.index_cast %add3A_166 : i32 to index
      %get3A_170 = memref.load %arg10[%get3A_168, %get3A_169] : memref<1x512xi32, #tpu.memory_space<smem>>
      %add3A_171 = arith.constant 7 : i32
      %add3A_172 = arith.addi %mul3A_54, %add3A_171 : i32
      %dma_start3A_173 = arith.constant 0 : i32
      %dma_start3A_174 = tpu.memref_slice %arg11[%add3A_172, %dma_start3A_173] : memref<512x32xf32, #tpu.memory_space<vmem>> -> memref<1x32xf32, #tpu.memory_space<vmem>>
      %dma_start3A_175 = arith.constant 0 : i32
      %dma_start3A_176 = tpu.memref_slice %arg5[%get3A_170, %dma_start3A_175] : memref<1000000x32xf32, #tpu.memory_space<hbm>> -> memref<1x32xf32, #tpu.memory_space<hbm>>
      %dma_start3A_177 = arith.constant 0 : i32
      %dma_start3A_178 = tpu.memref_slice %arg11[%add3A_172, %dma_start3A_177] : memref<512x32xf32, #tpu.memory_space<vmem>> -> memref<1x32xf32, #tpu.memory_space<vmem>>
      %dma_start3A_179 = arith.constant 0 : i32
      %dma_start3A_180 = tpu.memref_slice %arg5[%get3A_170, %dma_start3A_179] : memref<1000000x32xf32, #tpu.memory_space<hbm>> -> memref<1x32xf32, #tpu.memory_space<hbm>>
      tpu.enqueue_dma source(%dma_start3A_180 : memref<1x32xf32, #tpu.memory_space<hbm>>) target(%dma_start3A_178 : memref<1x32xf32, #tpu.memory_space<vmem>>) target_semaphore(%arg12 : memref<!tpu.dma_semaphore, #tpu.memory_space<semaphore_mem>>)
      %add3A_181 = arith.constant 8 : i32
      %add3A_182 = arith.addi %mul3A_54, %add3A_181 : i32
      %get3A_183 = arith.constant 0 : i32
      %get3A_184 = arith.index_cast %get3A_183 : i32 to index
      %get3A_185 = arith.index_cast %add3A_182 : i32 to index
      %get3A_186 = memref.load %arg10[%get3A_184, %get3A_185] : memref<1x512xi32, #tpu.memory_space<smem>>
      %add3A_187 = arith.constant 8 : i32
      %add3A_188 = arith.addi %mul3A_54, %add3A_187 : i32
      %dma_start3A_189 = arith.constant 0 : i32
      %dma_start3A_190 = tpu.memref_slice %arg11[%add3A_188, %dma_start3A_189] : memref<512x32xf32, #tpu.memory_space<vmem>> -> memref<1x32xf32, #tpu.memory_space<vmem>>
      %dma_start3A_191 = arith.constant 0 : i32
      %dma_start3A_192 = tpu.memref_slice %arg5[%get3A_186, %dma_start3A_191] : memref<1000000x32xf32, #tpu.memory_space<hbm>> -> memref<1x32xf32, #tpu.memory_space<hbm>>
      %dma_start3A_193 = arith.constant 0 : i32
      %dma_start3A_194 = tpu.memref_slice %arg11[%add3A_188, %dma_start3A_193] : memref<512x32xf32, #tpu.memory_space<vmem>> -> memref<1x32xf32, #tpu.memory_space<vmem>>
      %dma_start3A_195 = arith.constant 0 : i32
      %dma_start3A_196 = tpu.memref_slice %arg5[%get3A_186, %dma_start3A_195] : memref<1000000x32xf32, #tpu.memory_space<hbm>> -> memref<1x32xf32, #tpu.memory_space<hbm>>
      tpu.enqueue_dma source(%dma_start3A_196 : memref<1x32xf32, #tpu.memory_space<hbm>>) target(%dma_start3A_194 : memref<1x32xf32, #tpu.memory_space<vmem>>) target_semaphore(%arg12 : memref<!tpu.dma_semaphore, #tpu.memory_space<semaphore_mem>>)
      %add3A_197 = arith.constant 9 : i32
      %add3A_198 = arith.addi %mul3A_54, %add3A_197 : i32
      %get3A_199 = arith.constant 0 : i32
      %get3A_200 = arith.index_cast %get3A_199 : i32 to index
      %get3A_201 = arith.index_cast %add3A_198 : i32 to index
      %get3A_202 = memref.load %arg10[%get3A_200, %get3A_201] : memref<1x512xi32, #tpu.memory_space<smem>>
      %add3A_203 = arith.constant 9 : i32
      %add3A_204 = arith.addi %mul3A_54, %add3A_203 : i32
      %dma_start3A_205 = arith.constant 0 : i32
      %dma_start3A_206 = tpu.memref_slice %arg11[%add3A_204, %dma_start3A_205] : memref<512x32xf32, #tpu.memory_space<vmem>> -> memref<1x32xf32, #tpu.memory_space<vmem>>
      %dma_start3A_207 = arith.constant 0 : i32
      %dma_start3A_208 = tpu.memref_slice %arg5[%get3A_202, %dma_start3A_207] : memref<1000000x32xf32, #tpu.memory_space<hbm>> -> memref<1x32xf32, #tpu.memory_space<hbm>>
      %dma_start3A_209 = arith.constant 0 : i32
      %dma_start3A_210 = tpu.memref_slice %arg11[%add3A_204, %dma_start3A_209] : memref<512x32xf32, #tpu.memory_space<vmem>> -> memref<1x32xf32, #tpu.memory_space<vmem>>
      %dma_start3A_211 = arith.constant 0 : i32
      %dma_start3A_212 = tpu.memref_slice %arg5[%get3A_202, %dma_start3A_211] : memref<1000000x32xf32, #tpu.memory_space<hbm>> -> memref<1x32xf32, #tpu.memory_space<hbm>>
      tpu.enqueue_dma source(%dma_start3A_212 : memref<1x32xf32, #tpu.memory_space<hbm>>) target(%dma_start3A_210 : memref<1x32xf32, #tpu.memory_space<vmem>>) target_semaphore(%arg12 : memref<!tpu.dma_semaphore, #tpu.memory_space<semaphore_mem>>)
      %add3A_213 = arith.constant 10 : i32
      %add3A_214 = arith.addi %mul3A_54, %add3A_213 : i32
      %get3A_215 = arith.constant 0 : i32
      %get3A_216 = arith.index_cast %get3A_215 : i32 to index
      %get3A_217 = arith.index_cast %add3A_214 : i32 to index
      %get3A_218 = memref.load %arg10[%get3A_216, %get3A_217] : memref<1x512xi32, #tpu.memory_space<smem>>
      %add3A_219 = arith.constant 10 : i32
      %add3A_220 = arith.addi %mul3A_54, %add3A_219 : i32
      %dma_start3A_221 = arith.constant 0 : i32
      %dma_start3A_222 = tpu.memref_slice %arg11[%add3A_220, %dma_start3A_221] : memref<512x32xf32, #tpu.memory_space<vmem>> -> memref<1x32xf32, #tpu.memory_space<vmem>>
      %dma_start3A_223 = arith.constant 0 : i32
      %dma_start3A_224 = tpu.memref_slice %arg5[%get3A_218, %dma_start3A_223] : memref<1000000x32xf32, #tpu.memory_space<hbm>> -> memref<1x32xf32, #tpu.memory_space<hbm>>
      %dma_start3A_225 = arith.constant 0 : i32
      %dma_start3A_226 = tpu.memref_slice %arg11[%add3A_220, %dma_start3A_225] : memref<512x32xf32, #tpu.memory_space<vmem>> -> memref<1x32xf32, #tpu.memory_space<vmem>>
      %dma_start3A_227 = arith.constant 0 : i32
      %dma_start3A_228 = tpu.memref_slice %arg5[%get3A_218, %dma_start3A_227] : memref<1000000x32xf32, #tpu.memory_space<hbm>> -> memref<1x32xf32, #tpu.memory_space<hbm>>
      tpu.enqueue_dma source(%dma_start3A_228 : memref<1x32xf32, #tpu.memory_space<hbm>>) target(%dma_start3A_226 : memref<1x32xf32, #tpu.memory_space<vmem>>) target_semaphore(%arg12 : memref<!tpu.dma_semaphore, #tpu.memory_space<semaphore_mem>>)
      %add3A_229 = arith.constant 11 : i32
      %add3A_230 = arith.addi %mul3A_54, %add3A_229 : i32
      %get3A_231 = arith.constant 0 : i32
      %get3A_232 = arith.index_cast %get3A_231 : i32 to index
      %get3A_233 = arith.index_cast %add3A_230 : i32 to index
      %get3A_234 = memref.load %arg10[%get3A_232, %get3A_233] : memref<1x512xi32, #tpu.memory_space<smem>>
      %add3A_235 = arith.constant 11 : i32
      %add3A_236 = arith.addi %mul3A_54, %add3A_235 : i32
      %dma_start3A_237 = arith.constant 0 : i32
      %dma_start3A_238 = tpu.memref_slice %arg11[%add3A_236, %dma_start3A_237] : memref<512x32xf32, #tpu.memory_space<vmem>> -> memref<1x32xf32, #tpu.memory_space<vmem>>
      %dma_start3A_239 = arith.constant 0 : i32
      %dma_start3A_240 = tpu.memref_slice %arg5[%get3A_234, %dma_start3A_239] : memref<1000000x32xf32, #tpu.memory_space<hbm>> -> memref<1x32xf32, #tpu.memory_space<hbm>>
      %dma_start3A_241 = arith.constant 0 : i32
      %dma_start3A_242 = tpu.memref_slice %arg11[%add3A_236, %dma_start3A_241] : memref<512x32xf32, #tpu.memory_space<vmem>> -> memref<1x32xf32, #tpu.memory_space<vmem>>
      %dma_start3A_243 = arith.constant 0 : i32
      %dma_start3A_244 = tpu.memref_slice %arg5[%get3A_234, %dma_start3A_243] : memref<1000000x32xf32, #tpu.memory_space<hbm>> -> memref<1x32xf32, #tpu.memory_space<hbm>>
      tpu.enqueue_dma source(%dma_start3A_244 : memref<1x32xf32, #tpu.memory_space<hbm>>) target(%dma_start3A_242 : memref<1x32xf32, #tpu.memory_space<vmem>>) target_semaphore(%arg12 : memref<!tpu.dma_semaphore, #tpu.memory_space<semaphore_mem>>)
      %add3A_245 = arith.constant 12 : i32
      %add3A_246 = arith.addi %mul3A_54, %add3A_245 : i32
      %get3A_247 = arith.constant 0 : i32
      %get3A_248 = arith.index_cast %get3A_247 : i32 to index
      %get3A_249 = arith.index_cast %add3A_246 : i32 to index
      %get3A_250 = memref.load %arg10[%get3A_248, %get3A_249] : memref<1x512xi32, #tpu.memory_space<smem>>
      %add3A_251 = arith.constant 12 : i32
      %add3A_252 = arith.addi %mul3A_54, %add3A_251 : i32
      %dma_start3A_253 = arith.constant 0 : i32
      %dma_start3A_254 = tpu.memref_slice %arg11[%add3A_252, %dma_start3A_253] : memref<512x32xf32, #tpu.memory_space<vmem>> -> memref<1x32xf32, #tpu.memory_space<vmem>>
      %dma_start3A_255 = arith.constant 0 : i32
      %dma_start3A_256 = tpu.memref_slice %arg5[%get3A_250, %dma_start3A_255] : memref<1000000x32xf32, #tpu.memory_space<hbm>> -> memref<1x32xf32, #tpu.memory_space<hbm>>
      %dma_start3A_257 = arith.constant 0 : i32
      %dma_start3A_258 = tpu.memref_slice %arg11[%add3A_252, %dma_start3A_257] : memref<512x32xf32, #tpu.memory_space<vmem>> -> memref<1x32xf32, #tpu.memory_space<vmem>>
      %dma_start3A_259 = arith.constant 0 : i32
      %dma_start3A_260 = tpu.memref_slice %arg5[%get3A_250, %dma_start3A_259] : memref<1000000x32xf32, #tpu.memory_space<hbm>> -> memref<1x32xf32, #tpu.memory_space<hbm>>
      tpu.enqueue_dma source(%dma_start3A_260 : memref<1x32xf32, #tpu.memory_space<hbm>>) target(%dma_start3A_258 : memref<1x32xf32, #tpu.memory_space<vmem>>) target_semaphore(%arg12 : memref<!tpu.dma_semaphore, #tpu.memory_space<semaphore_mem>>)
      %add3A_261 = arith.constant 13 : i32
      %add3A_262 = arith.addi %mul3A_54, %add3A_261 : i32
      %get3A_263 = arith.constant 0 : i32
      %get3A_264 = arith.index_cast %get3A_263 : i32 to index
      %get3A_265 = arith.index_cast %add3A_262 : i32 to index
      %get3A_266 = memref.load %arg10[%get3A_264, %get3A_265] : memref<1x512xi32, #tpu.memory_space<smem>>
      %add3A_267 = arith.constant 13 : i32
      %add3A_268 = arith.addi %mul3A_54, %add3A_267 : i32
      %dma_start3A_269 = arith.constant 0 : i32
      %dma_start3A_270 = tpu.memref_slice %arg11[%add3A_268, %dma_start3A_269] : memref<512x32xf32, #tpu.memory_space<vmem>> -> memref<1x32xf32, #tpu.memory_space<vmem>>
      %dma_start3A_271 = arith.constant 0 : i32
      %dma_start3A_272 = tpu.memref_slice %arg5[%get3A_266, %dma_start3A_271] : memref<1000000x32xf32, #tpu.memory_space<hbm>> -> memref<1x32xf32, #tpu.memory_space<hbm>>
      %dma_start3A_273 = arith.constant 0 : i32
      %dma_start3A_274 = tpu.memref_slice %arg11[%add3A_268, %dma_start3A_273] : memref<512x32xf32, #tpu.memory_space<vmem>> -> memref<1x32xf32, #tpu.memory_space<vmem>>
      %dma_start3A_275 = arith.constant 0 : i32
      %dma_start3A_276 = tpu.memref_slice %arg5[%get3A_266, %dma_start3A_275] : memref<1000000x32xf32, #tpu.memory_space<hbm>> -> memref<1x32xf32, #tpu.memory_space<hbm>>
      tpu.enqueue_dma source(%dma_start3A_276 : memref<1x32xf32, #tpu.memory_space<hbm>>) target(%dma_start3A_274 : memref<1x32xf32, #tpu.memory_space<vmem>>) target_semaphore(%arg12 : memref<!tpu.dma_semaphore, #tpu.memory_space<semaphore_mem>>)
      %add3A_277 = arith.constant 14 : i32
      %add3A_278 = arith.addi %mul3A_54, %add3A_277 : i32
      %get3A_279 = arith.constant 0 : i32
      %get3A_280 = arith.index_cast %get3A_279 : i32 to index
      %get3A_281 = arith.index_cast %add3A_278 : i32 to index
      %get3A_282 = memref.load %arg10[%get3A_280, %get3A_281] : memref<1x512xi32, #tpu.memory_space<smem>>
      %add3A_283 = arith.constant 14 : i32
      %add3A_284 = arith.addi %mul3A_54, %add3A_283 : i32
      %dma_start3A_285 = arith.constant 0 : i32
      %dma_start3A_286 = tpu.memref_slice %arg11[%add3A_284, %dma_start3A_285] : memref<512x32xf32, #tpu.memory_space<vmem>> -> memref<1x32xf32, #tpu.memory_space<vmem>>
      %dma_start3A_287 = arith.constant 0 : i32
      %dma_start3A_288 = tpu.memref_slice %arg5[%get3A_282, %dma_start3A_287] : memref<1000000x32xf32, #tpu.memory_space<hbm>> -> memref<1x32xf32, #tpu.memory_space<hbm>>
      %dma_start3A_289 = arith.constant 0 : i32
      %dma_start3A_290 = tpu.memref_slice %arg11[%add3A_284, %dma_start3A_289] : memref<512x32xf32, #tpu.memory_space<vmem>> -> memref<1x32xf32, #tpu.memory_space<vmem>>
      %dma_start3A_291 = arith.constant 0 : i32
      %dma_start3A_292 = tpu.memref_slice %arg5[%get3A_282, %dma_start3A_291] : memref<1000000x32xf32, #tpu.memory_space<hbm>> -> memref<1x32xf32, #tpu.memory_space<hbm>>
      tpu.enqueue_dma source(%dma_start3A_292 : memref<1x32xf32, #tpu.memory_space<hbm>>) target(%dma_start3A_290 : memref<1x32xf32, #tpu.memory_space<vmem>>) target_semaphore(%arg12 : memref<!tpu.dma_semaphore, #tpu.memory_space<semaphore_mem>>)
      %add3A_293 = arith.constant 15 : i32
      %add3A_294 = arith.addi %mul3A_54, %add3A_293 : i32
      %get3A_295 = arith.constant 0 : i32
      %get3A_296 = arith.index_cast %get3A_295 : i32 to index
      %get3A_297 = arith.index_cast %add3A_294 : i32 to index
      %get3A_298 = memref.load %arg10[%get3A_296, %get3A_297] : memref<1x512xi32, #tpu.memory_space<smem>>
      %add3A_299 = arith.constant 15 : i32
      %add3A_300 = arith.addi %mul3A_54, %add3A_299 : i32
      %dma_start3A_301 = arith.constant 0 : i32
      %dma_start3A_302 = tpu.memref_slice %arg11[%add3A_300, %dma_start3A_301] : memref<512x32xf32, #tpu.memory_space<vmem>> -> memref<1x32xf32, #tpu.memory_space<vmem>>
      %dma_start3A_303 = arith.constant 0 : i32
      %dma_start3A_304 = tpu.memref_slice %arg5[%get3A_298, %dma_start3A_303] : memref<1000000x32xf32, #tpu.memory_space<hbm>> -> memref<1x32xf32, #tpu.memory_space<hbm>>
      %dma_start3A_305 = arith.constant 0 : i32
      %dma_start3A_306 = tpu.memref_slice %arg11[%add3A_300, %dma_start3A_305] : memref<512x32xf32, #tpu.memory_space<vmem>> -> memref<1x32xf32, #tpu.memory_space<vmem>>
      %dma_start3A_307 = arith.constant 0 : i32
      %dma_start3A_308 = tpu.memref_slice %arg5[%get3A_298, %dma_start3A_307] : memref<1000000x32xf32, #tpu.memory_space<hbm>> -> memref<1x32xf32, #tpu.memory_space<hbm>>
      tpu.enqueue_dma source(%dma_start3A_308 : memref<1x32xf32, #tpu.memory_space<hbm>>) target(%dma_start3A_306 : memref<1x32xf32, #tpu.memory_space<vmem>>) target_semaphore(%arg12 : memref<!tpu.dma_semaphore, #tpu.memory_space<semaphore_mem>>)
      %scan3A_309 = arith.constant 0 : i32
      scf.yield %scan3A_309 : i32
    }
    %scan3A_43 = arith.constant 32 : i32
    %scan3A_44 = arith.constant 0 : i32
    %scan3A_45 = arith.constant 0 : i32
    %scan3A_46 = arith.constant 32 : i32
    %scan3A_47 = arith.addi %scan3A_45, %scan3A_46 : i32
    %scan3A_48 = arith.constant 1 : i32
    %scan3A_49 = scf.for %scan3A_51 = %scan3A_45 to %scan3A_47 step %scan3A_48 iter_args(%scan3A_52 = %scan3A_44) -> (i32)  : i32 {
      %dma_wait3A = arith.constant 0 : i32
      %dma_wait3A_53 = arith.constant 0 : i32
      %dma_wait3A_54 = tpu.memref_slice %arg11[%dma_wait3A, %dma_wait3A_53] : memref<512x32xf32, #tpu.memory_space<vmem>> -> memref<1x32xf32, #tpu.memory_space<vmem>>
      %dma_wait3A_55 = arith.constant 0 : i32
      %dma_wait3A_56 = arith.constant 0 : i32
      %dma_wait3A_57 = tpu.memref_slice %arg5[%dma_wait3A_55, %dma_wait3A_56] : memref<1000000x32xf32, #tpu.memory_space<hbm>> -> memref<1x32xf32, #tpu.memory_space<hbm>>
      %dma_wait3A_58 = arith.constant 0 : i32
      %dma_wait3A_59 = arith.constant 0 : i32
      %dma_wait3A_60 = tpu.memref_slice %arg11[%dma_wait3A_58, %dma_wait3A_59] : memref<512x32xf32, #tpu.memory_space<vmem>> -> memref<1x32xf32, #tpu.memory_space<vmem>>
      %dma_wait3A_61 = arith.constant 0 : i32
      %dma_wait3A_62 = arith.constant 0 : i32
      %dma_wait3A_63 = tpu.memref_slice %arg5[%dma_wait3A_61, %dma_wait3A_62] : memref<1000000x32xf32, #tpu.memory_space<hbm>> -> memref<1x32xf32, #tpu.memory_space<hbm>>
      tpu.wait_dma2 semaphore(%arg12 : memref<!tpu.dma_semaphore, #tpu.memory_space<semaphore_mem>>) src(%dma_wait3A_63 : memref<1x32xf32, #tpu.memory_space<hbm>>) dst(%dma_wait3A_60 : memref<1x32xf32, #tpu.memory_space<vmem>>)
      %dma_wait3A_64 = arith.constant 0 : i32
      %dma_wait3A_65 = arith.constant 0 : i32
      %dma_wait3A_66 = tpu.memref_slice %arg11[%dma_wait3A_64, %dma_wait3A_65] : memref<512x32xf32, #tpu.memory_space<vmem>> -> memref<1x32xf32, #tpu.memory_space<vmem>>
      %dma_wait3A_67 = arith.constant 0 : i32
      %dma_wait3A_68 = arith.constant 0 : i32
      %dma_wait3A_69 = tpu.memref_slice %arg5[%dma_wait3A_67, %dma_wait3A_68] : memref<1000000x32xf32, #tpu.memory_space<hbm>> -> memref<1x32xf32, #tpu.memory_space<hbm>>
      %dma_wait3A_70 = arith.constant 0 : i32
      %dma_wait3A_71 = arith.constant 0 : i32
      %dma_wait3A_72 = tpu.memref_slice %arg11[%dma_wait3A_70, %dma_wait3A_71] : memref<512x32xf32, #tpu.memory_space<vmem>> -> memref<1x32xf32, #tpu.memory_space<vmem>>
      %dma_wait3A_73 = arith.constant 0 : i32
      %dma_wait3A_74 = arith.constant 0 : i32
      %dma_wait3A_75 = tpu.memref_slice %arg5[%dma_wait3A_73, %dma_wait3A_74] : memref<1000000x32xf32, #tpu.memory_space<hbm>> -> memref<1x32xf32, #tpu.memory_space<hbm>>
      tpu.wait_dma2 semaphore(%arg12 : memref<!tpu.dma_semaphore, #tpu.memory_space<semaphore_mem>>) src(%dma_wait3A_75 : memref<1x32xf32, #tpu.memory_space<hbm>>) dst(%dma_wait3A_72 : memref<1x32xf32, #tpu.memory_space<vmem>>)
      %dma_wait3A_76 = arith.constant 0 : i32
      %dma_wait3A_77 = arith.constant 0 : i32
      %dma_wait3A_78 = tpu.memref_slice %arg11[%dma_wait3A_76, %dma_wait3A_77] : memref<512x32xf32, #tpu.memory_space<vmem>> -> memref<1x32xf32, #tpu.memory_space<vmem>>
      %dma_wait3A_79 = arith.constant 0 : i32
      %dma_wait3A_80 = arith.constant 0 : i32
      %dma_wait3A_81 = tpu.memref_slice %arg5[%dma_wait3A_79, %dma_wait3A_80] : memref<1000000x32xf32, #tpu.memory_space<hbm>> -> memref<1x32xf32, #tpu.memory_space<hbm>>
      %dma_wait3A_82 = arith.constant 0 : i32
      %dma_wait3A_83 = arith.constant 0 : i32
      %dma_wait3A_84 = tpu.memref_slice %arg11[%dma_wait3A_82, %dma_wait3A_83] : memref<512x32xf32, #tpu.memory_space<vmem>> -> memref<1x32xf32, #tpu.memory_space<vmem>>
      %dma_wait3A_85 = arith.constant 0 : i32
      %dma_wait3A_86 = arith.constant 0 : i32
      %dma_wait3A_87 = tpu.memref_slice %arg5[%dma_wait3A_85, %dma_wait3A_86] : memref<1000000x32xf32, #tpu.memory_space<hbm>> -> memref<1x32xf32, #tpu.memory_space<hbm>>
      tpu.wait_dma2 semaphore(%arg12 : memref<!tpu.dma_semaphore, #tpu.memory_space<semaphore_mem>>) src(%dma_wait3A_87 : memref<1x32xf32, #tpu.memory_space<hbm>>) dst(%dma_wait3A_84 : memref<1x32xf32, #tpu.memory_space<vmem>>)
      %dma_wait3A_88 = arith.constant 0 : i32
      %dma_wait3A_89 = arith.constant 0 : i32
      %dma_wait3A_90 = tpu.memref_slice %arg11[%dma_wait3A_88, %dma_wait3A_89] : memref<512x32xf32, #tpu.memory_space<vmem>> -> memref<1x32xf32, #tpu.memory_space<vmem>>
      %dma_wait3A_91 = arith.constant 0 : i32
      %dma_wait3A_92 = arith.constant 0 : i32
      %dma_wait3A_93 = tpu.memref_slice %arg5[%dma_wait3A_91, %dma_wait3A_92] : memref<1000000x32xf32, #tpu.memory_space<hbm>> -> memref<1x32xf32, #tpu.memory_space<hbm>>
      %dma_wait3A_94 = arith.constant 0 : i32
      %dma_wait3A_95 = arith.constant 0 : i32
      %dma_wait3A_96 = tpu.memref_slice %arg11[%dma_wait3A_94, %dma_wait3A_95] : memref<512x32xf32, #tpu.memory_space<vmem>> -> memref<1x32xf32, #tpu.memory_space<vmem>>
      %dma_wait3A_97 = arith.constant 0 : i32
      %dma_wait3A_98 = arith.constant 0 : i32
      %dma_wait3A_99 = tpu.memref_slice %arg5[%dma_wait3A_97, %dma_wait3A_98] : memref<1000000x32xf32, #tpu.memory_space<hbm>> -> memref<1x32xf32, #tpu.memory_space<hbm>>
      tpu.wait_dma2 semaphore(%arg12 : memref<!tpu.dma_semaphore, #tpu.memory_space<semaphore_mem>>) src(%dma_wait3A_99 : memref<1x32xf32, #tpu.memory_space<hbm>>) dst(%dma_wait3A_96 : memref<1x32xf32, #tpu.memory_space<vmem>>)
      %dma_wait3A_100 = arith.constant 0 : i32
      %dma_wait3A_101 = arith.constant 0 : i32
      %dma_wait3A_102 = tpu.memref_slice %arg11[%dma_wait3A_100, %dma_wait3A_101] : memref<512x32xf32, #tpu.memory_space<vmem>> -> memref<1x32xf32, #tpu.memory_space<vmem>>
      %dma_wait3A_103 = arith.constant 0 : i32
      %dma_wait3A_104 = arith.constant 0 : i32
      %dma_wait3A_105 = tpu.memref_slice %arg5[%dma_wait3A_103, %dma_wait3A_104] : memref<1000000x32xf32, #tpu.memory_space<hbm>> -> memref<1x32xf32, #tpu.memory_space<hbm>>
      %dma_wait3A_106 = arith.constant 0 : i32
      %dma_wait3A_107 = arith.constant 0 : i32
      %dma_wait3A_108 = tpu.memref_slice %arg11[%dma_wait3A_106, %dma_wait3A_107] : memref<512x32xf32, #tpu.memory_space<vmem>> -> memref<1x32xf32, #tpu.memory_space<vmem>>
      %dma_wait3A_109 = arith.constant 0 : i32
      %dma_wait3A_110 = arith.constant 0 : i32
      %dma_wait3A_111 = tpu.memref_slice %arg5[%dma_wait3A_109, %dma_wait3A_110] : memref<1000000x32xf32, #tpu.memory_space<hbm>> -> memref<1x32xf32, #tpu.memory_space<hbm>>
      tpu.wait_dma2 semaphore(%arg12 : memref<!tpu.dma_semaphore, #tpu.memory_space<semaphore_mem>>) src(%dma_wait3A_111 : memref<1x32xf32, #tpu.memory_space<hbm>>) dst(%dma_wait3A_108 : memref<1x32xf32, #tpu.memory_space<vmem>>)
      %dma_wait3A_112 = arith.constant 0 : i32
      %dma_wait3A_113 = arith.constant 0 : i32
      %dma_wait3A_114 = tpu.memref_slice %arg11[%dma_wait3A_112, %dma_wait3A_113] : memref<512x32xf32, #tpu.memory_space<vmem>> -> memref<1x32xf32, #tpu.memory_space<vmem>>
      %dma_wait3A_115 = arith.constant 0 : i32
      %dma_wait3A_116 = arith.constant 0 : i32
      %dma_wait3A_117 = tpu.memref_slice %arg5[%dma_wait3A_115, %dma_wait3A_116] : memref<1000000x32xf32, #tpu.memory_space<hbm>> -> memref<1x32xf32, #tpu.memory_space<hbm>>
      %dma_wait3A_118 = arith.constant 0 : i32
      %dma_wait3A_119 = arith.constant 0 : i32
      %dma_wait3A_120 = tpu.memref_slice %arg11[%dma_wait3A_118, %dma_wait3A_119] : memref<512x32xf32, #tpu.memory_space<vmem>> -> memref<1x32xf32, #tpu.memory_space<vmem>>
      %dma_wait3A_121 = arith.constant 0 : i32
      %dma_wait3A_122 = arith.constant 0 : i32
      %dma_wait3A_123 = tpu.memref_slice %arg5[%dma_wait3A_121, %dma_wait3A_122] : memref<1000000x32xf32, #tpu.memory_space<hbm>> -> memref<1x32xf32, #tpu.memory_space<hbm>>
      tpu.wait_dma2 semaphore(%arg12 : memref<!tpu.dma_semaphore, #tpu.memory_space<semaphore_mem>>) src(%dma_wait3A_123 : memref<1x32xf32, #tpu.memory_space<hbm>>) dst(%dma_wait3A_120 : memref<1x32xf32, #tpu.memory_space<vmem>>)
      %dma_wait3A_124 = arith.constant 0 : i32
      %dma_wait3A_125 = arith.constant 0 : i32
      %dma_wait3A_126 = tpu.memref_slice %arg11[%dma_wait3A_124, %dma_wait3A_125] : memref<512x32xf32, #tpu.memory_space<vmem>> -> memref<1x32xf32, #tpu.memory_space<vmem>>
      %dma_wait3A_127 = arith.constant 0 : i32
      %dma_wait3A_128 = arith.constant 0 : i32
      %dma_wait3A_129 = tpu.memref_slice %arg5[%dma_wait3A_127, %dma_wait3A_128] : memref<1000000x32xf32, #tpu.memory_space<hbm>> -> memref<1x32xf32, #tpu.memory_space<hbm>>
      %dma_wait3A_130 = arith.constant 0 : i32
      %dma_wait3A_131 = arith.constant 0 : i32
      %dma_wait3A_132 = tpu.memref_slice %arg11[%dma_wait3A_130, %dma_wait3A_131] : memref<512x32xf32, #tpu.memory_space<vmem>> -> memref<1x32xf32, #tpu.memory_space<vmem>>
      %dma_wait3A_133 = arith.constant 0 : i32
      %dma_wait3A_134 = arith.constant 0 : i32
      %dma_wait3A_135 = tpu.memref_slice %arg5[%dma_wait3A_133, %dma_wait3A_134] : memref<1000000x32xf32, #tpu.memory_space<hbm>> -> memref<1x32xf32, #tpu.memory_space<hbm>>
      tpu.wait_dma2 semaphore(%arg12 : memref<!tpu.dma_semaphore, #tpu.memory_space<semaphore_mem>>) src(%dma_wait3A_135 : memref<1x32xf32, #tpu.memory_space<hbm>>) dst(%dma_wait3A_132 : memref<1x32xf32, #tpu.memory_space<vmem>>)
      %dma_wait3A_136 = arith.constant 0 : i32
      %dma_wait3A_137 = arith.constant 0 : i32
      %dma_wait3A_138 = tpu.memref_slice %arg11[%dma_wait3A_136, %dma_wait3A_137] : memref<512x32xf32, #tpu.memory_space<vmem>> -> memref<1x32xf32, #tpu.memory_space<vmem>>
      %dma_wait3A_139 = arith.constant 0 : i32
      %dma_wait3A_140 = arith.constant 0 : i32
      %dma_wait3A_141 = tpu.memref_slice %arg5[%dma_wait3A_139, %dma_wait3A_140] : memref<1000000x32xf32, #tpu.memory_space<hbm>> -> memref<1x32xf32, #tpu.memory_space<hbm>>
      %dma_wait3A_142 = arith.constant 0 : i32
      %dma_wait3A_143 = arith.constant 0 : i32
      %dma_wait3A_144 = tpu.memref_slice %arg11[%dma_wait3A_142, %dma_wait3A_143] : memref<512x32xf32, #tpu.memory_space<vmem>> -> memref<1x32xf32, #tpu.memory_space<vmem>>
      %dma_wait3A_145 = arith.constant 0 : i32
      %dma_wait3A_146 = arith.constant 0 : i32
      %dma_wait3A_147 = tpu.memref_slice %arg5[%dma_wait3A_145, %dma_wait3A_146] : memref<1000000x32xf32, #tpu.memory_space<hbm>> -> memref<1x32xf32, #tpu.memory_space<hbm>>
      tpu.wait_dma2 semaphore(%arg12 : memref<!tpu.dma_semaphore, #tpu.memory_space<semaphore_mem>>) src(%dma_wait3A_147 : memref<1x32xf32, #tpu.memory_space<hbm>>) dst(%dma_wait3A_144 : memref<1x32xf32, #tpu.memory_space<vmem>>)
      %dma_wait3A_148 = arith.constant 0 : i32
      %dma_wait3A_149 = arith.constant 0 : i32
      %dma_wait3A_150 = tpu.memref_slice %arg11[%dma_wait3A_148, %dma_wait3A_149] : memref<512x32xf32, #tpu.memory_space<vmem>> -> memref<1x32xf32, #tpu.memory_space<vmem>>
      %dma_wait3A_151 = arith.constant 0 : i32
      %dma_wait3A_152 = arith.constant 0 : i32
      %dma_wait3A_153 = tpu.memref_slice %arg5[%dma_wait3A_151, %dma_wait3A_152] : memref<1000000x32xf32, #tpu.memory_space<hbm>> -> memref<1x32xf32, #tpu.memory_space<hbm>>
      %dma_wait3A_154 = arith.constant 0 : i32
      %dma_wait3A_155 = arith.constant 0 : i32
      %dma_wait3A_156 = tpu.memref_slice %arg11[%dma_wait3A_154, %dma_wait3A_155] : memref<512x32xf32, #tpu.memory_space<vmem>> -> memref<1x32xf32, #tpu.memory_space<vmem>>
      %dma_wait3A_157 = arith.constant 0 : i32
      %dma_wait3A_158 = arith.constant 0 : i32
      %dma_wait3A_159 = tpu.memref_slice %arg5[%dma_wait3A_157, %dma_wait3A_158] : memref<1000000x32xf32, #tpu.memory_space<hbm>> -> memref<1x32xf32, #tpu.memory_space<hbm>>
      tpu.wait_dma2 semaphore(%arg12 : memref<!tpu.dma_semaphore, #tpu.memory_space<semaphore_mem>>) src(%dma_wait3A_159 : memref<1x32xf32, #tpu.memory_space<hbm>>) dst(%dma_wait3A_156 : memref<1x32xf32, #tpu.memory_space<vmem>>)
      %dma_wait3A_160 = arith.constant 0 : i32
      %dma_wait3A_161 = arith.constant 0 : i32
      %dma_wait3A_162 = tpu.memref_slice %arg11[%dma_wait3A_160, %dma_wait3A_161] : memref<512x32xf32, #tpu.memory_space<vmem>> -> memref<1x32xf32, #tpu.memory_space<vmem>>
      %dma_wait3A_163 = arith.constant 0 : i32
      %dma_wait3A_164 = arith.constant 0 : i32
      %dma_wait3A_165 = tpu.memref_slice %arg5[%dma_wait3A_163, %dma_wait3A_164] : memref<1000000x32xf32, #tpu.memory_space<hbm>> -> memref<1x32xf32, #tpu.memory_space<hbm>>
      %dma_wait3A_166 = arith.constant 0 : i32
      %dma_wait3A_167 = arith.constant 0 : i32
      %dma_wait3A_168 = tpu.memref_slice %arg11[%dma_wait3A_166, %dma_wait3A_167] : memref<512x32xf32, #tpu.memory_space<vmem>> -> memref<1x32xf32, #tpu.memory_space<vmem>>
      %dma_wait3A_169 = arith.constant 0 : i32
      %dma_wait3A_170 = arith.constant 0 : i32
      %dma_wait3A_171 = tpu.memref_slice %arg5[%dma_wait3A_169, %dma_wait3A_170] : memref<1000000x32xf32, #tpu.memory_space<hbm>> -> memref<1x32xf32, #tpu.memory_space<hbm>>
      tpu.wait_dma2 semaphore(%arg12 : memref<!tpu.dma_semaphore, #tpu.memory_space<semaphore_mem>>) src(%dma_wait3A_171 : memref<1x32xf32, #tpu.memory_space<hbm>>) dst(%dma_wait3A_168 : memref<1x32xf32, #tpu.memory_space<vmem>>)
      %dma_wait3A_172 = arith.constant 0 : i32
      %dma_wait3A_173 = arith.constant 0 : i32
      %dma_wait3A_174 = tpu.memref_slice %arg11[%dma_wait3A_172, %dma_wait3A_173] : memref<512x32xf32, #tpu.memory_space<vmem>> -> memref<1x32xf32, #tpu.memory_space<vmem>>
      %dma_wait3A_175 = arith.constant 0 : i32
      %dma_wait3A_176 = arith.constant 0 : i32
      %dma_wait3A_177 = tpu.memref_slice %arg5[%dma_wait3A_175, %dma_wait3A_176] : memref<1000000x32xf32, #tpu.memory_space<hbm>> -> memref<1x32xf32, #tpu.memory_space<hbm>>
      %dma_wait3A_178 = arith.constant 0 : i32
      %dma_wait3A_179 = arith.constant 0 : i32
      %dma_wait3A_180 = tpu.memref_slice %arg11[%dma_wait3A_178, %dma_wait3A_179] : memref<512x32xf32, #tpu.memory_space<vmem>> -> memref<1x32xf32, #tpu.memory_space<vmem>>
      %dma_wait3A_181 = arith.constant 0 : i32
      %dma_wait3A_182 = arith.constant 0 : i32
      %dma_wait3A_183 = tpu.memref_slice %arg5[%dma_wait3A_181, %dma_wait3A_182] : memref<1000000x32xf32, #tpu.memory_space<hbm>> -> memref<1x32xf32, #tpu.memory_space<hbm>>
      tpu.wait_dma2 semaphore(%arg12 : memref<!tpu.dma_semaphore, #tpu.memory_space<semaphore_mem>>) src(%dma_wait3A_183 : memref<1x32xf32, #tpu.memory_space<hbm>>) dst(%dma_wait3A_180 : memref<1x32xf32, #tpu.memory_space<vmem>>)
      %dma_wait3A_184 = arith.constant 0 : i32
      %dma_wait3A_185 = arith.constant 0 : i32
      %dma_wait3A_186 = tpu.memref_slice %arg11[%dma_wait3A_184, %dma_wait3A_185] : memref<512x32xf32, #tpu.memory_space<vmem>> -> memref<1x32xf32, #tpu.memory_space<vmem>>
      %dma_wait3A_187 = arith.constant 0 : i32
      %dma_wait3A_188 = arith.constant 0 : i32
      %dma_wait3A_189 = tpu.memref_slice %arg5[%dma_wait3A_187, %dma_wait3A_188] : memref<1000000x32xf32, #tpu.memory_space<hbm>> -> memref<1x32xf32, #tpu.memory_space<hbm>>
      %dma_wait3A_190 = arith.constant 0 : i32
      %dma_wait3A_191 = arith.constant 0 : i32
      %dma_wait3A_192 = tpu.memref_slice %arg11[%dma_wait3A_190, %dma_wait3A_191] : memref<512x32xf32, #tpu.memory_space<vmem>> -> memref<1x32xf32, #tpu.memory_space<vmem>>
      %dma_wait3A_193 = arith.constant 0 : i32
      %dma_wait3A_194 = arith.constant 0 : i32
      %dma_wait3A_195 = tpu.memref_slice %arg5[%dma_wait3A_193, %dma_wait3A_194] : memref<1000000x32xf32, #tpu.memory_space<hbm>> -> memref<1x32xf32, #tpu.memory_space<hbm>>
      tpu.wait_dma2 semaphore(%arg12 : memref<!tpu.dma_semaphore, #tpu.memory_space<semaphore_mem>>) src(%dma_wait3A_195 : memref<1x32xf32, #tpu.memory_space<hbm>>) dst(%dma_wait3A_192 : memref<1x32xf32, #tpu.memory_space<vmem>>)
      %dma_wait3A_196 = arith.constant 0 : i32
      %dma_wait3A_197 = arith.constant 0 : i32
      %dma_wait3A_198 = tpu.memref_slice %arg11[%dma_wait3A_196, %dma_wait3A_197] : memref<512x32xf32, #tpu.memory_space<vmem>> -> memref<1x32xf32, #tpu.memory_space<vmem>>
      %dma_wait3A_199 = arith.constant 0 : i32
      %dma_wait3A_200 = arith.constant 0 : i32
      %dma_wait3A_201 = tpu.memref_slice %arg5[%dma_wait3A_199, %dma_wait3A_200] : memref<1000000x32xf32, #tpu.memory_space<hbm>> -> memref<1x32xf32, #tpu.memory_space<hbm>>
      %dma_wait3A_202 = arith.constant 0 : i32
      %dma_wait3A_203 = arith.constant 0 : i32
      %dma_wait3A_204 = tpu.memref_slice %arg11[%dma_wait3A_202, %dma_wait3A_203] : memref<512x32xf32, #tpu.memory_space<vmem>> -> memref<1x32xf32, #tpu.memory_space<vmem>>
      %dma_wait3A_205 = arith.constant 0 : i32
      %dma_wait3A_206 = arith.constant 0 : i32
      %dma_wait3A_207 = tpu.memref_slice %arg5[%dma_wait3A_205, %dma_wait3A_206] : memref<1000000x32xf32, #tpu.memory_space<hbm>> -> memref<1x32xf32, #tpu.memory_space<hbm>>
      tpu.wait_dma2 semaphore(%arg12 : memref<!tpu.dma_semaphore, #tpu.memory_space<semaphore_mem>>) src(%dma_wait3A_207 : memref<1x32xf32, #tpu.memory_space<hbm>>) dst(%dma_wait3A_204 : memref<1x32xf32, #tpu.memory_space<vmem>>)
      %dma_wait3A_208 = arith.constant 0 : i32
      %dma_wait3A_209 = arith.constant 0 : i32
      %dma_wait3A_210 = tpu.memref_slice %arg11[%dma_wait3A_208, %dma_wait3A_209] : memref<512x32xf32, #tpu.memory_space<vmem>> -> memref<1x32xf32, #tpu.memory_space<vmem>>
      %dma_wait3A_211 = arith.constant 0 : i32
      %dma_wait3A_212 = arith.constant 0 : i32
      %dma_wait3A_213 = tpu.memref_slice %arg5[%dma_wait3A_211, %dma_wait3A_212] : memref<1000000x32xf32, #tpu.memory_space<hbm>> -> memref<1x32xf32, #tpu.memory_space<hbm>>
      %dma_wait3A_214 = arith.constant 0 : i32
      %dma_wait3A_215 = arith.constant 0 : i32
      %dma_wait3A_216 = tpu.memref_slice %arg11[%dma_wait3A_214, %dma_wait3A_215] : memref<512x32xf32, #tpu.memory_space<vmem>> -> memref<1x32xf32, #tpu.memory_space<vmem>>
      %dma_wait3A_217 = arith.constant 0 : i32
      %dma_wait3A_218 = arith.constant 0 : i32
      %dma_wait3A_219 = tpu.memref_slice %arg5[%dma_wait3A_217, %dma_wait3A_218] : memref<1000000x32xf32, #tpu.memory_space<hbm>> -> memref<1x32xf32, #tpu.memory_space<hbm>>
      tpu.wait_dma2 semaphore(%arg12 : memref<!tpu.dma_semaphore, #tpu.memory_space<semaphore_mem>>) src(%dma_wait3A_219 : memref<1x32xf32, #tpu.memory_space<hbm>>) dst(%dma_wait3A_216 : memref<1x32xf32, #tpu.memory_space<vmem>>)
      %dma_wait3A_220 = arith.constant 0 : i32
      %dma_wait3A_221 = arith.constant 0 : i32
      %dma_wait3A_222 = tpu.memref_slice %arg11[%dma_wait3A_220, %dma_wait3A_221] : memref<512x32xf32, #tpu.memory_space<vmem>> -> memref<1x32xf32, #tpu.memory_space<vmem>>
      %dma_wait3A_223 = arith.constant 0 : i32
      %dma_wait3A_224 = arith.constant 0 : i32
      %dma_wait3A_225 = tpu.memref_slice %arg5[%dma_wait3A_223, %dma_wait3A_224] : memref<1000000x32xf32, #tpu.memory_space<hbm>> -> memref<1x32xf32, #tpu.memory_space<hbm>>
      %dma_wait3A_226 = arith.constant 0 : i32
      %dma_wait3A_227 = arith.constant 0 : i32
      %dma_wait3A_228 = tpu.memref_slice %arg11[%dma_wait3A_226, %dma_wait3A_227] : memref<512x32xf32, #tpu.memory_space<vmem>> -> memref<1x32xf32, #tpu.memory_space<vmem>>
      %dma_wait3A_229 = arith.constant 0 : i32
      %dma_wait3A_230 = arith.constant 0 : i32
      %dma_wait3A_231 = tpu.memref_slice %arg5[%dma_wait3A_229, %dma_wait3A_230] : memref<1000000x32xf32, #tpu.memory_space<hbm>> -> memref<1x32xf32, #tpu.memory_space<hbm>>
      tpu.wait_dma2 semaphore(%arg12 : memref<!tpu.dma_semaphore, #tpu.memory_space<semaphore_mem>>) src(%dma_wait3A_231 : memref<1x32xf32, #tpu.memory_space<hbm>>) dst(%dma_wait3A_228 : memref<1x32xf32, #tpu.memory_space<vmem>>)
      %dma_wait3A_232 = arith.constant 0 : i32
      %dma_wait3A_233 = arith.constant 0 : i32
      %dma_wait3A_234 = tpu.memref_slice %arg11[%dma_wait3A_232, %dma_wait3A_233] : memref<512x32xf32, #tpu.memory_space<vmem>> -> memref<1x32xf32, #tpu.memory_space<vmem>>
      %dma_wait3A_235 = arith.constant 0 : i32
      %dma_wait3A_236 = arith.constant 0 : i32
      %dma_wait3A_237 = tpu.memref_slice %arg5[%dma_wait3A_235, %dma_wait3A_236] : memref<1000000x32xf32, #tpu.memory_space<hbm>> -> memref<1x32xf32, #tpu.memory_space<hbm>>
      %dma_wait3A_238 = arith.constant 0 : i32
      %dma_wait3A_239 = arith.constant 0 : i32
      %dma_wait3A_240 = tpu.memref_slice %arg11[%dma_wait3A_238, %dma_wait3A_239] : memref<512x32xf32, #tpu.memory_space<vmem>> -> memref<1x32xf32, #tpu.memory_space<vmem>>
      %dma_wait3A_241 = arith.constant 0 : i32
      %dma_wait3A_242 = arith.constant 0 : i32
      %dma_wait3A_243 = tpu.memref_slice %arg5[%dma_wait3A_241, %dma_wait3A_242] : memref<1000000x32xf32, #tpu.memory_space<hbm>> -> memref<1x32xf32, #tpu.memory_space<hbm>>
      tpu.wait_dma2 semaphore(%arg12 : memref<!tpu.dma_semaphore, #tpu.memory_space<semaphore_mem>>) src(%dma_wait3A_243 : memref<1x32xf32, #tpu.memory_space<hbm>>) dst(%dma_wait3A_240 : memref<1x32xf32, #tpu.memory_space<vmem>>)
      %scan3A_244 = arith.constant 0 : i32
      scf.yield %scan3A_244 : i32
    }
    %scan3A_50 = arith.constant 32 : i32
    "tpu.region"() ({
      %run_scoped3A = tpu.sem_alloc : memref<!tpu.dma_semaphore, #tpu.memory_space<semaphore_mem>>
      %dma_start3A = arith.constant 0 : i32
      %dma_start3A_51 = tpu.memref_slice %arg8[%mul3A_2, %dma_start3A] : memref<16384x32xf32, #tpu.memory_space<hbm>> -> memref<512x32xf32, #tpu.memory_space<hbm>>
      %dma_start3A_52 = arith.constant 0 : i32
      %dma_start3A_53 = tpu.memref_slice %arg8[%mul3A_2, %dma_start3A_52] : memref<16384x32xf32, #tpu.memory_space<hbm>> -> memref<512x32xf32, #tpu.memory_space<hbm>>
      tpu.enqueue_dma source(%arg11 : memref<512x32xf32, #tpu.memory_space<vmem>>) target(%dma_start3A_53 : memref<512x32xf32, #tpu.memory_space<hbm>>) target_semaphore(%run_scoped3A : memref<!tpu.dma_semaphore, #tpu.memory_space<semaphore_mem>>)
      %dma_wait3A = arith.constant 0 : i32
      %dma_wait3A_54 = tpu.memref_slice %arg8[%mul3A_2, %dma_wait3A] : memref<16384x32xf32, #tpu.memory_space<hbm>> -> memref<512x32xf32, #tpu.memory_space<hbm>>
      %dma_wait3A_55 = arith.constant 0 : i32
      %dma_wait3A_56 = tpu.memref_slice %arg8[%mul3A_2, %dma_wait3A_55] : memref<16384x32xf32, #tpu.memory_space<hbm>> -> memref<512x32xf32, #tpu.memory_space<hbm>>
      tpu.wait_dma2 semaphore(%run_scoped3A : memref<!tpu.dma_semaphore, #tpu.memory_space<semaphore_mem>>) src(%arg11 : memref<512x32xf32, #tpu.memory_space<vmem>>) dst(%dma_wait3A_56 : memref<512x32xf32, #tpu.memory_space<hbm>>)
      tpu.yield
    }) : () -> ()
    return
  }
}

</mosaic_0001>

<sc_bundles>
// kernel: kernel.3.cloned.1.call-start
scs
__scs_entry_jumppad:
0x0: {  	(pc) =	sbr.rel $0x88, $3  }
0x1: {  	(tag) =	ssettag $0x0;
	lr =	simm.s32 $0x1  }
0x2: {  	[smem:$0x3F9D] =	sst lr;
	_ =	strace $0xD0000000  }
0x3: {  	_ = 	snop  }
0x4: {  	_ = 	snop  }
0x5: {  	_ = 	snop  }
0x6: {  	_ = 	snop  }
0x7: {  	_ = 	snop  }
__scs_overlays_trampoline_lowered:
0x8: {  	[smem:$0x3FAC] =	sst s0  }
0x9: {  	[smem:$0x3FAD] =	sst s1  }
0xa: {  	[smem:$0x3FAE] =	sst s2  }
0xb: {  	[smem:$0x3FAF] =	sst s3  }
0xc: {  	[smem:$0x3FB0] =	sst s4  }
0xd: {  	[smem:$0x3FB1] =	sst s5  }
0xe: {  	[smem:$0x3FB2] =	sst s6  }
0xf: {  	[smem:$0x3FB3] =	sst s7  }
0x10: {  	[smem:$0x3FB4] =	sst s8  }
0x11: {  	[smem:$0x3FB5] =	sst s9;
	s0 =	simm.s32 @!p0 $0x0  }
0x12: {  	s1 =	sld [smem:$0x3F9B];
	s0 =	simm.s32 @p0 $0x1  }
0x13: {  	[smem:$0x3FB6] =	sst s0;
	s0 =	simm.s32 @!p1 $0x0  }
0x14: {  	s2 =	sld [smem:$0x3F9A];
	s0 =	simm.s32 @p1 $0x1  }
0x15: {  	[smem:$0x3FB7] =	sst s0;
	s0 =	simm.s32 @!p2 $0x0  }
0x16: {  	s3 =	sld [smem:$0x3FDB];
	s0 =	simm.s32 @p2 $0x1  }
0x17: {  	s4 =	simm.s32 $0x1BF5;
	[smem:$0x3FB9] =	sst s0  }
0x18: {  	s0 =	sld [smem:$0x3F9C];
	_ =	swait.ge [sflag:s4], $0x0  }
0x19: {  	s7 =	sld [smem:$0x3F9D]  }
0x1a: {  	s8 =	sadd.s32 $0xFFFFE003, lr  }
0x1b: {  	s9 =	sadd.s32 $0xFFFFFEF7, lr;
	s5 =	simm.s32 $0xFFFFFFFF;
	p2 =	slt.u32 s8, $0xFFFFF086  }
0x1c: {  	p1 =	slt.u32 s9, $0xF7A;
	s5 =	simm.s32 @!p2 $0x0  }
0x1d: {  	s5 =	simm.s32 @p1 $0x1;
	p0 =	seq.s32 s7, s2  }
0x1e: {  	s7 =	smul.u32 @!p0 $0xF7A, s2;
	p2 =	seq.s32 @!p0 s5, $0x0  }
0x1f: {  	s9 =	smul.u32 $0xF7A, s1;
	s8 =	simm.s32 @!p0 $0x1BF5;
	p2 =	por !p2, p0  }
0x20: {  	[sflag:s8] =	ssyncset.s32 @!p0 $0xFFFFF086;
	s6 =	sadd.s32 @!p0 s3, s7;
	s7 =	simm.s32 @!p0 $0x108  }
0x21: {  	s3 =	sadd.s32 s3, s9;
	s6 =	sadd.s32 @!p0 $0x88, s6;
	s7 =	simm.s32 @p2 $0x1082  }
0x22: {  	[simem:s7], [sflag:s8] =	dma.local @!p0 [hbm:s6], $0xF7A  }
0x23: {  	s9 =	sor.u32 $0xD0000000, s2;
	s6 =	simm.s32 $0x108;
	_ =	swait.ge @!p0 [sflag:s8], $0x0  }
0x24: {  	s3 =	sadd.s32 $0x88, s3;
	s6 =	simm.s32 @!p1 $0x1082;
	[sflag:s4] =	ssyncset.s32 $0xFFFFF086  }
0x25: {  	[simem:s6], [sflag:s4] =	dma.local [hbm:s3], $0xF7A  }
0x26: {  	[smem:$0x3F9D] =	sst s1;
	(tag) =	ssettag s2;
	_ =	strace s9  }
0x27: {  	s1 =	sld [smem:$0x3FAD]  }
0x28: {  	s2 =	sld [smem:$0x3FAE]  }
0x29: {  	s4 =	sld [smem:$0x3FB0]  }
0x2a: {  	p0 =	seq.s32 s5, $0x0;
	s5 =	sld [smem:$0x3FB1]  }
0x2b: {  	s6 =	sld [smem:$0x3FB2]  }
0x2c: {  	s7 =	sld [smem:$0x3FB3]  }
0x2d: {  	s3 =	simm.s32 $0x108;
	s8 =	sld [smem:$0x3FB4]  }
0x2e: {  	s3 =	simm.s32 @!p0 $0x1082;
	s9 =	sld [smem:$0x3FB5]  }
0x2f: {  	lr =	sadd.s32 s0, s3;
	s0 =	sld [smem:$0x3FAC]  }
0x30: {  	s3 =	sld [smem:$0x3FAF]  }
0x31: {  	[smem:$0x3FB8] =	sst s10  }
0x32: {  	s10 =	sld [smem:$0x3FB6];
	_ =	sdelay $0x3  }
0x33: {  	p0 =	seq.s32 s10, $0x1;
	s10 =	sld [smem:$0x3FB8];
	_ =	sdelay $0x3  }
0x34: {  	[smem:$0x3FB8] =	sst s10  }
0x35: {  	s10 =	sld [smem:$0x3FB7];
	_ =	sdelay $0x3  }
0x36: {  	p1 =	seq.s32 s10, $0x1;
	s10 =	sld [smem:$0x3FB8];
	_ =	sdelay $0x3  }
0x37: {  	[smem:$0x3FB8] =	sst s10  }
0x38: {  	s10 =	sld [smem:$0x3FB9]  }
0x39: {  	_ = 	snop;
	(pc) =	sbr.ind lr, $3  }
0x3a: {  	_ = 	snop  }
0x3b: {  	_ = 	snop  }
0x3c: {  	p2 =	seq.s32 s10, $0x1;
	s10 =	sld [smem:$0x3FB8]  }
0x3d: {  	_ =	shalt  }
0x3e: {  	_ =	shalt  }
0x3f: {  	_ =	shalt  }
0x40: {  	_ =	shalt  }
0x41: {  	_ =	shalt  }
0x42: {  	_ =	shalt  }
0x43: {  	_ =	shalt  }
0x44: {  	_ =	shalt  }
0x45: {  	_ =	shalt  }
0x46: {  	_ =	shalt  }
0x47: {  	_ =	shalt  }
0x48: {  	_ =	shalt  }
0x49: {  	_ =	shalt  }
0x4a: {  	_ =	shalt  }
0x4b: {  	_ =	shalt  }
0x4c: {  	_ =	shalt  }
0x4d: {  	_ =	shalt  }
0x4e: {  	_ =	shalt  }
0x4f: {  	_ =	shalt  }
0x50: {  	_ =	shalt  }
0x51: {  	_ =	shalt  }
0x52: {  	_ =	shalt  }
0x53: {  	_ =	shalt  }
0x54: {  	_ =	shalt  }
0x55: {  	_ =	shalt  }
0x56: {  	_ =	shalt  }
0x57: {  	_ =	shalt  }
0x58: {  	_ =	shalt  }
0x59: {  	_ =	shalt  }
0x5a: {  	_ =	shalt  }
0x5b: {  	_ =	shalt  }
0x5c: {  	_ =	shalt  }
0x5d: {  	_ =	shalt  }
0x5e: {  	_ =	shalt  }
0x5f: {  	_ =	shalt  }
0x60: {  	_ =	shalt  }
0x61: {  	_ =	shalt  }
0x62: {  	_ =	shalt  }
0x63: {  	_ =	shalt  }
0x64: {  	_ =	shalt  }
0x65: {  	_ =	shalt  }
0x66: {  	_ =	shalt  }
0x67: {  	_ =	shalt  }
0x68: {  	_ =	shalt  }
0x69: {  	_ =	shalt  }
0x6a: {  	_ =	shalt  }
0x6b: {  	_ =	shalt  }
0x6c: {  	_ =	shalt  }
0x6d: {  	_ =	shalt  }
0x6e: {  	_ =	shalt  }
0x6f: {  	_ =	shalt  }
0x70: {  	_ =	shalt  }
0x71: {  	_ =	shalt  }
0x72: {  	_ =	shalt  }
0x73: {  	_ =	shalt  }
0x74: {  	_ =	shalt  }
0x75: {  	_ =	shalt  }
0x76: {  	_ =	shalt  }
0x77: {  	_ =	shalt  }
0x78: {  	_ =	shalt  }
0x79: {  	_ =	shalt  }
0x7a: {  	_ =	shalt  }
0x7b: {  	_ =	shalt  }
0x7c: {  	_ =	shalt  }
0x7d: {  	_ =	shalt  }
0x7e: {  	_ =	shalt  }
0x7f: {  	_ =	shalt  }
0x80: {  	_ =	shalt  }
0x81: {  	_ =	shalt  }
0x82: {  	_ =	shalt  }
0x83: {  	_ =	shalt  }
0x84: {  	_ =	shalt  }
0x85: {  	_ =	shalt  }
0x86: {  	_ =	shalt  }
0x87: {  	_ =	shalt  }
.Lfunc_end0:
.L_simem_size_0:
called_computation_lowered:
.L_overlay_start_0:
0x88: {  	s2 =	sld [smem:$0x3FD9]  }
0x89: {  	s3 =	sld [smem:$0x3FFE];
	_ =	sdelay $0x1  }
0x8a: {  	s1 =	srdreg.scid  }
0x8b: {  	s0 =	sand.u32 $0x1, s1  }
0x8c: {  	s17 =	sshll.u32 s0, $0xA;
	s2 =	sadd.s32 s3, s2  }
0x8d: {  	s2 =	sadd.s32 s2, s17  }
0x8e: {  	[smem:$0x3FC4] =	sst s2  }
0x8f: {  	_ = 	snop  }
0x90: {  	s2 =	sld [smem:$0x3FC9];
	(tm) =	ssettm $0x1  }
0x91: {  	s18 =	sld [smem:$0x3FFB];
	_ =	sdelay $0x3  }
0x92: {  	_ =	strace s18  }
0x93: {  	s3 =	sld [smem:$0x3FFC];
	_ =	sdelay $0x3  }
0x94: {  	_ =	strace s3  }
0x95: {  	s3 =	sld [smem:$0x3FFD];
	_ =	sdelay $0x3  }
0x96: {  	_ =	strace s3  }
0x97: {  	_ =	strace $0x8FFFFFFF  }
0x98: {  	s19 =	sld [smem:$0x3FDB];
	_ =	sdelay $0x1  }
0x99: {  	s4 =	simm.s32 $_scs_section_size  }
0x9a: {  	s5 =	simm.s32 $_size__tile_overlayer_lowered;
	s6 =	simm.s32 $_tile_overlayer_lowered  }
0x9b: {  	s22 =	simm.s32 $0x1BFF;
	s21 =	sshll.u32 s6, $0x1;
	s3 =	sadd.s32 s4, s19  }
0x9c: {  	s7 =	simm.s32 $0x0;
	s20 =	sshll.u32 s5, $0x1;
	s5 =	sadd.s32 s21, s3  }
0x9d: {  	[timem:s7], [sflag:s22] =	dma.local [hbm:s5], s20  }
0x9e: {  	_ =	swait.ge [sflag:s22], s20  }
0x9f: {  	s4 =	ssub.s32 $0x0, s20;
	[sflag:s22] =	ssyncset.done $0x0  }
0xa0: {  	[sflag:s22] =	ssyncadd.s32 s4;
	_ =	sdelay $0x1  }
0xa1: {  	s23 =	simm.s32 $0x1B8B  }
0xa2: {  	_ =	swait.ge [sflag:s23], $0x1  }
0xa3: {  	[sflag:s23] =	ssyncset.done $0x0  }
0xa4: {  	s25 =	simm.s32 $0x1B8E;
	s24 =	sld [smem:$0x3FFE];
	[sflag:s23] =	ssyncadd.s32 $0xFFFFFFFF  }
0xa5: {  	s26 =	simm.s32 $execute0_lowered;
	[smem:$0x3FD2] =	sst s25  }
0xa6: {  	s5 =	sshll.u32 s26, $0x1;
	_ =	strace $0x80000046;
	[dreg:$0x1] =	wrdreg $0xFFFFFFFF  }
0xa7: {  	s28 =	simm.s32 $_size_execute0_lowered;
	s3 =	sadd.s32 s3, s5;
	[dreg:$0x0] =	wrdreg $0x0  }
0xa8: {  	s5 =	sshll.u32 s28, $0x1;
	[dreg:$0x2] =	wrdreg s3  }
0xa9: {  	[dreg:$0x3] =	wrdreg s5  }
0xaa: {  	[dreg:$0x4] =	wrdreg $0xC0  }
0xab: {  	_ =	task [dreg:s7], $0x5FFFF  }
0xac: {  	[dreg:$0x1] =	wrdreg $0xFFFFFFFF  }
0xad: {  	[dreg:$0x0] =	wrdreg $0x60  }
0xae: {  	[dreg:$0x2] =	wrdreg s2  }
0xaf: {  	[dreg:$0x3] =	wrdreg s24  }
0xb0: {  	[dreg:$0x4] =	wrdreg $0x9  }
0xb1: {  	_ =	task.clear_ibuf [dreg:s7], $0x5FFFF;
	_ =	strace $0x90000046  }
0xb2: {  	s29 =	simm.s32 $0x9;
	_ =	strace $0x80000048  }
0xb3: {  	_ =	swait.ge [sflag:s29], $0x1  }
0xb4: {  	[sflag:s29] =	ssyncadd.s32 $0xFFFFFFFF  }
0xb5: {  	_ =	strace $0x90000048  }
0xb6: {  	_ =	sfence  }
0xb7: {  	s30 =	sld [smem:$0x0];
	_ =	sdelay $0x2  }
0xb8: {  	s31 =	sshll.u32 s1, $0xD;
	s1 =	sshrl.u32 s1, $0x2  }
0xb9: {  	s3 =	sand.u32 $0x4000, s31;
	s1 =	sadd.s32 s1, s30  }
0xba: {  	s0 =	sor.u32 s3, s0;
	s1 =	sshll.u32 s1, $0x11  }
0xbb: {  	s0 =	sor.u32 s1, s0  }
0xbc: {  	s0 =	sadd.s32 $0x8F2B, s0  }
0xbd: {  	[sflag:s0] =	ssyncadd.remote.s32 $0x1  }
0xbe: {  	_ =	sfence.sel $0xFFFF  }
0xbf: {  	[dreg:$0x0] =	wrdreg $0xFFFFFFFF;
	(pc) =	sbr.abs _section_cstart, $3  }
0xc0: {  	[dreg:$0x1] =	wrdreg $0xFFFFFFFF  }
0xc1: {  	_ =	task.clear_ibuf [dreg:s7], $0x2FFFF;
	_ =	strace $0x9FFFFFFF  }
0xc2: {  	(tm) =	ssettm $0x7FFFFFFF  }
0xc3: {  	_ =	shalt  }
tec
execute0_lowered:
.L_overlay_start_1:
0x0: {  	(tag) =	ssettag $0x1  }
0x1: {  	s6 =	rddreg [dreg:$0x0]  }
0x2: {  	s7 =	rddreg [dreg:$0x1]  }
0x3: {  	s0 =	rddreg [dreg:$0x2]  }
0x4: {  	s2 =	simm.s32 $0x0;
	s3 =	srdreg.scid;
	s1 =	stileid.u32  }
0x5: {  	s12 =	simm.s32 $0x1;
	s13 =	simm.s32 $0x200;
	s14 =	simm.s32 $0x0  }
0x6: {  	[smem:$0x7FF] =	sst s2;
	s5 =	sand.u32 $0x1, s3;
	s3 =	sadd.s32 $0x800, s7  }
0x7: {  	s8 =	sshll.u32 s1, $0xA;
	s4 =	sadd.s32 $0xF42C00, s7;
	s9 =	sshll.u32 s5, $0x9  }
0x8: {  	_ =	strace $0x80000047;
	s30 =	ssub.s32 $0x2, s5;
	s8 =	sor.u32 s9, s8  }
0x9: {  	s5 =	sadd.s32 $0x1E85000, s7;
	s11 =	sshrl.u32 s30, $0x1;
	s10 =	sshll.u32 s8, $0x4  }
0xa: {  	s11 =	ssub.s32 s30, s11;
	s31 =	sshrl.u32 s8, $0x3;
	s10 =	sadd.s32 s10, s7  }
0xb: {  	s6 =	sadd.s32 s6, s31;
	s7 =	sadd.s32 $0x2DC7400, s10;
	s8 =	sadd.s32 $0x2E07400, s10  }
0xc: {  	s9 =	sadd.s32 $0x2E47400, s10;
	s10 =	smax.u32 s11, $0x1;
	s11 =	simm.s32 $0x2  }
.LBB2_1:
0xd: {  	[tilespmem:s2], [sflag:$0x2] =	stream.linear.gather [hbm4b:s6+s2], $0x200, $0x38;
	[tilespmem:$0x10200] =	vst v63  }
0xe: {  	_ =	swait.ge [sflag:s11], $0x200  }
0xf: {  	[sflag:s11] =	ssyncset.done $0x0  }
0x10: {  	s16 =	simm.s32 $0x0;
	[sflag:s11] =	ssyncadd.s32 $0xFFFFFE00  }
0x11: {  	v1 =	vld [tilespmem:s16+$0x0];
	_ =	sdelay $0x4  }
0x12: {  	(v2sf) =	vpush v1, $0x0  }
0x13: {  	(v2sf) =	vpush v1, $0x1;
	_ =	sdelay $0x1  }
0x14: {  	(v2sf) =	vpush v1, $0x2  }
0x15: {  	(v2sf) =	vpush v1, $0x3  }
0x16: {  	(v2sf) =	vpush v1, $0x4  }
0x17: {  	(v2sf) =	vpush v1, $0x5  }
0x18: {  	(v2sf) =	vpush v1, $0x6  }
0x19: {  	(v2sf) =	vpush v1, $0x7  }
0x1a: {  	(v2sf) =	vpush v1, $0x8  }
0x1b: {  	(v2sf) =	vpush v1, $0x9  }
0x1c: {  	s15 =	simm.s32 $0x10;
	(v2sf) =	vpush v1, $0xA  }
0x1d: {  	v0 =	vld [tilespmem:s15+$0x0];
	(v2sf) =	vpush v1, $0xB  }
0x1e: {  	(v2sf) =	vpush v1, $0xC  }
0x1f: {  	(v2sf) =	vpush v1, $0xD  }
0x20: {  	(v2sf) =	vpush v1, $0xE;
	s17 =	spop (v2sf)  }
0x21: {  	(v2sf) =	vpush v1, $0xF;
	[smem:s16] =	sst s17;
	s31 =	spop (v2sf)  }
0x22: {  	(v2sf) =	vpush v0, $0x0;
	[smem:$0x1] =	sst s31  }
0x23: {  	s17 =	spop (v2sf)  }
0x24: {  	(v2sf) =	vpush v0, $0x1;
	[smem:$0x2] =	sst s17  }
0x25: {  	s17 =	spop (v2sf)  }
0x26: {  	(v2sf) =	vpush v0, $0x2;
	[smem:$0x3] =	sst s17  }
0x27: {  	s17 =	spop (v2sf)  }
0x28: {  	(v2sf) =	vpush v0, $0x3;
	[smem:$0x4] =	sst s17  }
0x29: {  	s17 =	spop (v2sf)  }
0x2a: {  	(v2sf) =	vpush v0, $0x4;
	[smem:$0x5] =	sst s17  }
0x2b: {  	s17 =	spop (v2sf)  }
0x2c: {  	(v2sf) =	vpush v0, $0x5;
	[smem:$0x6] =	sst s17  }
0x2d: {  	s17 =	spop (v2sf)  }
0x2e: {  	(v2sf) =	vpush v0, $0x6;
	[smem:$0x7] =	sst s17  }
0x2f: {  	s17 =	spop (v2sf)  }
0x30: {  	(v2sf) =	vpush v0, $0x7;
	[smem:$0x8] =	sst s17  }
0x31: {  	s17 =	spop (v2sf)  }
0x32: {  	(v2sf) =	vpush v0, $0x8;
	[smem:$0x9] =	sst s17  }
0x33: {  	s17 =	spop (v2sf)  }
0x34: {  	(v2sf) =	vpush v0, $0x9;
	[smem:$0xA] =	sst s17  }
0x35: {  	s17 =	spop (v2sf)  }
0x36: {  	(v2sf) =	vpush v0, $0xA;
	[smem:$0xB] =	sst s17  }
0x37: {  	s18 =	spop (v2sf)  }
0x38: {  	(v2sf) =	vpush v0, $0xB;
	[smem:$0xC] =	sst s18  }
0x39: {  	s17 =	simm.s32 $0x20;
	s18 =	spop (v2sf)  }
0x3a: {  	v1 =	vld [tilespmem:s17+$0x0];
	(v2sf) =	vpush v0, $0xC;
	[smem:$0xD] =	sst s18  }
0x3b: {  	s18 =	spop (v2sf)  }
0x3c: {  	(v2sf) =	vpush v0, $0xD;
	[smem:$0xE] =	sst s18  }
0x3d: {  	s18 =	simm.s32 $0xC0;
	s19 =	spop (v2sf)  }
.LBB2_2:
0x3e: {  	p0 =	sne.s32 s18, $0x7C0;
	[smem:s16+$0xF] =	sst s19;
	s19 =	smov.u32 s18  }
0x3f: {  	(v2sf) =	vpush v0, $0xE;
	s18 =	sadd.s32 $0x40, s18;
	s16 =	smov.u32 s15;
	s15 =	smov.u32 s17  }
0x40: {  	s17 =	spop (v2sf);
	(v2sf) =	vpush v0, $0xF  }
0x41: {  	[smem:s16] =	sst s17;
	s17 =	spop (v2sf)  }
0x42: {  	(v2sf) =	vpush v1, $0x0;
	[smem:s16+$0x1] =	sst s17;
	s17 =	spop (v2sf);
	v0 =	vmov v1  }
0x43: {  	(v2sf) =	vpush v0, $0x1;
	[smem:s16+$0x2] =	sst s17;
	s17 =	spop (v2sf)  }
0x44: {  	(v2sf) =	vpush v0, $0x2;
	[smem:s16+$0x3] =	sst s17;
	s17 =	spop (v2sf)  }
0x45: {  	(v2sf) =	vpush v0, $0x3;
	[smem:s16+$0x4] =	sst s17;
	s17 =	spop (v2sf)  }
0x46: {  	(v2sf) =	vpush v0, $0x4;
	[smem:s16+$0x5] =	sst s17;
	s17 =	spop (v2sf)  }
0x47: {  	(v2sf) =	vpush v0, $0x5;
	[smem:s16+$0x6] =	sst s17;
	s17 =	spop (v2sf)  }
0x48: {  	(v2sf) =	vpush v0, $0x6;
	[smem:s16+$0x7] =	sst s17;
	s17 =	spop (v2sf)  }
0x49: {  	(v2sf) =	vpush v0, $0x7;
	[smem:s16+$0x8] =	sst s17;
	s17 =	spop (v2sf)  }
0x4a: {  	(v2sf) =	vpush v0, $0x8;
	[smem:s16+$0x9] =	sst s17;
	s17 =	spop (v2sf)  }
0x4b: {  	[smem:s16+$0xA] =	sst s17  }
.Ltmp0:
0x4c: {  	(v2sf) =	vpush v0, $0x9;
	s17 =	spop (v2sf);
	(pc) =	sbr.rel @p0 .LBB2_2-.Ltmp0, $4  }
0x4d: {  	(v2sf) =	vpush v0, $0xA;
	[smem:s16+$0xB] =	sst s17;
	s20 =	spop (v2sf)  }
0x4e: {  	s17 =	sshra.s32 s19, $0x2;
	(v2sf) =	vpush v0, $0xB;
	[smem:s16+$0xC] =	sst s20;
	s19 =	spop (v2sf)  }
0x4f: {  	v1 =	vld [tilespmem:s17+$0x0];
	(v2sf) =	vpush v0, $0xC;
	[smem:s16+$0xD] =	sst s19;
	s19 =	spop (v2sf)  }
0x50: {  	(v2sf) =	vpush v0, $0xD;
	[smem:s16+$0xE] =	sst s19;
	s19 =	spop (v2sf)  }
0x51: {  	_ = 	snop  }
0x52: {  	(v2sf) =	vpush v0, $0xE  }
0x53: {  	[smem:s16+$0xF] =	sst s19;
	s21 =	spop (v2sf);
	(v2sf) =	vpush v0, $0xF  }
0x54: {  	[smem:s15] =	sst s21;
	s22 =	spop (v2sf);
	(v2sf) =	vpush v1, $0x0  }
0x55: {  	[smem:s15+$0x1] =	sst s22;
	s23 =	spop (v2sf);
	(v2sf) =	vpush v1, $0x1  }
0x56: {  	[smem:s15+$0x2] =	sst s23;
	s24 =	spop (v2sf);
	(v2sf) =	vpush v1, $0x2  }
0x57: {  	[smem:s15+$0x3] =	sst s24;
	s25 =	spop (v2sf);
	(v2sf) =	vpush v1, $0x3  }
0x58: {  	[smem:s15+$0x4] =	sst s25;
	s26 =	spop (v2sf);
	(v2sf) =	vpush v1, $0x4  }
0x59: {  	[smem:s15+$0x5] =	sst s26;
	s29 =	spop (v2sf);
	(v2sf) =	vpush v1, $0x5  }
0x5a: {  	[smem:s15+$0x6] =	sst s29;
	s30 =	spop (v2sf);
	(v2sf) =	vpush v1, $0x6  }
0x5b: {  	[smem:s15+$0x7] =	sst s30;
	s31 =	spop (v2sf);
	(v2sf) =	vpush v1, $0x7  }
0x5c: {  	[smem:s15+$0x8] =	sst s31;
	s18 =	spop (v2sf);
	(v2sf) =	vpush v1, $0x8  }
0x5d: {  	[smem:s15+$0x9] =	sst s18;
	s19 =	spop (v2sf);
	(v2sf) =	vpush v1, $0x9  }
0x5e: {  	[smem:s15+$0xA] =	sst s19;
	s20 =	spop (v2sf);
	(v2sf) =	vpush v1, $0xA  }
0x5f: {  	[smem:s15+$0xB] =	sst s20;
	s21 =	spop (v2sf);
	(v2sf) =	vpush v1, $0xB  }
0x60: {  	[smem:s15+$0xC] =	sst s21;
	s22 =	spop (v2sf);
	(v2sf) =	vpush v1, $0xC  }
0x61: {  	[smem:s15+$0xD] =	sst s22;
	s23 =	spop (v2sf);
	(v2sf) =	vpush v1, $0xD  }
0x62: {  	[smem:s15+$0xE] =	sst s23;
	s24 =	spop (v2sf);
	(v2sf) =	vpush v1, $0xE  }
0x63: {  	[smem:s15+$0xF] =	sst s24;
	s25 =	spop (v2sf);
	(v2sf) =	vpush v1, $0xF  }
0x64: {  	[smem:s17] =	sst s25;
	s26 =	spop (v2sf)  }
0x65: {  	[smem:s17+$0x1] =	sst s26;
	s29 =	spop (v2sf)  }
0x66: {  	[smem:s17+$0x2] =	sst s29;
	s30 =	spop (v2sf)  }
0x67: {  	[smem:s17+$0x3] =	sst s30;
	s31 =	spop (v2sf)  }
0x68: {  	[smem:s17+$0x4] =	sst s31;
	s16 =	spop (v2sf)  }
0x69: {  	[smem:s17+$0x5] =	sst s16;
	s18 =	spop (v2sf)  }
0x6a: {  	[smem:s17+$0x6] =	sst s18;
	s19 =	spop (v2sf)  }
0x6b: {  	[smem:s17+$0x7] =	sst s19;
	s20 =	spop (v2sf)  }
0x6c: {  	[smem:s17+$0x8] =	sst s20;
	s21 =	spop (v2sf)  }
0x6d: {  	[smem:s17+$0x9] =	sst s21;
	s22 =	spop (v2sf)  }
0x6e: {  	[smem:s17+$0xA] =	sst s22;
	s23 =	spop (v2sf)  }
0x6f: {  	[smem:s17+$0xB] =	sst s23;
	s24 =	spop (v2sf)  }
0x70: {  	[smem:s17+$0xC] =	sst s24;
	s25 =	spop (v2sf)  }
0x71: {  	[smem:s17+$0xD] =	sst s25;
	s26 =	spop (v2sf)  }
0x72: {  	[smem:s17+$0xE] =	sst s26;
	s29 =	spop (v2sf)  }
0x73: {  	[smem:s17+$0xF] =	sst s29  }
0x74: {  	s17 =	sld [smem:$0x1]  }
0x75: {  	s15 =	simm.s32 $0x0;
	s18 =	sld [smem:$0x2]  }
0x76: {  	s31 =	simm.s32 $0x300;
	s16 =	simm.s32 $0x2000;
	s30 =	sld [smem:$0x3]  }
0x77: {  	s23 =	simm.s32 $0x200;
	s25 =	simm.s32 $0x280;
	s20 =	sld [smem:$0x0]  }
0x78: {  	s29 =	simm.s32 $0x400;
	s17 =	sshll.u32 s17, $0x4;
	s21 =	sld [smem:$0x6]  }
0x79: {  	s17 =	sand.u32 $0x1FFFFFF0, s17;
	s18 =	sshll.u32 s18, $0x4;
	s22 =	sld [smem:$0x5]  }
0x7a: {  	s19 =	sshll.u32 s30, $0x4;
	s17 =	sadd.s32 s3, s17;
	s20 =	sshll.u32 s20, $0x4  }
0x7b: {  	s18 =	sand.u32 $0x1FFFFFF0, s18;
	s24 =	sld [smem:$0x4];
	s20 =	sand.u32 $0x1FFFFFF0, s20  }
0x7c: {  	s19 =	sand.u32 $0x1FFFFFF0, s19;
	s21 =	sshll.u32 s21, $0x4;
	s20 =	sadd.s32 s3, s20  }
0x7d: {  	[tilespmem:s23], [sflag:$0x1] =	stream.linear.gather [hbm4b:s20+s2], $0x80, $0x38;
	[tilespmem:$0x10200] =	vst v63  }
0x7e: {  	s18 =	sadd.s32 s3, s18;
	s21 =	sand.u32 $0x1FFFFFF0, s21;
	s26 =	sshll.u32 s22, $0x4  }
0x7f: {  	[tilespmem:s25], [sflag:$0x1] =	stream.linear.gather [hbm4b:s17+s2], $0x80, $0x38;
	[tilespmem:$0x10200] =	vst v63  }
0x80: {  	s23 =	sadd.s32 s3, s19;
	s24 =	sshll.u32 s24, $0x4;
	s20 =	sand.u32 $0x1FFFFFF0, s26  }
0x81: {  	[tilespmem:s31], [sflag:$0x1] =	stream.linear.gather [hbm4b:s18+s2], $0x80, $0x38;
	[tilespmem:$0x10200] =	vst v63  }
0x82: {  	s21 =	sadd.s32 s3, s21;
	s19 =	sand.u32 $0x1FFFFFF0, s24;
	s25 =	simm.s32 $0x380  }
0x83: {  	[tilespmem:s25], [sflag:$0x1] =	stream.linear.gather [hbm4b:s23+s2], $0x80, $0x38;
	[tilespmem:$0x10200] =	vst v63  }
0x84: {  	s26 =	simm.s32 $0x500;
	s19 =	sadd.s32 s3, s19;
	s31 =	sld [smem:$0x7]  }
0x85: {  	[tilespmem:s29], [sflag:$0x1] =	stream.linear.gather [hbm4b:s19+s2], $0x80, $0x38;
	[tilespmem:$0x10200] =	vst v63  }
0x86: {  	s30 =	sadd.s32 s3, s20;
	s23 =	simm.s32 $0x480;
	s25 =	sld [smem:$0x8]  }
0x87: {  	[tilespmem:s23], [sflag:$0x1] =	stream.linear.gather [hbm4b:s30+s2], $0x80, $0x38;
	[tilespmem:$0x10200] =	vst v63  }
0x88: {  	s20 =	simm.s32 $0x780;
	s24 =	sshll.u32 s31, $0x4;
	s31 =	sld [smem:$0x9]  }
0x89: {  	[tilespmem:s26], [sflag:$0x1] =	stream.linear.gather [hbm4b:s21+s2], $0x80, $0x38;
	[tilespmem:$0x10200] =	vst v63  }
0x8a: {  	s30 =	simm.s32 $0x580;
	s29 =	sand.u32 $0x1FFFFFF0, s24;
	s24 =	sshll.u32 s25, $0x4  }
0x8b: {  	s22 =	sadd.s32 s3, s29;
	s26 =	sand.u32 $0x1FFFFFF0, s24;
	s24 =	sld [smem:$0xA]  }
0x8c: {  	[tilespmem:s30], [sflag:$0x1] =	stream.linear.gather [hbm4b:s22+s2], $0x80, $0x38;
	[tilespmem:$0x10200] =	vst v63  }
0x8d: {  	s18 =	simm.s32 $0x880;
	s29 =	simm.s32 $0x600;
	s22 =	sld [smem:$0xE]  }
0x8e: {  	s17 =	sadd.s32 s3, s26;
	s30 =	sshll.u32 s31, $0x4;
	s26 =	sld [smem:$0xB]  }
0x8f: {  	[tilespmem:s29], [sflag:$0x1] =	stream.linear.gather [hbm4b:s17+s2], $0x80, $0x38;
	[tilespmem:$0x10200] =	vst v63  }
0x90: {  	s31 =	simm.s32 $0x680;
	s23 =	sand.u32 $0x1FFFFFF0, s30;
	s21 =	sld [smem:$0xF]  }
0x91: {  	s29 =	sadd.s32 s3, s23;
	s30 =	sshll.u32 s24, $0x4;
	s24 =	sld [smem:$0xC]  }
0x92: {  	[tilespmem:s31], [sflag:$0x1] =	stream.linear.gather [hbm4b:s29+s2], $0x80, $0x38;
	[tilespmem:$0x10200] =	vst v63  }
0x93: {  	s19 =	simm.s32 $0x800;
	s25 =	simm.s32 $0x700;
	s28 =	sshll.u32 s26, $0x4  }
0x94: {  	s17 =	simm.s32 $0x18;
	s23 =	sand.u32 $0x1FFFFFF0, s30;
	s31 =	sand.u32 $0x1FFFFFF0, s28  }
0x95: {  	s26 =	sadd.s32 s3, s23;
	s28 =	sld [smem:$0xD];
	s23 =	sadd.s32 s3, s31  }
.LBB2_4:
0x96: {  	[tilespmem:s25], [sflag:$0x1] =	stream.linear.gather [hbm4b:s26+s2], $0x80, $0x38;
	[tilespmem:$0x10200] =	vst v63  }
0x97: {  	s25 =	smov.u32 s16  }
0x98: {  	p0 =	sne.s32 s16, $0x3E000;
	s16 =	sadd.s32 $0x2000, s16;
	s24 =	sshll.u32 s24, $0x4  }
0x99: {  	s24 =	sand.u32 $0x1FFFFFF0, s24;
	s26 =	sld [smem:s17+$0xFFFFFFF9];
	s28 =	sshll.u32 s28, $0x4  }
0x9a: {  	s24 =	sadd.s32 s3, s24;
	s29 =	sld [smem:s17+$0xFFFFFFFA];
	s28 =	sand.u32 $0x1FFFFFF0, s28  }
0x9b: {  	[tilespmem:s20], [sflag:$0x1] =	stream.linear.gather [hbm4b:s23+s2], $0x80, $0x38;
	[tilespmem:$0x10200] =	vst v63  }
0x9c: {  	s22 =	sshll.u32 s22, $0x4;
	s23 =	sadd.s32 s3, s28;
	s20 =	sld [smem:s17+$0xFFFFFFFB]  }
0x9d: {  	[tilespmem:s19], [sflag:$0x1] =	stream.linear.gather [hbm4b:s24+s2], $0x80, $0x38;
	[tilespmem:$0x10200] =	vst v63  }
0x9e: {  	s22 =	sand.u32 $0x1FFFFFF0, s22;
	s24 =	sadd.s32 $0x900, s15;
	s19 =	sld [smem:s17+$0xFFFFFFF8]  }
0x9f: {  	[tilespmem:s18], [sflag:$0x1] =	stream.linear.gather [hbm4b:s23+s2], $0x80, $0x38;
	[tilespmem:$0x10200] =	vst v63  }
0xa0: {  	s22 =	sadd.s32 s3, s22;
	s23 =	sadd.s32 $0x980, s15;
	s18 =	sld [smem:s17+$0xFFFFFFFE]  }
0xa1: {  	[tilespmem:s24], [sflag:$0x1] =	stream.linear.gather [hbm4b:s22+s2], $0x80, $0x38;
	[tilespmem:$0x10200] =	vst v63  }
0xa2: {  	s21 =	sshll.u32 s21, $0x4;
	s15 =	sshra.s32 s25, $0x2;
	s22 =	sld [smem:s17+$0xFFFFFFFD]  }
0xa3: {  	s21 =	sand.u32 $0x1FFFFFF0, s21;
	s19 =	sshll.u32 s19, $0x4;
	s18 =	sshll.u32 s18, $0x4  }
0xa4: {  	s19 =	sand.u32 $0x1FFFFFF0, s19;
	s24 =	sand.u32 $0x1FFFFFF0, s18;
	s18 =	sadd.s32 s3, s21  }
0xa5: {  	[tilespmem:s23], [sflag:$0x1] =	stream.linear.gather [hbm4b:s18+s2], $0x80, $0x38;
	[tilespmem:$0x10200] =	vst v63  }
0xa6: {  	s19 =	sadd.s32 s3, s19;
	s21 =	sshll.u32 s26, $0x4;
	s18 =	sadd.s32 $0x200, s15  }
0xa7: {  	s20 =	sshll.u32 s20, $0x4;
	s21 =	sand.u32 $0x1FFFFFF0, s21;
	s23 =	sld [smem:s17+$0xFFFFFFFC]  }
0xa8: {  	s25 =	sadd.s32 $0x280, s15;
	s26 =	sshll.u32 s29, $0x4;
	s21 =	sadd.s32 s3, s21  }
0xa9: {  	[tilespmem:s18], [sflag:$0x1] =	stream.linear.gather [hbm4b:s19+s2], $0x80, $0x38;
	[tilespmem:$0x10200] =	vst v63  }
0xaa: {  	s20 =	sand.u32 $0x1FFFFFF0, s20;
	s18 =	sadd.s32 $0x300, s15;
	s19 =	sand.u32 $0x1FFFFFF0, s26  }
0xab: {  	[tilespmem:s25], [sflag:$0x1] =	stream.linear.gather [hbm4b:s21+s2], $0x80, $0x38;
	[tilespmem:$0x10200] =	vst v63  }
0xac: {  	s20 =	sadd.s32 s3, s20;
	s19 =	sadd.s32 s3, s19;
	s21 =	sshll.u32 s23, $0x4  }
0xad: {  	[tilespmem:s18], [sflag:$0x1] =	stream.linear.gather [hbm4b:s19+s2], $0x80, $0x38;
	[tilespmem:$0x10200] =	vst v63  }
0xae: {  	s18 =	sadd.s32 $0x380, s15;
	s19 =	sand.u32 $0x1FFFFFF0, s21;
	s21 =	sshll.u32 s22, $0x4  }
0xaf: {  	s22 =	sadd.s32 $0x400, s15;
	s19 =	sadd.s32 s3, s19;
	s21 =	sand.u32 $0x1FFFFFF0, s21  }
0xb0: {  	[tilespmem:s18], [sflag:$0x1] =	stream.linear.gather [hbm4b:s20+s2], $0x80, $0x38;
	[tilespmem:$0x10200] =	vst v63  }
0xb1: {  	s21 =	sadd.s32 s3, s21;
	s18 =	sadd.s32 $0x880, s15;
	s20 =	sld [smem:s17+$0xFFFFFFFF]  }
0xb2: {  	[tilespmem:s22], [sflag:$0x1] =	stream.linear.gather [hbm4b:s19+s2], $0x80, $0x38;
	[tilespmem:$0x10200] =	vst v63  }
0xb3: {  	s23 =	sadd.s32 s3, s24;
	s22 =	sadd.s32 $0x480, s15;
	s19 =	sadd.s32 $0x800, s15  }
0xb4: {  	s24 =	sshll.u32 s20, $0x4;
	s25 =	sld [smem:s17+$0x0];
	s20 =	sadd.s32 $0x780, s15  }
0xb5: {  	[tilespmem:s22], [sflag:$0x1] =	stream.linear.gather [hbm4b:s21+s2], $0x80, $0x38;
	[tilespmem:$0x10200] =	vst v63  }
0xb6: {  	s21 =	sadd.s32 $0x500, s15;
	s22 =	sand.u32 $0x1FFFFFF0, s24  }
0xb7: {  	s24 =	sadd.s32 $0x580, s15;
	s22 =	sadd.s32 s3, s22;
	s25 =	sshll.u32 s25, $0x4  }
0xb8: {  	s25 =	sand.u32 $0x1FFFFFF0, s25;
	s26 =	sld [smem:s17+$0x1]  }
0xb9: {  	[tilespmem:s21], [sflag:$0x1] =	stream.linear.gather [hbm4b:s23+s2], $0x80, $0x38;
	[tilespmem:$0x10200] =	vst v63  }
0xba: {  	s21 =	sadd.s32 $0x600, s15;
	s23 =	sadd.s32 s3, s25  }
0xbb: {  	s25 =	sshll.u32 s26, $0x4;
	s26 =	sld [smem:s17+$0x2]  }
0xbc: {  	[tilespmem:s24], [sflag:$0x1] =	stream.linear.gather [hbm4b:s22+s2], $0x80, $0x38;
	[tilespmem:$0x10200] =	vst v63  }
0xbd: {  	s28 =	sadd.s32 $0x680, s15;
	s24 =	sand.u32 $0x1FFFFFF0, s25;
	s22 =	sld [smem:s17+$0x6]  }
0xbe: {  	s29 =	sadd.s32 s3, s24;
	s24 =	sshll.u32 s26, $0x4;
	s30 =	sld [smem:s17+$0x3]  }
0xbf: {  	[tilespmem:s21], [sflag:$0x1] =	stream.linear.gather [hbm4b:s23+s2], $0x80, $0x38;
	[tilespmem:$0x10200] =	vst v63  }
.Ltmp1:
0xc0: {  	s23 =	sand.u32 $0x1FFFFFF0, s24;
	s21 =	sld [smem:s17+$0x7];
	(pc) =	sbr.rel @p0 .LBB2_4-.Ltmp1, $4  }
0xc1: {  	s25 =	sadd.s32 $0x700, s15;
	s26 =	sadd.s32 s3, s23;
	s23 =	sshll.u32 s30, $0x4  }
0xc2: {  	s23 =	sand.u32 $0x1FFFFFF0, s23;
	s24 =	sld [smem:s17+$0x4]  }
0xc3: {  	[tilespmem:s28], [sflag:$0x1] =	stream.linear.gather [hbm4b:s29+s2], $0x80, $0x38;
	[tilespmem:$0x10200] =	vst v63  }
0xc4: {  	s23 =	sadd.s32 s3, s23;
	s28 =	sld [smem:s17+$0x5];
	s17 =	sadd.s32 $0x10, s17  }
0xc5: {  	[tilespmem:s25], [sflag:$0x1] =	stream.linear.gather [hbm4b:s26+s2], $0x80, $0x38;
	[tilespmem:$0x10200] =	vst v63  }
0xc6: {  	s16 =	sshll.u32 s24, $0x4  }
0xc7: {  	s16 =	sand.u32 $0x1FFFFFF0, s16;
	s17 =	sshll.u32 s28, $0x4  }
0xc8: {  	[tilespmem:s20], [sflag:$0x1] =	stream.linear.gather [hbm4b:s23+s2], $0x80, $0x38;
	[tilespmem:$0x10200] =	vst v63  }
0xc9: {  	s25 =	sshll.u32 s22, $0x4;
	s16 =	sadd.s32 s3, s16;
	s17 =	sand.u32 $0x1FFFFFF0, s17  }
0xca: {  	[tilespmem:s19], [sflag:$0x1] =	stream.linear.gather [hbm4b:s16+s2], $0x80, $0x38;
	[tilespmem:$0x10200] =	vst v63  }
0xcb: {  	s30 =	sshll.u32 s21, $0x4;
	s28 =	sand.u32 $0x1FFFFFF0, s25;
	s26 =	sadd.s32 s3, s17  }
0xcc: {  	[tilespmem:s18], [sflag:$0x1] =	stream.linear.gather [hbm4b:s26+s2], $0x80, $0x38;
	[tilespmem:$0x10200] =	vst v63  }
0xcd: {  	s29 =	sadd.s32 $0x900, s15;
	s17 =	sadd.s32 s3, s28;
	s16 =	sand.u32 $0x1FFFFFF0, s30  }
0xce: {  	[tilespmem:s29], [sflag:$0x1] =	stream.linear.gather [hbm4b:s17+s2], $0x80, $0x38;
	[tilespmem:$0x10200] =	vst v63  }
0xcf: {  	s31 =	sadd.s32 $0x980, s15;
	s16 =	sadd.s32 s3, s16  }
0xd0: {  	[tilespmem:s31], [sflag:$0x1] =	stream.linear.gather [hbm4b:s16+s2], $0x80, $0x38;
	[tilespmem:$0x10200] =	vst v63  }
0xd1: {  	_ =	swait.ge [sflag:s12], $0x80  }
0xd2: {  	[sflag:s12] =	ssyncset.done $0x0  }
0xd3: {  	[sflag:s12] =	ssyncadd.s32 $0xFFFFFF80  }
0xd4: {  	_ =	swait.ge [sflag:s12], $0x80  }
0xd5: {  	[sflag:s12] =	ssyncset.done $0x0  }
0xd6: {  	[sflag:s12] =	ssyncadd.s32 $0xFFFFFF80  }
0xd7: {  	_ =	swait.ge [sflag:s12], $0x80  }
0xd8: {  	[sflag:s12] =	ssyncset.done $0x0  }
0xd9: {  	[sflag:s12] =	ssyncadd.s32 $0xFFFFFF80  }
0xda: {  	_ =	swait.ge [sflag:s12], $0x80  }
0xdb: {  	[sflag:s12] =	ssyncset.done $0x0  }
0xdc: {  	[sflag:s12] =	ssyncadd.s32 $0xFFFFFF80  }
0xdd: {  	_ =	swait.ge [sflag:s12], $0x80  }
0xde: {  	[sflag:s12] =	ssyncset.done $0x0  }
0xdf: {  	[sflag:s12] =	ssyncadd.s32 $0xFFFFFF80  }
0xe0: {  	_ =	swait.ge [sflag:s12], $0x80  }
0xe1: {  	[sflag:s12] =	ssyncset.done $0x0  }
0xe2: {  	[sflag:s12] =	ssyncadd.s32 $0xFFFFFF80  }
0xe3: {  	_ =	swait.ge [sflag:s12], $0x80  }
0xe4: {  	[sflag:s12] =	ssyncset.done $0x0  }
0xe5: {  	[sflag:s12] =	ssyncadd.s32 $0xFFFFFF80  }
0xe6: {  	_ =	swait.ge [sflag:s12], $0x80  }
0xe7: {  	[sflag:s12] =	ssyncset.done $0x0  }
0xe8: {  	[sflag:s12] =	ssyncadd.s32 $0xFFFFFF80  }
0xe9: {  	_ =	swait.ge [sflag:s12], $0x80  }
0xea: {  	[sflag:s12] =	ssyncset.done $0x0  }
0xeb: {  	[sflag:s12] =	ssyncadd.s32 $0xFFFFFF80  }
0xec: {  	_ =	swait.ge [sflag:s12], $0x80  }
0xed: {  	[sflag:s12] =	ssyncset.done $0x0  }
0xee: {  	[sflag:s12] =	ssyncadd.s32 $0xFFFFFF80  }
0xef: {  	_ =	swait.ge [sflag:s12], $0x80  }
0xf0: {  	[sflag:s12] =	ssyncset.done $0x0  }
0xf1: {  	[sflag:s12] =	ssyncadd.s32 $0xFFFFFF80  }
0xf2: {  	_ =	swait.ge [sflag:s12], $0x80  }
0xf3: {  	[sflag:s12] =	ssyncset.done $0x0  }
0xf4: {  	[sflag:s12] =	ssyncadd.s32 $0xFFFFFF80  }
0xf5: {  	_ =	swait.ge [sflag:s12], $0x80  }
0xf6: {  	[sflag:s12] =	ssyncset.done $0x0  }
0xf7: {  	[sflag:s12] =	ssyncadd.s32 $0xFFFFFF80  }
0xf8: {  	_ =	swait.ge [sflag:s12], $0x80  }
0xf9: {  	[sflag:s12] =	ssyncset.done $0x0  }
0xfa: {  	[sflag:s12] =	ssyncadd.s32 $0xFFFFFF80  }
0xfb: {  	_ =	swait.ge [sflag:s12], $0x80  }
0xfc: {  	[sflag:s12] =	ssyncset.done $0x0  }
0xfd: {  	[sflag:s12] =	ssyncadd.s32 $0xFFFFFF80  }
0xfe: {  	_ =	swait.ge [sflag:s12], $0x80  }
0xff: {  	s15 =	simm.s32 $0x1F;
	[sflag:s12] =	ssyncset.done $0x0  }
.LBB2_6:
0x100: {  	p0 =	sne.s32 s15, $0x1;
	s15 =	sadd.s32 $0xFFFFFFFF, s15;
	[sflag:s12] =	ssyncadd.s32 $0xFFFFFF80  }
0x101: {  	_ =	swait.ge [sflag:s12], $0x80  }
0x102: {  	[sflag:s12] =	ssyncset.done $0x0  }
0x103: {  	[sflag:s12] =	ssyncadd.s32 $0xFFFFFF80  }
0x104: {  	_ =	swait.ge [sflag:s12], $0x80  }
0x105: {  	[sflag:s12] =	ssyncset.done $0x0  }
0x106: {  	[sflag:s12] =	ssyncadd.s32 $0xFFFFFF80  }
0x107: {  	_ =	swait.ge [sflag:s12], $0x80  }
0x108: {  	[sflag:s12] =	ssyncset.done $0x0  }
0x109: {  	[sflag:s12] =	ssyncadd.s32 $0xFFFFFF80  }
0x10a: {  	_ =	swait.ge [sflag:s12], $0x80  }
0x10b: {  	[sflag:s12] =	ssyncset.done $0x0  }
0x10c: {  	[sflag:s12] =	ssyncadd.s32 $0xFFFFFF80  }
0x10d: {  	_ =	swait.ge [sflag:s12], $0x80  }
0x10e: {  	[sflag:s12] =	ssyncset.done $0x0  }
0x10f: {  	[sflag:s12] =	ssyncadd.s32 $0xFFFFFF80  }
0x110: {  	_ =	swait.ge [sflag:s12], $0x80  }
0x111: {  	[sflag:s12] =	ssyncset.done $0x0  }
0x112: {  	[sflag:s12] =	ssyncadd.s32 $0xFFFFFF80  }
0x113: {  	_ =	swait.ge [sflag:s12], $0x80  }
0x114: {  	[sflag:s12] =	ssyncset.done $0x0  }
0x115: {  	[sflag:s12] =	ssyncadd.s32 $0xFFFFFF80  }
0x116: {  	_ =	swait.ge [sflag:s12], $0x80  }
0x117: {  	[sflag:s12] =	ssyncset.done $0x0  }
0x118: {  	[sflag:s12] =	ssyncadd.s32 $0xFFFFFF80  }
0x119: {  	_ =	swait.ge [sflag:s12], $0x80  }
0x11a: {  	[sflag:s12] =	ssyncset.done $0x0  }
0x11b: {  	[sflag:s12] =	ssyncadd.s32 $0xFFFFFF80  }
0x11c: {  	_ =	swait.ge [sflag:s12], $0x80  }
0x11d: {  	[sflag:s12] =	ssyncset.done $0x0  }
0x11e: {  	[sflag:s12] =	ssyncadd.s32 $0xFFFFFF80  }
0x11f: {  	_ =	swait.ge [sflag:s12], $0x80  }
0x120: {  	[sflag:s12] =	ssyncset.done $0x0  }
0x121: {  	[sflag:s12] =	ssyncadd.s32 $0xFFFFFF80  }
0x122: {  	_ =	swait.ge [sflag:s12], $0x80  }
0x123: {  	[sflag:s12] =	ssyncset.done $0x0  }
0x124: {  	[sflag:s12] =	ssyncadd.s32 $0xFFFFFF80  }
0x125: {  	_ =	swait.ge [sflag:s12], $0x80  }
0x126: {  	[sflag:s12] =	ssyncset.done $0x0  }
0x127: {  	[sflag:s12] =	ssyncadd.s32 $0xFFFFFF80  }
0x128: {  	_ =	swait.ge [sflag:s12], $0x80  }
0x129: {  	[sflag:s12] =	ssyncset.done $0x0  }
0x12a: {  	[sflag:s12] =	ssyncadd.s32 $0xFFFFFF80  }
.Ltmp2:
0x12b: {  	_ =	swait.ge [sflag:s12], $0x80;
	(pc) =	sbr.rel @p0 .LBB2_6-.Ltmp2, $4  }
0x12c: {  	[sflag:s12] =	ssyncset.done $0x0  }
0x12d: {  	[sflag:s12] =	ssyncadd.s32 $0xFFFFFF80  }
0x12e: {  	_ =	swait.ge [sflag:s12], $0x80  }
0x12f: {  	[sflag:s12] =	ssyncset.done $0x0  }
0x130: {  	[sflag:s12] =	ssyncadd.s32 $0xFFFFFF80;
	s15 =	simm.s32 $0x0  }
0x131: {  	[hbm4b:s7+s15] =	stream.linear.scatter [tilespmem:s13], [sflag:$0x2], $0x10000, $0x38;
	[tilespmem:$0x10200] =	vst v63  }
0x132: {  	_ =	swait.ge [sflag:s11], $0x10000  }
0x133: {  	[sflag:s11] =	ssyncset.done $0x0  }
0x134: {  	[sflag:s11] =	ssyncadd.s32 $0xFFFF0000  }
0x135: {  	s17 =	sld [smem:$0x1]  }
0x136: {  	s16 =	simm.s32 $0x2000;
	s18 =	sld [smem:$0x2]  }
0x137: {  	s23 =	simm.s32 $0x200;
	s25 =	simm.s32 $0x280;
	s19 =	sld [smem:$0x3]  }
0x138: {  	s31 =	simm.s32 $0x300;
	s29 =	simm.s32 $0x400;
	s20 =	sld [smem:$0x0]  }
0x139: {  	s15 =	simm.s32 $0x0;
	s17 =	sshll.u32 s17, $0x4;
	s21 =	sld [smem:$0x6]  }
0x13a: {  	s17 =	sand.u32 $0x1FFFFFF0, s17;
	s18 =	sshll.u32 s18, $0x4;
	s22 =	sld [smem:$0x5]  }
0x13b: {  	s19 =	sshll.u32 s19, $0x4;
	s17 =	sadd.s32 s4, s17;
	s20 =	sshll.u32 s20, $0x4  }
0x13c: {  	s18 =	sand.u32 $0x1FFFFFF0, s18;
	s24 =	sld [smem:$0x4];
	s20 =	sand.u32 $0x1FFFFFF0, s20  }
0x13d: {  	s19 =	sand.u32 $0x1FFFFFF0, s19;
	s21 =	sshll.u32 s21, $0x4;
	s20 =	sadd.s32 s4, s20  }
0x13e: {  	[tilespmem:s23], [sflag:$0x1] =	stream.linear.gather [hbm4b:s20+s2], $0x80, $0x38;
	[tilespmem:$0x10200] =	vst v63  }
0x13f: {  	s18 =	sadd.s32 s4, s18;
	s21 =	sand.u32 $0x1FFFFFF0, s21;
	s26 =	sshll.u32 s22, $0x4  }
0x140: {  	[tilespmem:s25], [sflag:$0x1] =	stream.linear.gather [hbm4b:s17+s2], $0x80, $0x38;
	[tilespmem:$0x10200] =	vst v63  }
0x141: {  	s23 =	sadd.s32 s4, s19;
	s24 =	sshll.u32 s24, $0x4;
	s20 =	sand.u32 $0x1FFFFFF0, s26  }
0x142: {  	[tilespmem:s31], [sflag:$0x1] =	stream.linear.gather [hbm4b:s18+s2], $0x80, $0x38;
	[tilespmem:$0x10200] =	vst v63  }
0x143: {  	s21 =	sadd.s32 s4, s21;
	s19 =	sand.u32 $0x1FFFFFF0, s24;
	s25 =	simm.s32 $0x380  }
0x144: {  	[tilespmem:s25], [sflag:$0x1] =	stream.linear.gather [hbm4b:s23+s2], $0x80, $0x38;
	[tilespmem:$0x10200] =	vst v63  }
0x145: {  	s26 =	simm.s32 $0x500;
	s19 =	sadd.s32 s4, s19;
	s31 =	sld [smem:$0x7]  }
0x146: {  	[tilespmem:s29], [sflag:$0x1] =	stream.linear.gather [hbm4b:s19+s2], $0x80, $0x38;
	[tilespmem:$0x10200] =	vst v63  }
0x147: {  	s30 =	sadd.s32 s4, s20;
	s23 =	simm.s32 $0x480;
	s25 =	sld [smem:$0x8]  }
0x148: {  	[tilespmem:s23], [sflag:$0x1] =	stream.linear.gather [hbm4b:s30+s2], $0x80, $0x38;
	[tilespmem:$0x10200] =	vst v63  }
0x149: {  	s20 =	simm.s32 $0x780;
	s24 =	sshll.u32 s31, $0x4;
	s31 =	sld [smem:$0x9]  }
0x14a: {  	[tilespmem:s26], [sflag:$0x1] =	stream.linear.gather [hbm4b:s21+s2], $0x80, $0x38;
	[tilespmem:$0x10200] =	vst v63  }
0x14b: {  	s30 =	simm.s32 $0x580;
	s29 =	sand.u32 $0x1FFFFFF0, s24;
	s24 =	sshll.u32 s25, $0x4  }
0x14c: {  	s22 =	sadd.s32 s4, s29;
	s26 =	sand.u32 $0x1FFFFFF0, s24;
	s24 =	sld [smem:$0xA]  }
0x14d: {  	[tilespmem:s30], [sflag:$0x1] =	stream.linear.gather [hbm4b:s22+s2], $0x80, $0x38;
	[tilespmem:$0x10200] =	vst v63  }
0x14e: {  	s18 =	simm.s32 $0x880;
	s29 =	simm.s32 $0x600;
	s22 =	sld [smem:$0xE]  }
0x14f: {  	s17 =	sadd.s32 s4, s26;
	s30 =	sshll.u32 s31, $0x4;
	s26 =	sld [smem:$0xB]  }
0x150: {  	[tilespmem:s29], [sflag:$0x1] =	stream.linear.gather [hbm4b:s17+s2], $0x80, $0x38;
	[tilespmem:$0x10200] =	vst v63  }
0x151: {  	s31 =	simm.s32 $0x680;
	s23 =	sand.u32 $0x1FFFFFF0, s30;
	s21 =	sld [smem:$0xF]  }
0x152: {  	s29 =	sadd.s32 s4, s23;
	s30 =	sshll.u32 s24, $0x4;
	s24 =	sld [smem:$0xC]  }
0x153: {  	[tilespmem:s31], [sflag:$0x1] =	stream.linear.gather [hbm4b:s29+s2], $0x80, $0x38;
	[tilespmem:$0x10200] =	vst v63  }
0x154: {  	s19 =	simm.s32 $0x800;
	s25 =	simm.s32 $0x700;
	s28 =	sshll.u32 s26, $0x4  }
0x155: {  	s17 =	simm.s32 $0x18;
	s23 =	sand.u32 $0x1FFFFFF0, s30;
	s31 =	sand.u32 $0x1FFFFFF0, s28  }
0x156: {  	s26 =	sadd.s32 s4, s23;
	s28 =	sld [smem:$0xD];
	s23 =	sadd.s32 s4, s31  }
.LBB2_8:
0x157: {  	[tilespmem:s25], [sflag:$0x1] =	stream.linear.gather [hbm4b:s26+s2], $0x80, $0x38;
	[tilespmem:$0x10200] =	vst v63  }
0x158: {  	s25 =	smov.u32 s16  }
0x159: {  	p0 =	sne.s32 s16, $0x3E000;
	s16 =	sadd.s32 $0x2000, s16;
	s24 =	sshll.u32 s24, $0x4  }
0x15a: {  	s24 =	sand.u32 $0x1FFFFFF0, s24;
	s26 =	sld [smem:s17+$0xFFFFFFF9];
	s28 =	sshll.u32 s28, $0x4  }
0x15b: {  	s24 =	sadd.s32 s4, s24;
	s29 =	sld [smem:s17+$0xFFFFFFFA];
	s28 =	sand.u32 $0x1FFFFFF0, s28  }
0x15c: {  	[tilespmem:s20], [sflag:$0x1] =	stream.linear.gather [hbm4b:s23+s2], $0x80, $0x38;
	[tilespmem:$0x10200] =	vst v63  }
0x15d: {  	s22 =	sshll.u32 s22, $0x4;
	s23 =	sadd.s32 s4, s28;
	s20 =	sld [smem:s17+$0xFFFFFFFB]  }
0x15e: {  	[tilespmem:s19], [sflag:$0x1] =	stream.linear.gather [hbm4b:s24+s2], $0x80, $0x38;
	[tilespmem:$0x10200] =	vst v63  }
0x15f: {  	s22 =	sand.u32 $0x1FFFFFF0, s22;
	s24 =	sadd.s32 $0x900, s15;
	s19 =	sld [smem:s17+$0xFFFFFFF8]  }
0x160: {  	[tilespmem:s18], [sflag:$0x1] =	stream.linear.gather [hbm4b:s23+s2], $0x80, $0x38;
	[tilespmem:$0x10200] =	vst v63  }
0x161: {  	s22 =	sadd.s32 s4, s22;
	s23 =	sadd.s32 $0x980, s15;
	s18 =	sld [smem:s17+$0xFFFFFFFE]  }
0x162: {  	[tilespmem:s24], [sflag:$0x1] =	stream.linear.gather [hbm4b:s22+s2], $0x80, $0x38;
	[tilespmem:$0x10200] =	vst v63  }
0x163: {  	s21 =	sshll.u32 s21, $0x4;
	s15 =	sshra.s32 s25, $0x2;
	s22 =	sld [smem:s17+$0xFFFFFFFD]  }
0x164: {  	s21 =	sand.u32 $0x1FFFFFF0, s21;
	s19 =	sshll.u32 s19, $0x4;
	s18 =	sshll.u32 s18, $0x4  }
0x165: {  	s19 =	sand.u32 $0x1FFFFFF0, s19;
	s24 =	sand.u32 $0x1FFFFFF0, s18;
	s18 =	sadd.s32 s4, s21  }
0x166: {  	[tilespmem:s23], [sflag:$0x1] =	stream.linear.gather [hbm4b:s18+s2], $0x80, $0x38;
	[tilespmem:$0x10200] =	vst v63  }
0x167: {  	s19 =	sadd.s32 s4, s19;
	s21 =	sshll.u32 s26, $0x4;
	s18 =	sadd.s32 $0x200, s15  }
0x168: {  	s20 =	sshll.u32 s20, $0x4;
	s21 =	sand.u32 $0x1FFFFFF0, s21;
	s23 =	sld [smem:s17+$0xFFFFFFFC]  }
0x169: {  	s25 =	sadd.s32 $0x280, s15;
	s26 =	sshll.u32 s29, $0x4;
	s21 =	sadd.s32 s4, s21  }
0x16a: {  	[tilespmem:s18], [sflag:$0x1] =	stream.linear.gather [hbm4b:s19+s2], $0x80, $0x38;
	[tilespmem:$0x10200] =	vst v63  }
0x16b: {  	s20 =	sand.u32 $0x1FFFFFF0, s20;
	s18 =	sadd.s32 $0x300, s15;
	s19 =	sand.u32 $0x1FFFFFF0, s26  }
0x16c: {  	[tilespmem:s25], [sflag:$0x1] =	stream.linear.gather [hbm4b:s21+s2], $0x80, $0x38;
	[tilespmem:$0x10200] =	vst v63  }
0x16d: {  	s20 =	sadd.s32 s4, s20;
	s19 =	sadd.s32 s4, s19;
	s21 =	sshll.u32 s23, $0x4  }
0x16e: {  	[tilespmem:s18], [sflag:$0x1] =	stream.linear.gather [hbm4b:s19+s2], $0x80, $0x38;
	[tilespmem:$0x10200] =	vst v63  }
0x16f: {  	s18 =	sadd.s32 $0x380, s15;
	s19 =	sand.u32 $0x1FFFFFF0, s21;
	s21 =	sshll.u32 s22, $0x4  }
0x170: {  	s22 =	sadd.s32 $0x400, s15;
	s19 =	sadd.s32 s4, s19;
	s21 =	sand.u32 $0x1FFFFFF0, s21  }
0x171: {  	[tilespmem:s18], [sflag:$0x1] =	stream.linear.gather [hbm4b:s20+s2], $0x80, $0x38;
	[tilespmem:$0x10200] =	vst v63  }
0x172: {  	s21 =	sadd.s32 s4, s21;
	s18 =	sadd.s32 $0x880, s15;
	s20 =	sld [smem:s17+$0xFFFFFFFF]  }
0x173: {  	[tilespmem:s22], [sflag:$0x1] =	stream.linear.gather [hbm4b:s19+s2], $0x80, $0x38;
	[tilespmem:$0x10200] =	vst v63  }
0x174: {  	s23 =	sadd.s32 s4, s24;
	s22 =	sadd.s32 $0x480, s15;
	s19 =	sadd.s32 $0x800, s15  }
0x175: {  	s24 =	sshll.u32 s20, $0x4;
	s25 =	sld [smem:s17+$0x0];
	s20 =	sadd.s32 $0x780, s15  }
0x176: {  	[tilespmem:s22], [sflag:$0x1] =	stream.linear.gather [hbm4b:s21+s2], $0x80, $0x38;
	[tilespmem:$0x10200] =	vst v63  }
0x177: {  	s21 =	sadd.s32 $0x500, s15;
	s22 =	sand.u32 $0x1FFFFFF0, s24  }
0x178: {  	s24 =	sadd.s32 $0x580, s15;
	s22 =	sadd.s32 s4, s22;
	s25 =	sshll.u32 s25, $0x4  }
0x179: {  	s25 =	sand.u32 $0x1FFFFFF0, s25;
	s26 =	sld [smem:s17+$0x1]  }
0x17a: {  	[tilespmem:s21], [sflag:$0x1] =	stream.linear.gather [hbm4b:s23+s2], $0x80, $0x38;
	[tilespmem:$0x10200] =	vst v63  }
0x17b: {  	s21 =	sadd.s32 $0x600, s15;
	s23 =	sadd.s32 s4, s25  }
0x17c: {  	s25 =	sshll.u32 s26, $0x4;
	s26 =	sld [smem:s17+$0x2]  }
0x17d: {  	[tilespmem:s24], [sflag:$0x1] =	stream.linear.gather [hbm4b:s22+s2], $0x80, $0x38;
	[tilespmem:$0x10200] =	vst v63  }
0x17e: {  	s28 =	sadd.s32 $0x680, s15;
	s24 =	sand.u32 $0x1FFFFFF0, s25;
	s22 =	sld [smem:s17+$0x6]  }
0x17f: {  	s29 =	sadd.s32 s4, s24;
	s24 =	sshll.u32 s26, $0x4;
	s30 =	sld [smem:s17+$0x3]  }
0x180: {  	[tilespmem:s21], [sflag:$0x1] =	stream.linear.gather [hbm4b:s23+s2], $0x80, $0x38;
	[tilespmem:$0x10200] =	vst v63  }
.Ltmp3:
0x181: {  	s23 =	sand.u32 $0x1FFFFFF0, s24;
	s21 =	sld [smem:s17+$0x7];
	(pc) =	sbr.rel @p0 .LBB2_8-.Ltmp3, $4  }
0x182: {  	s25 =	sadd.s32 $0x700, s15;
	s26 =	sadd.s32 s4, s23;
	s23 =	sshll.u32 s30, $0x4  }
0x183: {  	s23 =	sand.u32 $0x1FFFFFF0, s23;
	s24 =	sld [smem:s17+$0x4]  }
0x184: {  	[tilespmem:s28], [sflag:$0x1] =	stream.linear.gather [hbm4b:s29+s2], $0x80, $0x38;
	[tilespmem:$0x10200] =	vst v63  }
0x185: {  	s23 =	sadd.s32 s4, s23;
	s28 =	sld [smem:s17+$0x5];
	s17 =	sadd.s32 $0x10, s17  }
0x186: {  	[tilespmem:s25], [sflag:$0x1] =	stream.linear.gather [hbm4b:s26+s2], $0x80, $0x38;
	[tilespmem:$0x10200] =	vst v63  }
0x187: {  	s16 =	sshll.u32 s24, $0x4  }
0x188: {  	s16 =	sand.u32 $0x1FFFFFF0, s16;
	s17 =	sshll.u32 s28, $0x4  }
0x189: {  	[tilespmem:s20], [sflag:$0x1] =	stream.linear.gather [hbm4b:s23+s2], $0x80, $0x38;
	[tilespmem:$0x10200] =	vst v63  }
0x18a: {  	s25 =	sshll.u32 s22, $0x4;
	s16 =	sadd.s32 s4, s16;
	s17 =	sand.u32 $0x1FFFFFF0, s17  }
0x18b: {  	[tilespmem:s19], [sflag:$0x1] =	stream.linear.gather [hbm4b:s16+s2], $0x80, $0x38;
	[tilespmem:$0x10200] =	vst v63  }
0x18c: {  	s30 =	sshll.u32 s21, $0x4;
	s28 =	sand.u32 $0x1FFFFFF0, s25;
	s26 =	sadd.s32 s4, s17  }
0x18d: {  	[tilespmem:s18], [sflag:$0x1] =	stream.linear.gather [hbm4b:s26+s2], $0x80, $0x38;
	[tilespmem:$0x10200] =	vst v63  }
0x18e: {  	s29 =	sadd.s32 $0x900, s15;
	s17 =	sadd.s32 s4, s28;
	s16 =	sand.u32 $0x1FFFFFF0, s30  }
0x18f: {  	[tilespmem:s29], [sflag:$0x1] =	stream.linear.gather [hbm4b:s17+s2], $0x80, $0x38;
	[tilespmem:$0x10200] =	vst v63  }
0x190: {  	s31 =	sadd.s32 $0x980, s15;
	s16 =	sadd.s32 s4, s16  }
0x191: {  	[tilespmem:s31], [sflag:$0x1] =	stream.linear.gather [hbm4b:s16+s2], $0x80, $0x38;
	[tilespmem:$0x10200] =	vst v63  }
0x192: {  	_ =	swait.ge [sflag:s12], $0x80  }
0x193: {  	[sflag:s12] =	ssyncset.done $0x0  }
0x194: {  	[sflag:s12] =	ssyncadd.s32 $0xFFFFFF80  }
0x195: {  	_ =	swait.ge [sflag:s12], $0x80  }
0x196: {  	[sflag:s12] =	ssyncset.done $0x0  }
0x197: {  	[sflag:s12] =	ssyncadd.s32 $0xFFFFFF80  }
0x198: {  	_ =	swait.ge [sflag:s12], $0x80  }
0x199: {  	[sflag:s12] =	ssyncset.done $0x0  }
0x19a: {  	[sflag:s12] =	ssyncadd.s32 $0xFFFFFF80  }
0x19b: {  	_ =	swait.ge [sflag:s12], $0x80  }
0x19c: {  	[sflag:s12] =	ssyncset.done $0x0  }
0x19d: {  	[sflag:s12] =	ssyncadd.s32 $0xFFFFFF80  }
0x19e: {  	_ =	swait.ge [sflag:s12], $0x80  }
0x19f: {  	[sflag:s12] =	ssyncset.done $0x0  }
0x1a0: {  	[sflag:s12] =	ssyncadd.s32 $0xFFFFFF80  }
0x1a1: {  	_ =	swait.ge [sflag:s12], $0x80  }
0x1a2: {  	[sflag:s12] =	ssyncset.done $0x0  }
0x1a3: {  	[sflag:s12] =	ssyncadd.s32 $0xFFFFFF80  }
0x1a4: {  	_ =	swait.ge [sflag:s12], $0x80  }
0x1a5: {  	[sflag:s12] =	ssyncset.done $0x0  }
0x1a6: {  	[sflag:s12] =	ssyncadd.s32 $0xFFFFFF80  }
0x1a7: {  	_ =	swait.ge [sflag:s12], $0x80  }
0x1a8: {  	[sflag:s12] =	ssyncset.done $0x0  }
0x1a9: {  	[sflag:s12] =	ssyncadd.s32 $0xFFFFFF80  }
0x1aa: {  	_ =	swait.ge [sflag:s12], $0x80  }
0x1ab: {  	[sflag:s12] =	ssyncset.done $0x0  }
0x1ac: {  	[sflag:s12] =	ssyncadd.s32 $0xFFFFFF80  }
0x1ad: {  	_ =	swait.ge [sflag:s12], $0x80  }
0x1ae: {  	[sflag:s12] =	ssyncset.done $0x0  }
0x1af: {  	[sflag:s12] =	ssyncadd.s32 $0xFFFFFF80  }
0x1b0: {  	_ =	swait.ge [sflag:s12], $0x80  }
0x1b1: {  	[sflag:s12] =	ssyncset.done $0x0  }
0x1b2: {  	[sflag:s12] =	ssyncadd.s32 $0xFFFFFF80  }
0x1b3: {  	_ =	swait.ge [sflag:s12], $0x80  }
0x1b4: {  	[sflag:s12] =	ssyncset.done $0x0  }
0x1b5: {  	[sflag:s12] =	ssyncadd.s32 $0xFFFFFF80  }
0x1b6: {  	_ =	swait.ge [sflag:s12], $0x80  }
0x1b7: {  	[sflag:s12] =	ssyncset.done $0x0  }
0x1b8: {  	[sflag:s12] =	ssyncadd.s32 $0xFFFFFF80  }
0x1b9: {  	_ =	swait.ge [sflag:s12], $0x80  }
0x1ba: {  	[sflag:s12] =	ssyncset.done $0x0  }
0x1bb: {  	[sflag:s12] =	ssyncadd.s32 $0xFFFFFF80  }
0x1bc: {  	_ =	swait.ge [sflag:s12], $0x80  }
0x1bd: {  	[sflag:s12] =	ssyncset.done $0x0  }
0x1be: {  	[sflag:s12] =	ssyncadd.s32 $0xFFFFFF80  }
0x1bf: {  	_ =	swait.ge [sflag:s12], $0x80  }
0x1c0: {  	s15 =	simm.s32 $0x1F;
	[sflag:s12] =	ssyncset.done $0x0  }
.LBB2_10:
0x1c1: {  	p0 =	sne.s32 s15, $0x1;
	s15 =	sadd.s32 $0xFFFFFFFF, s15;
	[sflag:s12] =	ssyncadd.s32 $0xFFFFFF80  }
0x1c2: {  	_ =	swait.ge [sflag:s12], $0x80  }
0x1c3: {  	[sflag:s12] =	ssyncset.done $0x0  }
0x1c4: {  	[sflag:s12] =	ssyncadd.s32 $0xFFFFFF80  }
0x1c5: {  	_ =	swait.ge [sflag:s12], $0x80  }
0x1c6: {  	[sflag:s12] =	ssyncset.done $0x0  }
0x1c7: {  	[sflag:s12] =	ssyncadd.s32 $0xFFFFFF80  }
0x1c8: {  	_ =	swait.ge [sflag:s12], $0x80  }
0x1c9: {  	[sflag:s12] =	ssyncset.done $0x0  }
0x1ca: {  	[sflag:s12] =	ssyncadd.s32 $0xFFFFFF80  }
0x1cb: {  	_ =	swait.ge [sflag:s12], $0x80  }
0x1cc: {  	[sflag:s12] =	ssyncset.done $0x0  }
0x1cd: {  	[sflag:s12] =	ssyncadd.s32 $0xFFFFFF80  }
0x1ce: {  	_ =	swait.ge [sflag:s12], $0x80  }
0x1cf: {  	[sflag:s12] =	ssyncset.done $0x0  }
0x1d0: {  	[sflag:s12] =	ssyncadd.s32 $0xFFFFFF80  }
0x1d1: {  	_ =	swait.ge [sflag:s12], $0x80  }
0x1d2: {  	[sflag:s12] =	ssyncset.done $0x0  }
0x1d3: {  	[sflag:s12] =	ssyncadd.s32 $0xFFFFFF80  }
0x1d4: {  	_ =	swait.ge [sflag:s12], $0x80  }
0x1d5: {  	[sflag:s12] =	ssyncset.done $0x0  }
0x1d6: {  	[sflag:s12] =	ssyncadd.s32 $0xFFFFFF80  }
0x1d7: {  	_ =	swait.ge [sflag:s12], $0x80  }
0x1d8: {  	[sflag:s12] =	ssyncset.done $0x0  }
0x1d9: {  	[sflag:s12] =	ssyncadd.s32 $0xFFFFFF80  }
0x1da: {  	_ =	swait.ge [sflag:s12], $0x80  }
0x1db: {  	[sflag:s12] =	ssyncset.done $0x0  }
0x1dc: {  	[sflag:s12] =	ssyncadd.s32 $0xFFFFFF80  }
0x1dd: {  	_ =	swait.ge [sflag:s12], $0x80  }
0x1de: {  	[sflag:s12] =	ssyncset.done $0x0  }
0x1df: {  	[sflag:s12] =	ssyncadd.s32 $0xFFFFFF80  }
0x1e0: {  	_ =	swait.ge [sflag:s12], $0x80  }
0x1e1: {  	[sflag:s12] =	ssyncset.done $0x0  }
0x1e2: {  	[sflag:s12] =	ssyncadd.s32 $0xFFFFFF80  }
0x1e3: {  	_ =	swait.ge [sflag:s12], $0x80  }
0x1e4: {  	[sflag:s12] =	ssyncset.done $0x0  }
0x1e5: {  	[sflag:s12] =	ssyncadd.s32 $0xFFFFFF80  }
0x1e6: {  	_ =	swait.ge [sflag:s12], $0x80  }
0x1e7: {  	[sflag:s12] =	ssyncset.done $0x0  }
0x1e8: {  	[sflag:s12] =	ssyncadd.s32 $0xFFFFFF80  }
0x1e9: {  	_ =	swait.ge [sflag:s12], $0x80  }
0x1ea: {  	[sflag:s12] =	ssyncset.done $0x0  }
0x1eb: {  	[sflag:s12] =	ssyncadd.s32 $0xFFFFFF80  }
.Ltmp4:
0x1ec: {  	_ =	swait.ge [sflag:s12], $0x80;
	(pc) =	sbr.rel @p0 .LBB2_10-.Ltmp4, $4  }
0x1ed: {  	[sflag:s12] =	ssyncset.done $0x0  }
0x1ee: {  	[sflag:s12] =	ssyncadd.s32 $0xFFFFFF80  }
0x1ef: {  	_ =	swait.ge [sflag:s12], $0x80  }
0x1f0: {  	[sflag:s12] =	ssyncset.done $0x0  }
0x1f1: {  	[sflag:s12] =	ssyncadd.s32 $0xFFFFFF80;
	s15 =	simm.s32 $0x0  }
0x1f2: {  	[hbm4b:s8+s15] =	stream.linear.scatter [tilespmem:s13], [sflag:$0x2], $0x10000, $0x38;
	[tilespmem:$0x10200] =	vst v63  }
0x1f3: {  	_ =	swait.ge [sflag:s11], $0x10000  }
0x1f4: {  	[sflag:s11] =	ssyncset.done $0x0  }
0x1f5: {  	[sflag:s11] =	ssyncadd.s32 $0xFFFF0000  }
0x1f6: {  	s17 =	sld [smem:$0x1]  }
0x1f7: {  	s16 =	simm.s32 $0x2000;
	s18 =	sld [smem:$0x2]  }
0x1f8: {  	s23 =	simm.s32 $0x200;
	s25 =	simm.s32 $0x280;
	s19 =	sld [smem:$0x3]  }
0x1f9: {  	s31 =	simm.s32 $0x300;
	s29 =	simm.s32 $0x400;
	s20 =	sld [smem:$0x0]  }
0x1fa: {  	s15 =	simm.s32 $0x0;
	s17 =	sshll.u32 s17, $0x4;
	s21 =	sld [smem:$0x6]  }
0x1fb: {  	s17 =	sand.u32 $0x1FFFFFF0, s17;
	s18 =	sshll.u32 s18, $0x4;
	s22 =	sld [smem:$0x5]  }
0x1fc: {  	s19 =	sshll.u32 s19, $0x4;
	s17 =	sadd.s32 s5, s17;
	s20 =	sshll.u32 s20, $0x4  }
0x1fd: {  	s18 =	sand.u32 $0x1FFFFFF0, s18;
	s24 =	sld [smem:$0x4];
	s20 =	sand.u32 $0x1FFFFFF0, s20  }
0x1fe: {  	s19 =	sand.u32 $0x1FFFFFF0, s19;
	s21 =	sshll.u32 s21, $0x4;
	s20 =	sadd.s32 s5, s20  }
0x1ff: {  	[tilespmem:s23], [sflag:$0x1] =	stream.linear.gather [hbm4b:s20+s2], $0x80, $0x38;
	[tilespmem:$0x10200] =	vst v63  }
0x200: {  	s18 =	sadd.s32 s5, s18;
	s21 =	sand.u32 $0x1FFFFFF0, s21;
	s26 =	sshll.u32 s22, $0x4  }
0x201: {  	[tilespmem:s25], [sflag:$0x1] =	stream.linear.gather [hbm4b:s17+s2], $0x80, $0x38;
	[tilespmem:$0x10200] =	vst v63  }
0x202: {  	s23 =	sadd.s32 s5, s19;
	s24 =	sshll.u32 s24, $0x4;
	s20 =	sand.u32 $0x1FFFFFF0, s26  }
0x203: {  	[tilespmem:s31], [sflag:$0x1] =	stream.linear.gather [hbm4b:s18+s2], $0x80, $0x38;
	[tilespmem:$0x10200] =	vst v63  }
0x204: {  	s21 =	sadd.s32 s5, s21;
	s19 =	sand.u32 $0x1FFFFFF0, s24;
	s25 =	simm.s32 $0x380  }
0x205: {  	[tilespmem:s25], [sflag:$0x1] =	stream.linear.gather [hbm4b:s23+s2], $0x80, $0x38;
	[tilespmem:$0x10200] =	vst v63  }
0x206: {  	s26 =	simm.s32 $0x500;
	s19 =	sadd.s32 s5, s19;
	s31 =	sld [smem:$0x7]  }
0x207: {  	[tilespmem:s29], [sflag:$0x1] =	stream.linear.gather [hbm4b:s19+s2], $0x80, $0x38;
	[tilespmem:$0x10200] =	vst v63  }
0x208: {  	s30 =	sadd.s32 s5, s20;
	s23 =	simm.s32 $0x480;
	s25 =	sld [smem:$0x8]  }
0x209: {  	[tilespmem:s23], [sflag:$0x1] =	stream.linear.gather [hbm4b:s30+s2], $0x80, $0x38;
	[tilespmem:$0x10200] =	vst v63  }
0x20a: {  	s20 =	simm.s32 $0x780;
	s24 =	sshll.u32 s31, $0x4;
	s31 =	sld [smem:$0x9]  }
0x20b: {  	[tilespmem:s26], [sflag:$0x1] =	stream.linear.gather [hbm4b:s21+s2], $0x80, $0x38;
	[tilespmem:$0x10200] =	vst v63  }
0x20c: {  	s30 =	simm.s32 $0x580;
	s29 =	sand.u32 $0x1FFFFFF0, s24;
	s24 =	sshll.u32 s25, $0x4  }
0x20d: {  	s22 =	sadd.s32 s5, s29;
	s26 =	sand.u32 $0x1FFFFFF0, s24;
	s24 =	sld [smem:$0xA]  }
0x20e: {  	[tilespmem:s30], [sflag:$0x1] =	stream.linear.gather [hbm4b:s22+s2], $0x80, $0x38;
	[tilespmem:$0x10200] =	vst v63  }
0x20f: {  	s18 =	simm.s32 $0x880;
	s29 =	simm.s32 $0x600;
	s22 =	sld [smem:$0xE]  }
0x210: {  	s17 =	sadd.s32 s5, s26;
	s30 =	sshll.u32 s31, $0x4;
	s26 =	sld [smem:$0xB]  }
0x211: {  	[tilespmem:s29], [sflag:$0x1] =	stream.linear.gather [hbm4b:s17+s2], $0x80, $0x38;
	[tilespmem:$0x10200] =	vst v63  }
0x212: {  	s31 =	simm.s32 $0x680;
	s23 =	sand.u32 $0x1FFFFFF0, s30;
	s21 =	sld [smem:$0xF]  }
0x213: {  	s29 =	sadd.s32 s5, s23;
	s30 =	sshll.u32 s24, $0x4;
	s24 =	sld [smem:$0xC]  }
0x214: {  	[tilespmem:s31], [sflag:$0x1] =	stream.linear.gather [hbm4b:s29+s2], $0x80, $0x38;
	[tilespmem:$0x10200] =	vst v63  }
0x215: {  	s19 =	simm.s32 $0x800;
	s25 =	simm.s32 $0x700;
	s28 =	sshll.u32 s26, $0x4  }
0x216: {  	s17 =	simm.s32 $0x18;
	s23 =	sand.u32 $0x1FFFFFF0, s30;
	s31 =	sand.u32 $0x1FFFFFF0, s28  }
0x217: {  	s26 =	sadd.s32 s5, s23;
	s28 =	sld [smem:$0xD];
	s23 =	sadd.s32 s5, s31  }
.LBB2_12:
0x218: {  	[tilespmem:s25], [sflag:$0x1] =	stream.linear.gather [hbm4b:s26+s2], $0x80, $0x38;
	[tilespmem:$0x10200] =	vst v63  }
0x219: {  	s25 =	smov.u32 s16  }
0x21a: {  	p0 =	sne.s32 s16, $0x3E000;
	s16 =	sadd.s32 $0x2000, s16;
	s24 =	sshll.u32 s24, $0x4  }
0x21b: {  	s24 =	sand.u32 $0x1FFFFFF0, s24;
	s26 =	sld [smem:s17+$0xFFFFFFF9];
	s28 =	sshll.u32 s28, $0x4  }
0x21c: {  	s24 =	sadd.s32 s5, s24;
	s29 =	sld [smem:s17+$0xFFFFFFFA];
	s28 =	sand.u32 $0x1FFFFFF0, s28  }
0x21d: {  	[tilespmem:s20], [sflag:$0x1] =	stream.linear.gather [hbm4b:s23+s2], $0x80, $0x38;
	[tilespmem:$0x10200] =	vst v63  }
0x21e: {  	s22 =	sshll.u32 s22, $0x4;
	s23 =	sadd.s32 s5, s28;
	s20 =	sld [smem:s17+$0xFFFFFFFB]  }
0x21f: {  	[tilespmem:s19], [sflag:$0x1] =	stream.linear.gather [hbm4b:s24+s2], $0x80, $0x38;
	[tilespmem:$0x10200] =	vst v63  }
0x220: {  	s22 =	sand.u32 $0x1FFFFFF0, s22;
	s24 =	sadd.s32 $0x900, s15;
	s19 =	sld [smem:s17+$0xFFFFFFF8]  }
0x221: {  	[tilespmem:s18], [sflag:$0x1] =	stream.linear.gather [hbm4b:s23+s2], $0x80, $0x38;
	[tilespmem:$0x10200] =	vst v63  }
0x222: {  	s22 =	sadd.s32 s5, s22;
	s23 =	sadd.s32 $0x980, s15;
	s18 =	sld [smem:s17+$0xFFFFFFFE]  }
0x223: {  	[tilespmem:s24], [sflag:$0x1] =	stream.linear.gather [hbm4b:s22+s2], $0x80, $0x38;
	[tilespmem:$0x10200] =	vst v63  }
0x224: {  	s21 =	sshll.u32 s21, $0x4;
	s15 =	sshra.s32 s25, $0x2;
	s22 =	sld [smem:s17+$0xFFFFFFFD]  }
0x225: {  	s21 =	sand.u32 $0x1FFFFFF0, s21;
	s19 =	sshll.u32 s19, $0x4;
	s18 =	sshll.u32 s18, $0x4  }
0x226: {  	s19 =	sand.u32 $0x1FFFFFF0, s19;
	s24 =	sand.u32 $0x1FFFFFF0, s18;
	s18 =	sadd.s32 s5, s21  }
0x227: {  	[tilespmem:s23], [sflag:$0x1] =	stream.linear.gather [hbm4b:s18+s2], $0x80, $0x38;
	[tilespmem:$0x10200] =	vst v63  }
0x228: {  	s19 =	sadd.s32 s5, s19;
	s21 =	sshll.u32 s26, $0x4;
	s18 =	sadd.s32 $0x200, s15  }
0x229: {  	s20 =	sshll.u32 s20, $0x4;
	s21 =	sand.u32 $0x1FFFFFF0, s21;
	s23 =	sld [smem:s17+$0xFFFFFFFC]  }
0x22a: {  	s25 =	sadd.s32 $0x280, s15;
	s26 =	sshll.u32 s29, $0x4;
	s21 =	sadd.s32 s5, s21  }
0x22b: {  	[tilespmem:s18], [sflag:$0x1] =	stream.linear.gather [hbm4b:s19+s2], $0x80, $0x38;
	[tilespmem:$0x10200] =	vst v63  }
0x22c: {  	s20 =	sand.u32 $0x1FFFFFF0, s20;
	s18 =	sadd.s32 $0x300, s15;
	s19 =	sand.u32 $0x1FFFFFF0, s26  }
0x22d: {  	[tilespmem:s25], [sflag:$0x1] =	stream.linear.gather [hbm4b:s21+s2], $0x80, $0x38;
	[tilespmem:$0x10200] =	vst v63  }
0x22e: {  	s20 =	sadd.s32 s5, s20;
	s19 =	sadd.s32 s5, s19;
	s21 =	sshll.u32 s23, $0x4  }
0x22f: {  	[tilespmem:s18], [sflag:$0x1] =	stream.linear.gather [hbm4b:s19+s2], $0x80, $0x38;
	[tilespmem:$0x10200] =	vst v63  }
0x230: {  	s18 =	sadd.s32 $0x380, s15;
	s19 =	sand.u32 $0x1FFFFFF0, s21;
	s21 =	sshll.u32 s22, $0x4  }
0x231: {  	s22 =	sadd.s32 $0x400, s15;
	s19 =	sadd.s32 s5, s19;
	s21 =	sand.u32 $0x1FFFFFF0, s21  }
0x232: {  	[tilespmem:s18], [sflag:$0x1] =	stream.linear.gather [hbm4b:s20+s2], $0x80, $0x38;
	[tilespmem:$0x10200] =	vst v63  }
0x233: {  	s21 =	sadd.s32 s5, s21;
	s18 =	sadd.s32 $0x880, s15;
	s20 =	sld [smem:s17+$0xFFFFFFFF]  }
0x234: {  	[tilespmem:s22], [sflag:$0x1] =	stream.linear.gather [hbm4b:s19+s2], $0x80, $0x38;
	[tilespmem:$0x10200] =	vst v63  }
0x235: {  	s23 =	sadd.s32 s5, s24;
	s22 =	sadd.s32 $0x480, s15;
	s19 =	sadd.s32 $0x800, s15  }
0x236: {  	s24 =	sshll.u32 s20, $0x4;
	s25 =	sld [smem:s17+$0x0];
	s20 =	sadd.s32 $0x780, s15  }
0x237: {  	[tilespmem:s22], [sflag:$0x1] =	stream.linear.gather [hbm4b:s21+s2], $0x80, $0x38;
	[tilespmem:$0x10200] =	vst v63  }
0x238: {  	s21 =	sadd.s32 $0x500, s15;
	s22 =	sand.u32 $0x1FFFFFF0, s24  }
0x239: {  	s24 =	sadd.s32 $0x580, s15;
	s22 =	sadd.s32 s5, s22;
	s25 =	sshll.u32 s25, $0x4  }
0x23a: {  	s25 =	sand.u32 $0x1FFFFFF0, s25;
	s26 =	sld [smem:s17+$0x1]  }
0x23b: {  	[tilespmem:s21], [sflag:$0x1] =	stream.linear.gather [hbm4b:s23+s2], $0x80, $0x38;
	[tilespmem:$0x10200] =	vst v63  }
0x23c: {  	s21 =	sadd.s32 $0x600, s15;
	s23 =	sadd.s32 s5, s25  }
0x23d: {  	s25 =	sshll.u32 s26, $0x4;
	s26 =	sld [smem:s17+$0x2]  }
0x23e: {  	[tilespmem:s24], [sflag:$0x1] =	stream.linear.gather [hbm4b:s22+s2], $0x80, $0x38;
	[tilespmem:$0x10200] =	vst v63  }
0x23f: {  	s28 =	sadd.s32 $0x680, s15;
	s24 =	sand.u32 $0x1FFFFFF0, s25;
	s22 =	sld [smem:s17+$0x6]  }
0x240: {  	s29 =	sadd.s32 s5, s24;
	s24 =	sshll.u32 s26, $0x4;
	s30 =	sld [smem:s17+$0x3]  }
0x241: {  	[tilespmem:s21], [sflag:$0x1] =	stream.linear.gather [hbm4b:s23+s2], $0x80, $0x38;
	[tilespmem:$0x10200] =	vst v63  }
.Ltmp5:
0x242: {  	s23 =	sand.u32 $0x1FFFFFF0, s24;
	s21 =	sld [smem:s17+$0x7];
	(pc) =	sbr.rel @p0 .LBB2_12-.Ltmp5, $4  }
0x243: {  	s25 =	sadd.s32 $0x700, s15;
	s26 =	sadd.s32 s5, s23;
	s23 =	sshll.u32 s30, $0x4  }
0x244: {  	s23 =	sand.u32 $0x1FFFFFF0, s23;
	s24 =	sld [smem:s17+$0x4]  }
0x245: {  	[tilespmem:s28], [sflag:$0x1] =	stream.linear.gather [hbm4b:s29+s2], $0x80, $0x38;
	[tilespmem:$0x10200] =	vst v63  }
0x246: {  	s23 =	sadd.s32 s5, s23;
	s28 =	sld [smem:s17+$0x5];
	s17 =	sadd.s32 $0x10, s17  }
0x247: {  	[tilespmem:s25], [sflag:$0x1] =	stream.linear.gather [hbm4b:s26+s2], $0x80, $0x38;
	[tilespmem:$0x10200] =	vst v63  }
0x248: {  	s16 =	sshll.u32 s24, $0x4  }
0x249: {  	s16 =	sand.u32 $0x1FFFFFF0, s16;
	s17 =	sshll.u32 s28, $0x4  }
0x24a: {  	[tilespmem:s20], [sflag:$0x1] =	stream.linear.gather [hbm4b:s23+s2], $0x80, $0x38;
	[tilespmem:$0x10200] =	vst v63  }
0x24b: {  	s25 =	sshll.u32 s22, $0x4;
	s16 =	sadd.s32 s5, s16;
	s17 =	sand.u32 $0x1FFFFFF0, s17  }
0x24c: {  	[tilespmem:s19], [sflag:$0x1] =	stream.linear.gather [hbm4b:s16+s2], $0x80, $0x38;
	[tilespmem:$0x10200] =	vst v63  }
0x24d: {  	s30 =	sshll.u32 s21, $0x4;
	s28 =	sand.u32 $0x1FFFFFF0, s25;
	s26 =	sadd.s32 s5, s17  }
0x24e: {  	[tilespmem:s18], [sflag:$0x1] =	stream.linear.gather [hbm4b:s26+s2], $0x80, $0x38;
	[tilespmem:$0x10200] =	vst v63  }
0x24f: {  	s29 =	sadd.s32 $0x900, s15;
	s17 =	sadd.s32 s5, s28;
	s16 =	sand.u32 $0x1FFFFFF0, s30  }
0x250: {  	[tilespmem:s29], [sflag:$0x1] =	stream.linear.gather [hbm4b:s17+s2], $0x80, $0x38;
	[tilespmem:$0x10200] =	vst v63  }
0x251: {  	s31 =	sadd.s32 $0x980, s15;
	s16 =	sadd.s32 s5, s16  }
0x252: {  	[tilespmem:s31], [sflag:$0x1] =	stream.linear.gather [hbm4b:s16+s2], $0x80, $0x38;
	[tilespmem:$0x10200] =	vst v63  }
0x253: {  	_ =	swait.ge [sflag:s12], $0x80  }
0x254: {  	[sflag:s12] =	ssyncset.done $0x0  }
0x255: {  	[sflag:s12] =	ssyncadd.s32 $0xFFFFFF80  }
0x256: {  	_ =	swait.ge [sflag:s12], $0x80  }
0x257: {  	[sflag:s12] =	ssyncset.done $0x0  }
0x258: {  	[sflag:s12] =	ssyncadd.s32 $0xFFFFFF80  }
0x259: {  	_ =	swait.ge [sflag:s12], $0x80  }
0x25a: {  	[sflag:s12] =	ssyncset.done $0x0  }
0x25b: {  	[sflag:s12] =	ssyncadd.s32 $0xFFFFFF80  }
0x25c: {  	_ =	swait.ge [sflag:s12], $0x80  }
0x25d: {  	[sflag:s12] =	ssyncset.done $0x0  }
0x25e: {  	[sflag:s12] =	ssyncadd.s32 $0xFFFFFF80  }
0x25f: {  	_ =	swait.ge [sflag:s12], $0x80  }
0x260: {  	[sflag:s12] =	ssyncset.done $0x0  }
0x261: {  	[sflag:s12] =	ssyncadd.s32 $0xFFFFFF80  }
0x262: {  	_ =	swait.ge [sflag:s12], $0x80  }
0x263: {  	[sflag:s12] =	ssyncset.done $0x0  }
0x264: {  	[sflag:s12] =	ssyncadd.s32 $0xFFFFFF80  }
0x265: {  	_ =	swait.ge [sflag:s12], $0x80  }
0x266: {  	[sflag:s12] =	ssyncset.done $0x0  }
0x267: {  	[sflag:s12] =	ssyncadd.s32 $0xFFFFFF80  }
0x268: {  	_ =	swait.ge [sflag:s12], $0x80  }
0x269: {  	[sflag:s12] =	ssyncset.done $0x0  }
0x26a: {  	[sflag:s12] =	ssyncadd.s32 $0xFFFFFF80  }
0x26b: {  	_ =	swait.ge [sflag:s12], $0x80  }
0x26c: {  	[sflag:s12] =	ssyncset.done $0x0  }
0x26d: {  	[sflag:s12] =	ssyncadd.s32 $0xFFFFFF80  }
0x26e: {  	_ =	swait.ge [sflag:s12], $0x80  }
0x26f: {  	[sflag:s12] =	ssyncset.done $0x0  }
0x270: {  	[sflag:s12] =	ssyncadd.s32 $0xFFFFFF80  }
0x271: {  	_ =	swait.ge [sflag:s12], $0x80  }
0x272: {  	[sflag:s12] =	ssyncset.done $0x0  }
0x273: {  	[sflag:s12] =	ssyncadd.s32 $0xFFFFFF80  }
0x274: {  	_ =	swait.ge [sflag:s12], $0x80  }
0x275: {  	[sflag:s12] =	ssyncset.done $0x0  }
0x276: {  	[sflag:s12] =	ssyncadd.s32 $0xFFFFFF80  }
0x277: {  	_ =	swait.ge [sflag:s12], $0x80  }
0x278: {  	[sflag:s12] =	ssyncset.done $0x0  }
0x279: {  	[sflag:s12] =	ssyncadd.s32 $0xFFFFFF80  }
0x27a: {  	_ =	swait.ge [sflag:s12], $0x80  }
0x27b: {  	[sflag:s12] =	ssyncset.done $0x0  }
0x27c: {  	[sflag:s12] =	ssyncadd.s32 $0xFFFFFF80  }
0x27d: {  	_ =	swait.ge [sflag:s12], $0x80  }
0x27e: {  	[sflag:s12] =	ssyncset.done $0x0  }
0x27f: {  	[sflag:s12] =	ssyncadd.s32 $0xFFFFFF80  }
0x280: {  	_ =	swait.ge [sflag:s12], $0x80  }
0x281: {  	s15 =	simm.s32 $0x1F;
	[sflag:s12] =	ssyncset.done $0x0  }
.LBB2_14:
0x282: {  	p0 =	sne.s32 s15, $0x1;
	s15 =	sadd.s32 $0xFFFFFFFF, s15;
	[sflag:s12] =	ssyncadd.s32 $0xFFFFFF80  }
0x283: {  	_ =	swait.ge [sflag:s12], $0x80  }
0x284: {  	[sflag:s12] =	ssyncset.done $0x0  }
0x285: {  	[sflag:s12] =	ssyncadd.s32 $0xFFFFFF80  }
0x286: {  	_ =	swait.ge [sflag:s12], $0x80  }
0x287: {  	[sflag:s12] =	ssyncset.done $0x0  }
0x288: {  	[sflag:s12] =	ssyncadd.s32 $0xFFFFFF80  }
0x289: {  	_ =	swait.ge [sflag:s12], $0x80  }
0x28a: {  	[sflag:s12] =	ssyncset.done $0x0  }
0x28b: {  	[sflag:s12] =	ssyncadd.s32 $0xFFFFFF80  }
0x28c: {  	_ =	swait.ge [sflag:s12], $0x80  }
0x28d: {  	[sflag:s12] =	ssyncset.done $0x0  }
0x28e: {  	[sflag:s12] =	ssyncadd.s32 $0xFFFFFF80  }
0x28f: {  	_ =	swait.ge [sflag:s12], $0x80  }
0x290: {  	[sflag:s12] =	ssyncset.done $0x0  }
0x291: {  	[sflag:s12] =	ssyncadd.s32 $0xFFFFFF80  }
0x292: {  	_ =	swait.ge [sflag:s12], $0x80  }
0x293: {  	[sflag:s12] =	ssyncset.done $0x0  }
0x294: {  	[sflag:s12] =	ssyncadd.s32 $0xFFFFFF80  }
0x295: {  	_ =	swait.ge [sflag:s12], $0x80  }
0x296: {  	[sflag:s12] =	ssyncset.done $0x0  }
0x297: {  	[sflag:s12] =	ssyncadd.s32 $0xFFFFFF80  }
0x298: {  	_ =	swait.ge [sflag:s12], $0x80  }
0x299: {  	[sflag:s12] =	ssyncset.done $0x0  }
0x29a: {  	[sflag:s12] =	ssyncadd.s32 $0xFFFFFF80  }
0x29b: {  	_ =	swait.ge [sflag:s12], $0x80  }
0x29c: {  	[sflag:s12] =	ssyncset.done $0x0  }
0x29d: {  	[sflag:s12] =	ssyncadd.s32 $0xFFFFFF80  }
0x29e: {  	_ =	swait.ge [sflag:s12], $0x80  }
0x29f: {  	[sflag:s12] =	ssyncset.done $0x0  }
0x2a0: {  	[sflag:s12] =	ssyncadd.s32 $0xFFFFFF80  }
0x2a1: {  	_ =	swait.ge [sflag:s12], $0x80  }
0x2a2: {  	[sflag:s12] =	ssyncset.done $0x0  }
0x2a3: {  	[sflag:s12] =	ssyncadd.s32 $0xFFFFFF80  }
0x2a4: {  	_ =	swait.ge [sflag:s12], $0x80  }
0x2a5: {  	[sflag:s12] =	ssyncset.done $0x0  }
0x2a6: {  	[sflag:s12] =	ssyncadd.s32 $0xFFFFFF80  }
0x2a7: {  	_ =	swait.ge [sflag:s12], $0x80  }
0x2a8: {  	[sflag:s12] =	ssyncset.done $0x0  }
0x2a9: {  	[sflag:s12] =	ssyncadd.s32 $0xFFFFFF80  }
0x2aa: {  	_ =	swait.ge [sflag:s12], $0x80  }
0x2ab: {  	[sflag:s12] =	ssyncset.done $0x0  }
0x2ac: {  	[sflag:s12] =	ssyncadd.s32 $0xFFFFFF80  }
.Ltmp6:
0x2ad: {  	_ =	swait.ge [sflag:s12], $0x80;
	(pc) =	sbr.rel @p0 .LBB2_14-.Ltmp6, $4  }
0x2ae: {  	[sflag:s12] =	ssyncset.done $0x0  }
0x2af: {  	[sflag:s12] =	ssyncadd.s32 $0xFFFFFF80  }
0x2b0: {  	_ =	swait.ge [sflag:s12], $0x80  }
0x2b1: {  	[sflag:s12] =	ssyncset.done $0x0  }
0x2b2: {  	s14 =	sadd.s32 $0x1, s14  }
0x2b3: {  	p0 =	sne.s32 s14, s10  }
.Ltmp7:
0x2b4: {  	[sflag:s12] =	ssyncadd.s32 $0xFFFFFF80;
	(pc) =	sbr.rel @p0 .LBB2_1-.Ltmp7, $4  }
0x2b5: {  	[hbm4b:s9+s2] =	stream.linear.scatter [tilespmem:s13], [sflag:$0x2], $0x10000, $0x38;
	[tilespmem:$0x10200] =	vst v63  }
0x2b6: {  	_ =	swait.ge [sflag:s11], $0x10000  }
0x2b7: {  	[sflag:s11] =	ssyncset.done $0x0  }
0x2b8: {  	[sflag:s11] =	ssyncadd.s32 $0xFFFF0000  }
0x2b9: {  	_ =	sfence.sel $0x180000  }
0x2ba: {  	[bflag:$0x0] =	sbarrier.arrive $0xFFFF  }
0x2bb: {  	p0 =	sne.s32 s1, $0x0;
	_ =	strace $0x90000047  }
0x2bc: {  	s0 =	sadd.s32 @!p0 $0x100000, s0;
	[bflag:$0x2] =	sbarrier.arrive $0xFFFF  }
0x2bd: {  	[sflag:s0] =	ssyncadd.tile.s32 @!p0 $0x1;
	_ =	shalt  }
.Lfunc_end2:
_tile_overlayer_lowered:
.L_overlay_start_2:
0x2be: {  	(tag) =	ssettag $0x2  }
0x2bf: {  	s0 =	rddreg [dreg:$0x0];
	s2 =	stileid.u32  }
0x2c0: {  	s1 =	rddreg [dreg:$0x1];
	p0 =	sne.s32 s2, $0x0  }
0x2c1: {  	s3 =	rddreg [dreg:$0x2];
	[bflag:$0x3] =	sbarrier.arrive $0xFFFF;
	s2 =	simm.s32 @!p0 $0x1C02  }
0x2c2: {  	[timem:s3], [sflag:s2] =	dma.local @!p0 [hbm:s0], s1  }
0x2c3: {  	s0 =	simm.s32 @!p0 $0x2  }
0x2c4: {  	_ =	swait.ge @!p0 [sflag:s0], s1  }
0x2c5: {  	s1 =	ssub.s32 @!p0 $0x0, s1;
	[sflag:s0] =	ssyncset.done @!p0 $0x0  }
0x2c6: {  	[sflag:s0] =	ssyncadd.s32 @!p0 s1  }
0x2c7: {  	[bflag:$0x3] =	sbarrier.arrive $0xFFFF  }
0x2c8: {  	_ =	shalt  }

</sc_bundles>
